<compile_context>
chip_gen: v7x
topology: tpu7x:2x2x1
jax: 0.10.2.dev20260603
libtpu: 0.0.44.dev20260713+nightly
codegen_flags: <defaults>
</compile_context>

<pallas_src>
import functools

import jax
import jax.numpy as jnp
from jax import lax
from jax.experimental import pallas as pl
from jax.experimental.pallas import tpu as pltpu
from jax.experimental.pallas import tpu_sc as plsc

B, D = 16384, 128
G, K = 12, 12
NC, NS, L = 2, 16, 16
NW = NC * NS
RPW = B // NW
BLK = L
NBLK = RPW // BLK

_GATHER_DNUMS = lax.GatherDimensionNumbers(
    offset_dims=(), collapsed_slice_dims=(0,), start_index_map=(0,))


def _vperm(vec, perm):
    return lax.gather(vec, perm.reshape(L, 1), _GATHER_DNUMS, (1,),
                      mode=lax.GatherScatterMode.PROMISE_IN_BOUNDS)


_mesh = plsc.VectorSubcoreMesh(
    core_axis_name="c", subcore_axis_name="s", num_cores=NC, num_subcores=NS)


@functools.partial(
    pl.kernel,
    out_type=jax.ShapeDtypeStruct((G, B), jnp.float32),
    mesh=_mesh,
    compiler_params=pltpu.CompilerParams(
        needs_layout_passes=False, use_tc_tiling_on_sc=False,
        disable_bounds_checks=True),
    scratch_types=[
        pltpu.VMEM((RPW * D,), jnp.float32),
        pltpu.VMEM((G * K + L,), jnp.int32),
        pltpu.VMEM((G, RPW), jnp.float32),
    ],
)
def _agg(inp_hbm, idx_hbm, out_hbm, rows_flat, idx_v, out_v):
    wid = lax.axis_index("s") * NC + lax.axis_index("c")
    base = wid * RPW

    pltpu.sync_copy(idx_hbm, idx_v.at[pl.ds(0, G * K)])
    pltpu.sync_copy(inp_hbm.at[pl.ds(base * D, RPW * D)], rows_flat)

    iota = lax.broadcasted_iota(jnp.int32, (L,), 0)
    row_off = iota * D
    rots = [((iota + j) % K).astype(jnp.int32) for j in range(K)]

    for g in range(G):
        idx_row = idx_v[pl.ds(g * K, L)]
        addrs = [row_off + _vperm(idx_row, rots[j]) for j in range(K)]

        @plsc.parallel_loop(0, NBLK)
        def gmax_body(b, addrs=addrs, g=g):
            blk = rows_flat.at[pl.ds(b * (BLK * D), BLK * D)]
            m = plsc.load_gather(blk, [addrs[0]])
            for j in range(1, K):
                m = jnp.maximum(m, plsc.load_gather(blk, [addrs[j]]))
            out_v[g, pl.ds(b * BLK, BLK)] = m

    @plsc.parallel_loop(0, NBLK)
    def smax_body(b):
        maxes = [out_v[g, pl.ds(b * BLK, BLK)] for g in range(G)]
        mx = functools.reduce(jnp.maximum, maxes)
        exps = [jnp.exp(m - mx) for m in maxes]
        inv = 1.0 / functools.reduce(lambda a, c: a + c, exps)
        for g in range(G):
            out_v[g, pl.ds(b * BLK, BLK)] = exps[g] * inv

    pltpu.sync_copy(out_v, out_hbm.at[:, pl.ds(base, RPW)])


def kernel(inputs, subclass_indices):
    return _agg(inputs.reshape(B * D), subclass_indices.reshape(G * K)).T

# --- scband reference (transcript-rebuilt; emitter-appended) ---
"""Pipeline reference for scband-aggregation-layer-82824149336159 (READ-ONLY COPY).

The authoritative reference and input builder live on the scoring server;
editing this copy changes nothing except your own understanding.
"""

import jax, jax.numpy as jnp
import numpy as np


def _build_subclass_indices():
    mapping = {
        0: list(range(0, 10)),
        1: list(range(10, 20)),
        2: list(range(20, 28)),
        3: list(range(28, 40)),
        4: list(range(40, 50)),
        5: list(range(50, 60)),
        6: list(range(60, 70)),
        7: list(range(70, 80)),
        8: list(range(80, 90)),
        9: list(range(90, 100)),
        10: list(range(100, 110)),
        11: list(range(110, 120)),
    }
    max_length = max(len(v) for v in mapping.values())
    rows = []
    for v in mapping.values():
        v = list(v)
        if len(v) < max_length:
            v = v + [v[0]] * (max_length - len(v))
        rows.append(v)
    return jnp.asarray(np.array(rows, dtype=np.int32))


def setup_inputs(seed: int = 0) -> dict:
    key = jax.random.key(seed)
    inputs = jax.random.normal(key, (16384, 128), dtype=jnp.float32)
    subclass_indices = _build_subclass_indices()  # [12, 12] int32
    return {"inputs": inputs, "subclass_indices": subclass_indices}


def reference(inputs, subclass_indices):
    # gather subclass logits per major class: [B, num_major, max_len]
    gathered = jnp.take(inputs, subclass_indices, axis=1)
    # segment-style max reduction over padded subclass groups
    major_class_preds = jnp.max(gathered, axis=2)  # [B, num_major]
    return jax.nn.softmax(major_class_preds, axis=-1)

if __name__ == "__main__":
    import jax
    _d = setup_inputs()
    print(jax.jit(kernel)(*tuple(_d.values())))

</pallas_src>

<mosaic_0001>
#map = affine_map<(d0, d1) -> (0)>
#map1 = affine_map<(d0, d1) -> (0, 0)>
module attributes {stable_mosaic.version = 14 : i64} {
  func.func @_agg(%arg0: i32, %arg1: i32, %arg2: memref<2097152xf32, #tpu.memory_space<hbm>>, %arg3: memref<144xi32, #tpu.memory_space<hbm>>, %arg4: memref<12x16384xf32, #tpu.memory_space<hbm>>, %arg5: memref<65536xf32, #tpu.memory_space<vmem>>, %arg6: memref<160xi32, #tpu.memory_space<vmem>>, %arg7: memref<12x512xf32, #tpu.memory_space<vmem>>) attributes {dimension_semantics = [#tpu.dimension_semantics<core_parallel>, #tpu.dimension_semantics<subcore_parallel>], iteration_bounds = array<i64: 2, 16>, scalar_prefetch = 0 : i64, scratch_operands = 3 : i64, tpu.core_type = #tpu.core_type<sc_vector_subcore>, window_params = [{transform_indices = #map}, {transform_indices = #map}, {transform_indices = #map1}]} {
    %mul3A = arith.constant 2 : i32
    %mul3A_0 = arith.muli %arg1, %mul3A : i32
    %add3A = arith.addi %mul3A_0, %arg0 : i32
    %mul3A_1 = arith.constant 512 : i32
    %mul3A_2 = arith.muli %add3A, %mul3A_1 : i32
    "tpu.region"() ({
      %run_scoped3A = tpu.sem_alloc : memref<!tpu.dma_semaphore, #tpu.memory_space<semaphore_mem>>
      %dma_start3A = arith.constant 0 : i32
      %dma_start3A_936 = tpu.memref_slice %arg6[%dma_start3A] : memref<160xi32, #tpu.memory_space<vmem>> -> memref<144xi32, #tpu.memory_space<vmem>>
      %dma_start3A_937 = arith.constant 0 : i32
      %dma_start3A_938 = tpu.memref_slice %arg6[%dma_start3A_937] : memref<160xi32, #tpu.memory_space<vmem>> -> memref<144xi32, #tpu.memory_space<vmem>>
      tpu.enqueue_dma source(%arg3 : memref<144xi32, #tpu.memory_space<hbm>>) target(%dma_start3A_938 : memref<144xi32, #tpu.memory_space<vmem>>) target_semaphore(%run_scoped3A : memref<!tpu.dma_semaphore, #tpu.memory_space<semaphore_mem>>)
      %dma_wait3A = arith.constant 0 : i32
      %dma_wait3A_939 = tpu.memref_slice %arg6[%dma_wait3A] : memref<160xi32, #tpu.memory_space<vmem>> -> memref<144xi32, #tpu.memory_space<vmem>>
      %dma_wait3A_940 = arith.constant 0 : i32
      %dma_wait3A_941 = tpu.memref_slice %arg6[%dma_wait3A_940] : memref<160xi32, #tpu.memory_space<vmem>> -> memref<144xi32, #tpu.memory_space<vmem>>
      tpu.wait_dma2 semaphore(%run_scoped3A : memref<!tpu.dma_semaphore, #tpu.memory_space<semaphore_mem>>) src(%arg3 : memref<144xi32, #tpu.memory_space<hbm>>) dst(%dma_wait3A_941 : memref<144xi32, #tpu.memory_space<vmem>>)
      tpu.yield
    }) : () -> ()
    %mul3A_3 = arith.constant 128 : i32
    %mul3A_4 = arith.muli %mul3A_2, %mul3A_3 : i32
    "tpu.region"() ({
      %run_scoped3A = tpu.sem_alloc : memref<!tpu.dma_semaphore, #tpu.memory_space<semaphore_mem>>
      %dma_start3A = tpu.memref_slice %arg2[%mul3A_4] : memref<2097152xf32, #tpu.memory_space<hbm>> -> memref<65536xf32, #tpu.memory_space<hbm>>
      %dma_start3A_936 = tpu.memref_slice %arg2[%mul3A_4] : memref<2097152xf32, #tpu.memory_space<hbm>> -> memref<65536xf32, #tpu.memory_space<hbm>>
      tpu.enqueue_dma source(%dma_start3A_936 : memref<65536xf32, #tpu.memory_space<hbm>>) target(%arg5 : memref<65536xf32, #tpu.memory_space<vmem>>) target_semaphore(%run_scoped3A : memref<!tpu.dma_semaphore, #tpu.memory_space<semaphore_mem>>)
      %dma_wait3A = tpu.memref_slice %arg2[%mul3A_4] : memref<2097152xf32, #tpu.memory_space<hbm>> -> memref<65536xf32, #tpu.memory_space<hbm>>
      %dma_wait3A_937 = tpu.memref_slice %arg2[%mul3A_4] : memref<2097152xf32, #tpu.memory_space<hbm>> -> memref<65536xf32, #tpu.memory_space<hbm>>
      tpu.wait_dma2 semaphore(%run_scoped3A : memref<!tpu.dma_semaphore, #tpu.memory_space<semaphore_mem>>) src(%dma_wait3A_937 : memref<65536xf32, #tpu.memory_space<hbm>>) dst(%arg5 : memref<65536xf32, #tpu.memory_space<vmem>>)
      tpu.yield
    }) : () -> ()
    %iota3A = tpu.iota {dimensions = array<i32: 0>} : vector<16xi32>
    %mul3A_5 = arith.constant 128 : i32
    %mul3A_6 = vector.broadcast %mul3A_5 : i32 to vector<16xi32>
    %mul3A_7 = arith.muli %iota3A, %mul3A_6 : vector<16xi32>
    %add3A_8 = arith.constant 0 : i32
    %add3A_9 = vector.broadcast %add3A_8 : i32 to vector<16xi32>
    %add3A_10 = arith.addi %iota3A, %add3A_9 : vector<16xi32>
    %jit3A = arith.constant 12 : i32
    %eq3A = arith.constant 0 : i32
    %eq3A_11 = arith.cmpi eq, %jit3A, %eq3A : i32
    %jit3A_12 = arith.constant 1 : i32
    %select_n3A = arith.select %eq3A_11, %jit3A_12, %jit3A : i32
    %rem3A = vector.broadcast %select_n3A : i32 to vector<16xi32>
    %rem3A_13 = arith.remsi %add3A_10, %rem3A : vector<16xi32>
    %ne3A = arith.constant 0 : i32
    %ne3A_14 = vector.broadcast %ne3A : i32 to vector<16xi32>
    %ne3A_15 = arith.cmpi ne, %rem3A_13, %ne3A_14 : vector<16xi32>
    %lt3A = arith.constant 0 : i32
    %lt3A_16 = vector.broadcast %lt3A : i32 to vector<16xi32>
    %lt3A_17 = arith.cmpi slt, %rem3A_13, %lt3A_16 : vector<16xi32>
    %lt3A_18 = arith.constant 0 : i32
    %lt3A_19 = arith.cmpi slt, %select_n3A, %lt3A_18 : i32
    %ne3A_20 = vector.broadcast %lt3A_19 : i1 to vector<16xi1>
    %ne3A_21 = vector.broadcast %ne3A_20 : vector<16xi1> to vector<16xi1>
    %ne3A_22 = arith.xori %lt3A_17, %ne3A_21 : vector<16xi1>
    %and3A = arith.andi %ne3A_22, %ne3A_15 : vector<16xi1>
    %add3A_23 = vector.broadcast %select_n3A : i32 to vector<16xi32>
    %add3A_24 = arith.addi %rem3A_13, %add3A_23 : vector<16xi32>
    %select_n3A_25 = arith.select %and3A, %add3A_24, %rem3A_13 : vector<16xi1>, vector<16xi32>
    %add3A_26 = arith.constant 1 : i32
    %add3A_27 = vector.broadcast %add3A_26 : i32 to vector<16xi32>
    %add3A_28 = arith.addi %iota3A, %add3A_27 : vector<16xi32>
    %jit3A_29 = arith.constant 12 : i32
    %eq3A_30 = arith.constant 0 : i32
    %eq3A_31 = arith.cmpi eq, %jit3A_29, %eq3A_30 : i32
    %jit3A_32 = arith.constant 1 : i32
    %select_n3A_33 = arith.select %eq3A_31, %jit3A_32, %jit3A_29 : i32
    %rem3A_34 = vector.broadcast %select_n3A_33 : i32 to vector<16xi32>
    %rem3A_35 = arith.remsi %add3A_28, %rem3A_34 : vector<16xi32>
    %ne3A_36 = arith.constant 0 : i32
    %ne3A_37 = vector.broadcast %ne3A_36 : i32 to vector<16xi32>
    %ne3A_38 = arith.cmpi ne, %rem3A_35, %ne3A_37 : vector<16xi32>
    %lt3A_39 = arith.constant 0 : i32
    %lt3A_40 = vector.broadcast %lt3A_39 : i32 to vector<16xi32>
    %lt3A_41 = arith.cmpi slt, %rem3A_35, %lt3A_40 : vector<16xi32>
    %lt3A_42 = arith.constant 0 : i32
    %lt3A_43 = arith.cmpi slt, %select_n3A_33, %lt3A_42 : i32
    %ne3A_44 = vector.broadcast %lt3A_43 : i1 to vector<16xi1>
    %ne3A_45 = vector.broadcast %ne3A_44 : vector<16xi1> to vector<16xi1>
    %ne3A_46 = arith.xori %lt3A_41, %ne3A_45 : vector<16xi1>
    %and3A_47 = arith.andi %ne3A_46, %ne3A_38 : vector<16xi1>
    %add3A_48 = vector.broadcast %select_n3A_33 : i32 to vector<16xi32>
    %add3A_49 = arith.addi %rem3A_35, %add3A_48 : vector<16xi32>
    %select_n3A_50 = arith.select %and3A_47, %add3A_49, %rem3A_35 : vector<16xi1>, vector<16xi32>
    %add3A_51 = arith.constant 2 : i32
    %add3A_52 = vector.broadcast %add3A_51 : i32 to vector<16xi32>
    %add3A_53 = arith.addi %iota3A, %add3A_52 : vector<16xi32>
    %jit3A_54 = arith.constant 12 : i32
    %eq3A_55 = arith.constant 0 : i32
    %eq3A_56 = arith.cmpi eq, %jit3A_54, %eq3A_55 : i32
    %jit3A_57 = arith.constant 1 : i32
    %select_n3A_58 = arith.select %eq3A_56, %jit3A_57, %jit3A_54 : i32
    %rem3A_59 = vector.broadcast %select_n3A_58 : i32 to vector<16xi32>
    %rem3A_60 = arith.remsi %add3A_53, %rem3A_59 : vector<16xi32>
    %ne3A_61 = arith.constant 0 : i32
    %ne3A_62 = vector.broadcast %ne3A_61 : i32 to vector<16xi32>
    %ne3A_63 = arith.cmpi ne, %rem3A_60, %ne3A_62 : vector<16xi32>
    %lt3A_64 = arith.constant 0 : i32
    %lt3A_65 = vector.broadcast %lt3A_64 : i32 to vector<16xi32>
    %lt3A_66 = arith.cmpi slt, %rem3A_60, %lt3A_65 : vector<16xi32>
    %lt3A_67 = arith.constant 0 : i32
    %lt3A_68 = arith.cmpi slt, %select_n3A_58, %lt3A_67 : i32
    %ne3A_69 = vector.broadcast %lt3A_68 : i1 to vector<16xi1>
    %ne3A_70 = vector.broadcast %ne3A_69 : vector<16xi1> to vector<16xi1>
    %ne3A_71 = arith.xori %lt3A_66, %ne3A_70 : vector<16xi1>
    %and3A_72 = arith.andi %ne3A_71, %ne3A_63 : vector<16xi1>
    %add3A_73 = vector.broadcast %select_n3A_58 : i32 to vector<16xi32>
    %add3A_74 = arith.addi %rem3A_60, %add3A_73 : vector<16xi32>
    %select_n3A_75 = arith.select %and3A_72, %add3A_74, %rem3A_60 : vector<16xi1>, vector<16xi32>
    %add3A_76 = arith.constant 3 : i32
    %add3A_77 = vector.broadcast %add3A_76 : i32 to vector<16xi32>
    %add3A_78 = arith.addi %iota3A, %add3A_77 : vector<16xi32>
    %jit3A_79 = arith.constant 12 : i32
    %eq3A_80 = arith.constant 0 : i32
    %eq3A_81 = arith.cmpi eq, %jit3A_79, %eq3A_80 : i32
    %jit3A_82 = arith.constant 1 : i32
    %select_n3A_83 = arith.select %eq3A_81, %jit3A_82, %jit3A_79 : i32
    %rem3A_84 = vector.broadcast %select_n3A_83 : i32 to vector<16xi32>
    %rem3A_85 = arith.remsi %add3A_78, %rem3A_84 : vector<16xi32>
    %ne3A_86 = arith.constant 0 : i32
    %ne3A_87 = vector.broadcast %ne3A_86 : i32 to vector<16xi32>
    %ne3A_88 = arith.cmpi ne, %rem3A_85, %ne3A_87 : vector<16xi32>
    %lt3A_89 = arith.constant 0 : i32
    %lt3A_90 = vector.broadcast %lt3A_89 : i32 to vector<16xi32>
    %lt3A_91 = arith.cmpi slt, %rem3A_85, %lt3A_90 : vector<16xi32>
    %lt3A_92 = arith.constant 0 : i32
    %lt3A_93 = arith.cmpi slt, %select_n3A_83, %lt3A_92 : i32
    %ne3A_94 = vector.broadcast %lt3A_93 : i1 to vector<16xi1>
    %ne3A_95 = vector.broadcast %ne3A_94 : vector<16xi1> to vector<16xi1>
    %ne3A_96 = arith.xori %lt3A_91, %ne3A_95 : vector<16xi1>
    %and3A_97 = arith.andi %ne3A_96, %ne3A_88 : vector<16xi1>
    %add3A_98 = vector.broadcast %select_n3A_83 : i32 to vector<16xi32>
    %add3A_99 = arith.addi %rem3A_85, %add3A_98 : vector<16xi32>
    %select_n3A_100 = arith.select %and3A_97, %add3A_99, %rem3A_85 : vector<16xi1>, vector<16xi32>
    %add3A_101 = arith.constant 4 : i32
    %add3A_102 = vector.broadcast %add3A_101 : i32 to vector<16xi32>
    %add3A_103 = arith.addi %iota3A, %add3A_102 : vector<16xi32>
    %jit3A_104 = arith.constant 12 : i32
    %eq3A_105 = arith.constant 0 : i32
    %eq3A_106 = arith.cmpi eq, %jit3A_104, %eq3A_105 : i32
    %jit3A_107 = arith.constant 1 : i32
    %select_n3A_108 = arith.select %eq3A_106, %jit3A_107, %jit3A_104 : i32
    %rem3A_109 = vector.broadcast %select_n3A_108 : i32 to vector<16xi32>
    %rem3A_110 = arith.remsi %add3A_103, %rem3A_109 : vector<16xi32>
    %ne3A_111 = arith.constant 0 : i32
    %ne3A_112 = vector.broadcast %ne3A_111 : i32 to vector<16xi32>
    %ne3A_113 = arith.cmpi ne, %rem3A_110, %ne3A_112 : vector<16xi32>
    %lt3A_114 = arith.constant 0 : i32
    %lt3A_115 = vector.broadcast %lt3A_114 : i32 to vector<16xi32>
    %lt3A_116 = arith.cmpi slt, %rem3A_110, %lt3A_115 : vector<16xi32>
    %lt3A_117 = arith.constant 0 : i32
    %lt3A_118 = arith.cmpi slt, %select_n3A_108, %lt3A_117 : i32
    %ne3A_119 = vector.broadcast %lt3A_118 : i1 to vector<16xi1>
    %ne3A_120 = vector.broadcast %ne3A_119 : vector<16xi1> to vector<16xi1>
    %ne3A_121 = arith.xori %lt3A_116, %ne3A_120 : vector<16xi1>
    %and3A_122 = arith.andi %ne3A_121, %ne3A_113 : vector<16xi1>
    %add3A_123 = vector.broadcast %select_n3A_108 : i32 to vector<16xi32>
    %add3A_124 = arith.addi %rem3A_110, %add3A_123 : vector<16xi32>
    %select_n3A_125 = arith.select %and3A_122, %add3A_124, %rem3A_110 : vector<16xi1>, vector<16xi32>
    %add3A_126 = arith.constant 5 : i32
    %add3A_127 = vector.broadcast %add3A_126 : i32 to vector<16xi32>
    %add3A_128 = arith.addi %iota3A, %add3A_127 : vector<16xi32>
    %jit3A_129 = arith.constant 12 : i32
    %eq3A_130 = arith.constant 0 : i32
    %eq3A_131 = arith.cmpi eq, %jit3A_129, %eq3A_130 : i32
    %jit3A_132 = arith.constant 1 : i32
    %select_n3A_133 = arith.select %eq3A_131, %jit3A_132, %jit3A_129 : i32
    %rem3A_134 = vector.broadcast %select_n3A_133 : i32 to vector<16xi32>
    %rem3A_135 = arith.remsi %add3A_128, %rem3A_134 : vector<16xi32>
    %ne3A_136 = arith.constant 0 : i32
    %ne3A_137 = vector.broadcast %ne3A_136 : i32 to vector<16xi32>
    %ne3A_138 = arith.cmpi ne, %rem3A_135, %ne3A_137 : vector<16xi32>
    %lt3A_139 = arith.constant 0 : i32
    %lt3A_140 = vector.broadcast %lt3A_139 : i32 to vector<16xi32>
    %lt3A_141 = arith.cmpi slt, %rem3A_135, %lt3A_140 : vector<16xi32>
    %lt3A_142 = arith.constant 0 : i32
    %lt3A_143 = arith.cmpi slt, %select_n3A_133, %lt3A_142 : i32
    %ne3A_144 = vector.broadcast %lt3A_143 : i1 to vector<16xi1>
    %ne3A_145 = vector.broadcast %ne3A_144 : vector<16xi1> to vector<16xi1>
    %ne3A_146 = arith.xori %lt3A_141, %ne3A_145 : vector<16xi1>
    %and3A_147 = arith.andi %ne3A_146, %ne3A_138 : vector<16xi1>
    %add3A_148 = vector.broadcast %select_n3A_133 : i32 to vector<16xi32>
    %add3A_149 = arith.addi %rem3A_135, %add3A_148 : vector<16xi32>
    %select_n3A_150 = arith.select %and3A_147, %add3A_149, %rem3A_135 : vector<16xi1>, vector<16xi32>
    %add3A_151 = arith.constant 6 : i32
    %add3A_152 = vector.broadcast %add3A_151 : i32 to vector<16xi32>
    %add3A_153 = arith.addi %iota3A, %add3A_152 : vector<16xi32>
    %jit3A_154 = arith.constant 12 : i32
    %eq3A_155 = arith.constant 0 : i32
    %eq3A_156 = arith.cmpi eq, %jit3A_154, %eq3A_155 : i32
    %jit3A_157 = arith.constant 1 : i32
    %select_n3A_158 = arith.select %eq3A_156, %jit3A_157, %jit3A_154 : i32
    %rem3A_159 = vector.broadcast %select_n3A_158 : i32 to vector<16xi32>
    %rem3A_160 = arith.remsi %add3A_153, %rem3A_159 : vector<16xi32>
    %ne3A_161 = arith.constant 0 : i32
    %ne3A_162 = vector.broadcast %ne3A_161 : i32 to vector<16xi32>
    %ne3A_163 = arith.cmpi ne, %rem3A_160, %ne3A_162 : vector<16xi32>
    %lt3A_164 = arith.constant 0 : i32
    %lt3A_165 = vector.broadcast %lt3A_164 : i32 to vector<16xi32>
    %lt3A_166 = arith.cmpi slt, %rem3A_160, %lt3A_165 : vector<16xi32>
    %lt3A_167 = arith.constant 0 : i32
    %lt3A_168 = arith.cmpi slt, %select_n3A_158, %lt3A_167 : i32
    %ne3A_169 = vector.broadcast %lt3A_168 : i1 to vector<16xi1>
    %ne3A_170 = vector.broadcast %ne3A_169 : vector<16xi1> to vector<16xi1>
    %ne3A_171 = arith.xori %lt3A_166, %ne3A_170 : vector<16xi1>
    %and3A_172 = arith.andi %ne3A_171, %ne3A_163 : vector<16xi1>
    %add3A_173 = vector.broadcast %select_n3A_158 : i32 to vector<16xi32>
    %add3A_174 = arith.addi %rem3A_160, %add3A_173 : vector<16xi32>
    %select_n3A_175 = arith.select %and3A_172, %add3A_174, %rem3A_160 : vector<16xi1>, vector<16xi32>
    %add3A_176 = arith.constant 7 : i32
    %add3A_177 = vector.broadcast %add3A_176 : i32 to vector<16xi32>
    %add3A_178 = arith.addi %iota3A, %add3A_177 : vector<16xi32>
    %jit3A_179 = arith.constant 12 : i32
    %eq3A_180 = arith.constant 0 : i32
    %eq3A_181 = arith.cmpi eq, %jit3A_179, %eq3A_180 : i32
    %jit3A_182 = arith.constant 1 : i32
    %select_n3A_183 = arith.select %eq3A_181, %jit3A_182, %jit3A_179 : i32
    %rem3A_184 = vector.broadcast %select_n3A_183 : i32 to vector<16xi32>
    %rem3A_185 = arith.remsi %add3A_178, %rem3A_184 : vector<16xi32>
    %ne3A_186 = arith.constant 0 : i32
    %ne3A_187 = vector.broadcast %ne3A_186 : i32 to vector<16xi32>
    %ne3A_188 = arith.cmpi ne, %rem3A_185, %ne3A_187 : vector<16xi32>
    %lt3A_189 = arith.constant 0 : i32
    %lt3A_190 = vector.broadcast %lt3A_189 : i32 to vector<16xi32>
    %lt3A_191 = arith.cmpi slt, %rem3A_185, %lt3A_190 : vector<16xi32>
    %lt3A_192 = arith.constant 0 : i32
    %lt3A_193 = arith.cmpi slt, %select_n3A_183, %lt3A_192 : i32
    %ne3A_194 = vector.broadcast %lt3A_193 : i1 to vector<16xi1>
    %ne3A_195 = vector.broadcast %ne3A_194 : vector<16xi1> to vector<16xi1>
    %ne3A_196 = arith.xori %lt3A_191, %ne3A_195 : vector<16xi1>
    %and3A_197 = arith.andi %ne3A_196, %ne3A_188 : vector<16xi1>
    %add3A_198 = vector.broadcast %select_n3A_183 : i32 to vector<16xi32>
    %add3A_199 = arith.addi %rem3A_185, %add3A_198 : vector<16xi32>
    %select_n3A_200 = arith.select %and3A_197, %add3A_199, %rem3A_185 : vector<16xi1>, vector<16xi32>
    %add3A_201 = arith.constant 8 : i32
    %add3A_202 = vector.broadcast %add3A_201 : i32 to vector<16xi32>
    %add3A_203 = arith.addi %iota3A, %add3A_202 : vector<16xi32>
    %jit3A_204 = arith.constant 12 : i32
    %eq3A_205 = arith.constant 0 : i32
    %eq3A_206 = arith.cmpi eq, %jit3A_204, %eq3A_205 : i32
    %jit3A_207 = arith.constant 1 : i32
    %select_n3A_208 = arith.select %eq3A_206, %jit3A_207, %jit3A_204 : i32
    %rem3A_209 = vector.broadcast %select_n3A_208 : i32 to vector<16xi32>
    %rem3A_210 = arith.remsi %add3A_203, %rem3A_209 : vector<16xi32>
    %ne3A_211 = arith.constant 0 : i32
    %ne3A_212 = vector.broadcast %ne3A_211 : i32 to vector<16xi32>
    %ne3A_213 = arith.cmpi ne, %rem3A_210, %ne3A_212 : vector<16xi32>
    %lt3A_214 = arith.constant 0 : i32
    %lt3A_215 = vector.broadcast %lt3A_214 : i32 to vector<16xi32>
    %lt3A_216 = arith.cmpi slt, %rem3A_210, %lt3A_215 : vector<16xi32>
    %lt3A_217 = arith.constant 0 : i32
    %lt3A_218 = arith.cmpi slt, %select_n3A_208, %lt3A_217 : i32
    %ne3A_219 = vector.broadcast %lt3A_218 : i1 to vector<16xi1>
    %ne3A_220 = vector.broadcast %ne3A_219 : vector<16xi1> to vector<16xi1>
    %ne3A_221 = arith.xori %lt3A_216, %ne3A_220 : vector<16xi1>
    %and3A_222 = arith.andi %ne3A_221, %ne3A_213 : vector<16xi1>
    %add3A_223 = vector.broadcast %select_n3A_208 : i32 to vector<16xi32>
    %add3A_224 = arith.addi %rem3A_210, %add3A_223 : vector<16xi32>
    %select_n3A_225 = arith.select %and3A_222, %add3A_224, %rem3A_210 : vector<16xi1>, vector<16xi32>
    %add3A_226 = arith.constant 9 : i32
    %add3A_227 = vector.broadcast %add3A_226 : i32 to vector<16xi32>
    %add3A_228 = arith.addi %iota3A, %add3A_227 : vector<16xi32>
    %jit3A_229 = arith.constant 12 : i32
    %eq3A_230 = arith.constant 0 : i32
    %eq3A_231 = arith.cmpi eq, %jit3A_229, %eq3A_230 : i32
    %jit3A_232 = arith.constant 1 : i32
    %select_n3A_233 = arith.select %eq3A_231, %jit3A_232, %jit3A_229 : i32
    %rem3A_234 = vector.broadcast %select_n3A_233 : i32 to vector<16xi32>
    %rem3A_235 = arith.remsi %add3A_228, %rem3A_234 : vector<16xi32>
    %ne3A_236 = arith.constant 0 : i32
    %ne3A_237 = vector.broadcast %ne3A_236 : i32 to vector<16xi32>
    %ne3A_238 = arith.cmpi ne, %rem3A_235, %ne3A_237 : vector<16xi32>
    %lt3A_239 = arith.constant 0 : i32
    %lt3A_240 = vector.broadcast %lt3A_239 : i32 to vector<16xi32>
    %lt3A_241 = arith.cmpi slt, %rem3A_235, %lt3A_240 : vector<16xi32>
    %lt3A_242 = arith.constant 0 : i32
    %lt3A_243 = arith.cmpi slt, %select_n3A_233, %lt3A_242 : i32
    %ne3A_244 = vector.broadcast %lt3A_243 : i1 to vector<16xi1>
    %ne3A_245 = vector.broadcast %ne3A_244 : vector<16xi1> to vector<16xi1>
    %ne3A_246 = arith.xori %lt3A_241, %ne3A_245 : vector<16xi1>
    %and3A_247 = arith.andi %ne3A_246, %ne3A_238 : vector<16xi1>
    %add3A_248 = vector.broadcast %select_n3A_233 : i32 to vector<16xi32>
    %add3A_249 = arith.addi %rem3A_235, %add3A_248 : vector<16xi32>
    %select_n3A_250 = arith.select %and3A_247, %add3A_249, %rem3A_235 : vector<16xi1>, vector<16xi32>
    %add3A_251 = arith.constant 10 : i32
    %add3A_252 = vector.broadcast %add3A_251 : i32 to vector<16xi32>
    %add3A_253 = arith.addi %iota3A, %add3A_252 : vector<16xi32>
    %jit3A_254 = arith.constant 12 : i32
    %eq3A_255 = arith.constant 0 : i32
    %eq3A_256 = arith.cmpi eq, %jit3A_254, %eq3A_255 : i32
    %jit3A_257 = arith.constant 1 : i32
    %select_n3A_258 = arith.select %eq3A_256, %jit3A_257, %jit3A_254 : i32
    %rem3A_259 = vector.broadcast %select_n3A_258 : i32 to vector<16xi32>
    %rem3A_260 = arith.remsi %add3A_253, %rem3A_259 : vector<16xi32>
    %ne3A_261 = arith.constant 0 : i32
    %ne3A_262 = vector.broadcast %ne3A_261 : i32 to vector<16xi32>
    %ne3A_263 = arith.cmpi ne, %rem3A_260, %ne3A_262 : vector<16xi32>
    %lt3A_264 = arith.constant 0 : i32
    %lt3A_265 = vector.broadcast %lt3A_264 : i32 to vector<16xi32>
    %lt3A_266 = arith.cmpi slt, %rem3A_260, %lt3A_265 : vector<16xi32>
    %lt3A_267 = arith.constant 0 : i32
    %lt3A_268 = arith.cmpi slt, %select_n3A_258, %lt3A_267 : i32
    %ne3A_269 = vector.broadcast %lt3A_268 : i1 to vector<16xi1>
    %ne3A_270 = vector.broadcast %ne3A_269 : vector<16xi1> to vector<16xi1>
    %ne3A_271 = arith.xori %lt3A_266, %ne3A_270 : vector<16xi1>
    %and3A_272 = arith.andi %ne3A_271, %ne3A_263 : vector<16xi1>
    %add3A_273 = vector.broadcast %select_n3A_258 : i32 to vector<16xi32>
    %add3A_274 = arith.addi %rem3A_260, %add3A_273 : vector<16xi32>
    %select_n3A_275 = arith.select %and3A_272, %add3A_274, %rem3A_260 : vector<16xi1>, vector<16xi32>
    %add3A_276 = arith.constant 11 : i32
    %add3A_277 = vector.broadcast %add3A_276 : i32 to vector<16xi32>
    %add3A_278 = arith.addi %iota3A, %add3A_277 : vector<16xi32>
    %jit3A_279 = arith.constant 12 : i32
    %eq3A_280 = arith.constant 0 : i32
    %eq3A_281 = arith.cmpi eq, %jit3A_279, %eq3A_280 : i32
    %jit3A_282 = arith.constant 1 : i32
    %select_n3A_283 = arith.select %eq3A_281, %jit3A_282, %jit3A_279 : i32
    %rem3A_284 = vector.broadcast %select_n3A_283 : i32 to vector<16xi32>
    %rem3A_285 = arith.remsi %add3A_278, %rem3A_284 : vector<16xi32>
    %ne3A_286 = arith.constant 0 : i32
    %ne3A_287 = vector.broadcast %ne3A_286 : i32 to vector<16xi32>
    %ne3A_288 = arith.cmpi ne, %rem3A_285, %ne3A_287 : vector<16xi32>
    %lt3A_289 = arith.constant 0 : i32
    %lt3A_290 = vector.broadcast %lt3A_289 : i32 to vector<16xi32>
    %lt3A_291 = arith.cmpi slt, %rem3A_285, %lt3A_290 : vector<16xi32>
    %lt3A_292 = arith.constant 0 : i32
    %lt3A_293 = arith.cmpi slt, %select_n3A_283, %lt3A_292 : i32
    %ne3A_294 = vector.broadcast %lt3A_293 : i1 to vector<16xi1>
    %ne3A_295 = vector.broadcast %ne3A_294 : vector<16xi1> to vector<16xi1>
    %ne3A_296 = arith.xori %lt3A_291, %ne3A_295 : vector<16xi1>
    %and3A_297 = arith.andi %ne3A_296, %ne3A_288 : vector<16xi1>
    %add3A_298 = vector.broadcast %select_n3A_283 : i32 to vector<16xi32>
    %add3A_299 = arith.addi %rem3A_285, %add3A_298 : vector<16xi32>
    %select_n3A_300 = arith.select %and3A_297, %add3A_299, %rem3A_285 : vector<16xi1>, vector<16xi32>
    %get3A = arith.constant 0 : index
    %get3A_301 = tpu.vector_load %arg6[%get3A] {strides = array<i32>} : memref<160xi32, #tpu.memory_space<vmem>>, vector<16xi32>,
    %reshape3A = vector.shape_cast %select_n3A_25 : vector<16xi32> to vector<16x1xi32>
    %gather3A = vector.shape_cast %reshape3A : vector<16x1xi32> to vector<16xi32>
    %gather3A_302 = tpu.dynamic_gather %get3A_301[%gather3A] in [0] : vector<16xi32>, vector<16xi32> -> vector<16xi32>
    %add3A_303 = arith.addi %mul3A_7, %gather3A_302 : vector<16xi32>
    %reshape3A_304 = vector.shape_cast %select_n3A_50 : vector<16xi32> to vector<16x1xi32>
    %gather3A_305 = vector.shape_cast %reshape3A_304 : vector<16x1xi32> to vector<16xi32>
    %gather3A_306 = tpu.dynamic_gather %get3A_301[%gather3A_305] in [0] : vector<16xi32>, vector<16xi32> -> vector<16xi32>
    %add3A_307 = arith.addi %mul3A_7, %gather3A_306 : vector<16xi32>
    %reshape3A_308 = vector.shape_cast %select_n3A_75 : vector<16xi32> to vector<16x1xi32>
    %gather3A_309 = vector.shape_cast %reshape3A_308 : vector<16x1xi32> to vector<16xi32>
    %gather3A_310 = tpu.dynamic_gather %get3A_301[%gather3A_309] in [0] : vector<16xi32>, vector<16xi32> -> vector<16xi32>
    %add3A_311 = arith.addi %mul3A_7, %gather3A_310 : vector<16xi32>
    %reshape3A_312 = vector.shape_cast %select_n3A_100 : vector<16xi32> to vector<16x1xi32>
    %gather3A_313 = vector.shape_cast %reshape3A_312 : vector<16x1xi32> to vector<16xi32>
    %gather3A_314 = tpu.dynamic_gather %get3A_301[%gather3A_313] in [0] : vector<16xi32>, vector<16xi32> -> vector<16xi32>
    %add3A_315 = arith.addi %mul3A_7, %gather3A_314 : vector<16xi32>
    %reshape3A_316 = vector.shape_cast %select_n3A_125 : vector<16xi32> to vector<16x1xi32>
    %gather3A_317 = vector.shape_cast %reshape3A_316 : vector<16x1xi32> to vector<16xi32>
    %gather3A_318 = tpu.dynamic_gather %get3A_301[%gather3A_317] in [0] : vector<16xi32>, vector<16xi32> -> vector<16xi32>
    %add3A_319 = arith.addi %mul3A_7, %gather3A_318 : vector<16xi32>
    %reshape3A_320 = vector.shape_cast %select_n3A_150 : vector<16xi32> to vector<16x1xi32>
    %gather3A_321 = vector.shape_cast %reshape3A_320 : vector<16x1xi32> to vector<16xi32>
    %gather3A_322 = tpu.dynamic_gather %get3A_301[%gather3A_321] in [0] : vector<16xi32>, vector<16xi32> -> vector<16xi32>
    %add3A_323 = arith.addi %mul3A_7, %gather3A_322 : vector<16xi32>
    %reshape3A_324 = vector.shape_cast %select_n3A_175 : vector<16xi32> to vector<16x1xi32>
    %gather3A_325 = vector.shape_cast %reshape3A_324 : vector<16x1xi32> to vector<16xi32>
    %gather3A_326 = tpu.dynamic_gather %get3A_301[%gather3A_325] in [0] : vector<16xi32>, vector<16xi32> -> vector<16xi32>
    %add3A_327 = arith.addi %mul3A_7, %gather3A_326 : vector<16xi32>
    %reshape3A_328 = vector.shape_cast %select_n3A_200 : vector<16xi32> to vector<16x1xi32>
    %gather3A_329 = vector.shape_cast %reshape3A_328 : vector<16x1xi32> to vector<16xi32>
    %gather3A_330 = tpu.dynamic_gather %get3A_301[%gather3A_329] in [0] : vector<16xi32>, vector<16xi32> -> vector<16xi32>
    %add3A_331 = arith.addi %mul3A_7, %gather3A_330 : vector<16xi32>
    %reshape3A_332 = vector.shape_cast %select_n3A_225 : vector<16xi32> to vector<16x1xi32>
    %gather3A_333 = vector.shape_cast %reshape3A_332 : vector<16x1xi32> to vector<16xi32>
    %gather3A_334 = tpu.dynamic_gather %get3A_301[%gather3A_333] in [0] : vector<16xi32>, vector<16xi32> -> vector<16xi32>
    %add3A_335 = arith.addi %mul3A_7, %gather3A_334 : vector<16xi32>
    %reshape3A_336 = vector.shape_cast %select_n3A_250 : vector<16xi32> to vector<16x1xi32>
    %gather3A_337 = vector.shape_cast %reshape3A_336 : vector<16x1xi32> to vector<16xi32>
    %gather3A_338 = tpu.dynamic_gather %get3A_301[%gather3A_337] in [0] : vector<16xi32>, vector<16xi32> -> vector<16xi32>
    %add3A_339 = arith.addi %mul3A_7, %gather3A_338 : vector<16xi32>
    %reshape3A_340 = vector.shape_cast %select_n3A_275 : vector<16xi32> to vector<16x1xi32>
    %gather3A_341 = vector.shape_cast %reshape3A_340 : vector<16x1xi32> to vector<16xi32>
    %gather3A_342 = tpu.dynamic_gather %get3A_301[%gather3A_341] in [0] : vector<16xi32>, vector<16xi32> -> vector<16xi32>
    %add3A_343 = arith.addi %mul3A_7, %gather3A_342 : vector<16xi32>
    %reshape3A_344 = vector.shape_cast %select_n3A_300 : vector<16xi32> to vector<16x1xi32>
    %gather3A_345 = vector.shape_cast %reshape3A_344 : vector<16x1xi32> to vector<16xi32>
    %gather3A_346 = tpu.dynamic_gather %get3A_301[%gather3A_345] in [0] : vector<16xi32>, vector<16xi32> -> vector<16xi32>
    %add3A_347 = arith.addi %mul3A_7, %gather3A_346 : vector<16xi32>
    %parallel_loop3A = arith.constant 0 : i32
    %parallel_loop3A_348 = arith.constant 32 : i32
    %parallel_loop3A_349 = arith.constant 1 : i32
    scf.for %parallel_loop3A_936 = %parallel_loop3A to %parallel_loop3A_348 step %parallel_loop3A_349  : i32 {
      %parallel_loop3A_937 = arith.constant 2048 : i32
      %parallel_loop3A_938 = arith.muli %parallel_loop3A_936, %parallel_loop3A_937 : i32
      %parallel_loop3A_939 = tpu.memref_slice %arg5[%parallel_loop3A_938] : memref<65536xf32, #tpu.memory_space<vmem>> -> memref<2048xf32, #tpu.memory_space<vmem>>
      %parallel_loop3A_940 = tpu.vector_load_idx %parallel_loop3A_939[%add3A_303] : memref<2048xf32, #tpu.memory_space<vmem>>[vector<16xi32>], vector<16xf32>,
      %parallel_loop3A_941 = tpu.memref_slice %arg5[%parallel_loop3A_938] : memref<65536xf32, #tpu.memory_space<vmem>> -> memref<2048xf32, #tpu.memory_space<vmem>>
      %parallel_loop3A_942 = tpu.vector_load_idx %parallel_loop3A_941[%add3A_307] : memref<2048xf32, #tpu.memory_space<vmem>>[vector<16xi32>], vector<16xf32>,
      %parallel_loop3A_943 = arith.maximumf %parallel_loop3A_940, %parallel_loop3A_942 : vector<16xf32>
      %parallel_loop3A_944 = tpu.memref_slice %arg5[%parallel_loop3A_938] : memref<65536xf32, #tpu.memory_space<vmem>> -> memref<2048xf32, #tpu.memory_space<vmem>>
      %parallel_loop3A_945 = tpu.vector_load_idx %parallel_loop3A_944[%add3A_311] : memref<2048xf32, #tpu.memory_space<vmem>>[vector<16xi32>], vector<16xf32>,
      %parallel_loop3A_946 = arith.maximumf %parallel_loop3A_943, %parallel_loop3A_945 : vector<16xf32>
      %parallel_loop3A_947 = tpu.memref_slice %arg5[%parallel_loop3A_938] : memref<65536xf32, #tpu.memory_space<vmem>> -> memref<2048xf32, #tpu.memory_space<vmem>>
      %parallel_loop3A_948 = tpu.vector_load_idx %parallel_loop3A_947[%add3A_315] : memref<2048xf32, #tpu.memory_space<vmem>>[vector<16xi32>], vector<16xf32>,
      %parallel_loop3A_949 = arith.maximumf %parallel_loop3A_946, %parallel_loop3A_948 : vector<16xf32>
      %parallel_loop3A_950 = tpu.memref_slice %arg5[%parallel_loop3A_938] : memref<65536xf32, #tpu.memory_space<vmem>> -> memref<2048xf32, #tpu.memory_space<vmem>>
      %parallel_loop3A_951 = tpu.vector_load_idx %parallel_loop3A_950[%add3A_319] : memref<2048xf32, #tpu.memory_space<vmem>>[vector<16xi32>], vector<16xf32>,
      %parallel_loop3A_952 = arith.maximumf %parallel_loop3A_949, %parallel_loop3A_951 : vector<16xf32>
      %parallel_loop3A_953 = tpu.memref_slice %arg5[%parallel_loop3A_938] : memref<65536xf32, #tpu.memory_space<vmem>> -> memref<2048xf32, #tpu.memory_space<vmem>>
      %parallel_loop3A_954 = tpu.vector_load_idx %parallel_loop3A_953[%add3A_323] : memref<2048xf32, #tpu.memory_space<vmem>>[vector<16xi32>], vector<16xf32>,
      %parallel_loop3A_955 = arith.maximumf %parallel_loop3A_952, %parallel_loop3A_954 : vector<16xf32>
      %parallel_loop3A_956 = tpu.memref_slice %arg5[%parallel_loop3A_938] : memref<65536xf32, #tpu.memory_space<vmem>> -> memref<2048xf32, #tpu.memory_space<vmem>>
      %parallel_loop3A_957 = tpu.vector_load_idx %parallel_loop3A_956[%add3A_327] : memref<2048xf32, #tpu.memory_space<vmem>>[vector<16xi32>], vector<16xf32>,
      %parallel_loop3A_958 = arith.maximumf %parallel_loop3A_955, %parallel_loop3A_957 : vector<16xf32>
      %parallel_loop3A_959 = tpu.memref_slice %arg5[%parallel_loop3A_938] : memref<65536xf32, #tpu.memory_space<vmem>> -> memref<2048xf32, #tpu.memory_space<vmem>>
      %parallel_loop3A_960 = tpu.vector_load_idx %parallel_loop3A_959[%add3A_331] : memref<2048xf32, #tpu.memory_space<vmem>>[vector<16xi32>], vector<16xf32>,
      %parallel_loop3A_961 = arith.maximumf %parallel_loop3A_958, %parallel_loop3A_960 : vector<16xf32>
      %parallel_loop3A_962 = tpu.memref_slice %arg5[%parallel_loop3A_938] : memref<65536xf32, #tpu.memory_space<vmem>> -> memref<2048xf32, #tpu.memory_space<vmem>>
      %parallel_loop3A_963 = tpu.vector_load_idx %parallel_loop3A_962[%add3A_335] : memref<2048xf32, #tpu.memory_space<vmem>>[vector<16xi32>], vector<16xf32>,
      %parallel_loop3A_964 = arith.maximumf %parallel_loop3A_961, %parallel_loop3A_963 : vector<16xf32>
      %parallel_loop3A_965 = tpu.memref_slice %arg5[%parallel_loop3A_938] : memref<65536xf32, #tpu.memory_space<vmem>> -> memref<2048xf32, #tpu.memory_space<vmem>>
      %parallel_loop3A_966 = tpu.vector_load_idx %parallel_loop3A_965[%add3A_339] : memref<2048xf32, #tpu.memory_space<vmem>>[vector<16xi32>], vector<16xf32>,
      %parallel_loop3A_967 = arith.maximumf %parallel_loop3A_964, %parallel_loop3A_966 : vector<16xf32>
      %parallel_loop3A_968 = tpu.memref_slice %arg5[%parallel_loop3A_938] : memref<65536xf32, #tpu.memory_space<vmem>> -> memref<2048xf32, #tpu.memory_space<vmem>>
      %parallel_loop3A_969 = tpu.vector_load_idx %parallel_loop3A_968[%add3A_343] : memref<2048xf32, #tpu.memory_space<vmem>>[vector<16xi32>], vector<16xf32>,
      %parallel_loop3A_970 = arith.maximumf %parallel_loop3A_967, %parallel_loop3A_969 : vector<16xf32>
      %parallel_loop3A_971 = tpu.memref_slice %arg5[%parallel_loop3A_938] : memref<65536xf32, #tpu.memory_space<vmem>> -> memref<2048xf32, #tpu.memory_space<vmem>>
      %parallel_loop3A_972 = tpu.vector_load_idx %parallel_loop3A_971[%add3A_347] : memref<2048xf32, #tpu.memory_space<vmem>>[vector<16xi32>], vector<16xf32>,
      %parallel_loop3A_973 = arith.maximumf %parallel_loop3A_970, %parallel_loop3A_972 : vector<16xf32>
      %parallel_loop3A_974 = arith.constant 16 : i32
      %parallel_loop3A_975 = arith.muli %parallel_loop3A_936, %parallel_loop3A_974 : i32
      %parallel_loop3A_976 = arith.constant 0 : i32
      %parallel_loop3A_977 = arith.index_cast %parallel_loop3A_976 : i32 to index
      %parallel_loop3A_978 = arith.index_cast %parallel_loop3A_975 : i32 to index
      %parallel_loop3A_979 = tpu.vector_load %arg7[%parallel_loop3A_977, %parallel_loop3A_978] {strides = array<i32>} : memref<12x512xf32, #tpu.memory_space<vmem>>, vector<16xf32>,
      tpu.vector_store %arg7[%parallel_loop3A_977, %parallel_loop3A_978], %parallel_loop3A_973 {strides = array<i32>} : memref<12x512xf32, #tpu.memory_space<vmem>>, vector<16xf32>,
    } {sc.loop_unroll_factor = 1 : i64, sc.parallel_access}
    %get3A_350 = arith.constant 12 : index
    %get3A_351 = tpu.vector_load %arg6[%get3A_350] {strides = array<i32>} : memref<160xi32, #tpu.memory_space<vmem>>, vector<16xi32>,
    %reshape3A_352 = vector.shape_cast %select_n3A_25 : vector<16xi32> to vector<16x1xi32>
    %gather3A_353 = vector.shape_cast %reshape3A_352 : vector<16x1xi32> to vector<16xi32>
    %gather3A_354 = tpu.dynamic_gather %get3A_351[%gather3A_353] in [0] : vector<16xi32>, vector<16xi32> -> vector<16xi32>
    %add3A_355 = arith.addi %mul3A_7, %gather3A_354 : vector<16xi32>
    %reshape3A_356 = vector.shape_cast %select_n3A_50 : vector<16xi32> to vector<16x1xi32>
    %gather3A_357 = vector.shape_cast %reshape3A_356 : vector<16x1xi32> to vector<16xi32>
    %gather3A_358 = tpu.dynamic_gather %get3A_351[%gather3A_357] in [0] : vector<16xi32>, vector<16xi32> -> vector<16xi32>
    %add3A_359 = arith.addi %mul3A_7, %gather3A_358 : vector<16xi32>
    %reshape3A_360 = vector.shape_cast %select_n3A_75 : vector<16xi32> to vector<16x1xi32>
    %gather3A_361 = vector.shape_cast %reshape3A_360 : vector<16x1xi32> to vector<16xi32>
    %gather3A_362 = tpu.dynamic_gather %get3A_351[%gather3A_361] in [0] : vector<16xi32>, vector<16xi32> -> vector<16xi32>
    %add3A_363 = arith.addi %mul3A_7, %gather3A_362 : vector<16xi32>
    %reshape3A_364 = vector.shape_cast %select_n3A_100 : vector<16xi32> to vector<16x1xi32>
    %gather3A_365 = vector.shape_cast %reshape3A_364 : vector<16x1xi32> to vector<16xi32>
    %gather3A_366 = tpu.dynamic_gather %get3A_351[%gather3A_365] in [0] : vector<16xi32>, vector<16xi32> -> vector<16xi32>
    %add3A_367 = arith.addi %mul3A_7, %gather3A_366 : vector<16xi32>
    %reshape3A_368 = vector.shape_cast %select_n3A_125 : vector<16xi32> to vector<16x1xi32>
    %gather3A_369 = vector.shape_cast %reshape3A_368 : vector<16x1xi32> to vector<16xi32>
    %gather3A_370 = tpu.dynamic_gather %get3A_351[%gather3A_369] in [0] : vector<16xi32>, vector<16xi32> -> vector<16xi32>
    %add3A_371 = arith.addi %mul3A_7, %gather3A_370 : vector<16xi32>
    %reshape3A_372 = vector.shape_cast %select_n3A_150 : vector<16xi32> to vector<16x1xi32>
    %gather3A_373 = vector.shape_cast %reshape3A_372 : vector<16x1xi32> to vector<16xi32>
    %gather3A_374 = tpu.dynamic_gather %get3A_351[%gather3A_373] in [0] : vector<16xi32>, vector<16xi32> -> vector<16xi32>
    %add3A_375 = arith.addi %mul3A_7, %gather3A_374 : vector<16xi32>
    %reshape3A_376 = vector.shape_cast %select_n3A_175 : vector<16xi32> to vector<16x1xi32>
    %gather3A_377 = vector.shape_cast %reshape3A_376 : vector<16x1xi32> to vector<16xi32>
    %gather3A_378 = tpu.dynamic_gather %get3A_351[%gather3A_377] in [0] : vector<16xi32>, vector<16xi32> -> vector<16xi32>
    %add3A_379 = arith.addi %mul3A_7, %gather3A_378 : vector<16xi32>
    %reshape3A_380 = vector.shape_cast %select_n3A_200 : vector<16xi32> to vector<16x1xi32>
    %gather3A_381 = vector.shape_cast %reshape3A_380 : vector<16x1xi32> to vector<16xi32>
    %gather3A_382 = tpu.dynamic_gather %get3A_351[%gather3A_381] in [0] : vector<16xi32>, vector<16xi32> -> vector<16xi32>
    %add3A_383 = arith.addi %mul3A_7, %gather3A_382 : vector<16xi32>
    %reshape3A_384 = vector.shape_cast %select_n3A_225 : vector<16xi32> to vector<16x1xi32>
    %gather3A_385 = vector.shape_cast %reshape3A_384 : vector<16x1xi32> to vector<16xi32>
    %gather3A_386 = tpu.dynamic_gather %get3A_351[%gather3A_385] in [0] : vector<16xi32>, vector<16xi32> -> vector<16xi32>
    %add3A_387 = arith.addi %mul3A_7, %gather3A_386 : vector<16xi32>
    %reshape3A_388 = vector.shape_cast %select_n3A_250 : vector<16xi32> to vector<16x1xi32>
    %gather3A_389 = vector.shape_cast %reshape3A_388 : vector<16x1xi32> to vector<16xi32>
    %gather3A_390 = tpu.dynamic_gather %get3A_351[%gather3A_389] in [0] : vector<16xi32>, vector<16xi32> -> vector<16xi32>
    %add3A_391 = arith.addi %mul3A_7, %gather3A_390 : vector<16xi32>
    %reshape3A_392 = vector.shape_cast %select_n3A_275 : vector<16xi32> to vector<16x1xi32>
    %gather3A_393 = vector.shape_cast %reshape3A_392 : vector<16x1xi32> to vector<16xi32>
    %gather3A_394 = tpu.dynamic_gather %get3A_351[%gather3A_393] in [0] : vector<16xi32>, vector<16xi32> -> vector<16xi32>
    %add3A_395 = arith.addi %mul3A_7, %gather3A_394 : vector<16xi32>
    %reshape3A_396 = vector.shape_cast %select_n3A_300 : vector<16xi32> to vector<16x1xi32>
    %gather3A_397 = vector.shape_cast %reshape3A_396 : vector<16x1xi32> to vector<16xi32>
    %gather3A_398 = tpu.dynamic_gather %get3A_351[%gather3A_397] in [0] : vector<16xi32>, vector<16xi32> -> vector<16xi32>
    %add3A_399 = arith.addi %mul3A_7, %gather3A_398 : vector<16xi32>
    %parallel_loop3A_400 = arith.constant 0 : i32
    %parallel_loop3A_401 = arith.constant 32 : i32
    %parallel_loop3A_402 = arith.constant 1 : i32
    scf.for %parallel_loop3A_936 = %parallel_loop3A_400 to %parallel_loop3A_401 step %parallel_loop3A_402  : i32 {
      %parallel_loop3A_937 = arith.constant 2048 : i32
      %parallel_loop3A_938 = arith.muli %parallel_loop3A_936, %parallel_loop3A_937 : i32
      %parallel_loop3A_939 = tpu.memref_slice %arg5[%parallel_loop3A_938] : memref<65536xf32, #tpu.memory_space<vmem>> -> memref<2048xf32, #tpu.memory_space<vmem>>
      %parallel_loop3A_940 = tpu.vector_load_idx %parallel_loop3A_939[%add3A_355] : memref<2048xf32, #tpu.memory_space<vmem>>[vector<16xi32>], vector<16xf32>,
      %parallel_loop3A_941 = tpu.memref_slice %arg5[%parallel_loop3A_938] : memref<65536xf32, #tpu.memory_space<vmem>> -> memref<2048xf32, #tpu.memory_space<vmem>>
      %parallel_loop3A_942 = tpu.vector_load_idx %parallel_loop3A_941[%add3A_359] : memref<2048xf32, #tpu.memory_space<vmem>>[vector<16xi32>], vector<16xf32>,
      %parallel_loop3A_943 = arith.maximumf %parallel_loop3A_940, %parallel_loop3A_942 : vector<16xf32>
      %parallel_loop3A_944 = tpu.memref_slice %arg5[%parallel_loop3A_938] : memref<65536xf32, #tpu.memory_space<vmem>> -> memref<2048xf32, #tpu.memory_space<vmem>>
      %parallel_loop3A_945 = tpu.vector_load_idx %parallel_loop3A_944[%add3A_363] : memref<2048xf32, #tpu.memory_space<vmem>>[vector<16xi32>], vector<16xf32>,
      %parallel_loop3A_946 = arith.maximumf %parallel_loop3A_943, %parallel_loop3A_945 : vector<16xf32>
      %parallel_loop3A_947 = tpu.memref_slice %arg5[%parallel_loop3A_938] : memref<65536xf32, #tpu.memory_space<vmem>> -> memref<2048xf32, #tpu.memory_space<vmem>>
      %parallel_loop3A_948 = tpu.vector_load_idx %parallel_loop3A_947[%add3A_367] : memref<2048xf32, #tpu.memory_space<vmem>>[vector<16xi32>], vector<16xf32>,
      %parallel_loop3A_949 = arith.maximumf %parallel_loop3A_946, %parallel_loop3A_948 : vector<16xf32>
      %parallel_loop3A_950 = tpu.memref_slice %arg5[%parallel_loop3A_938] : memref<65536xf32, #tpu.memory_space<vmem>> -> memref<2048xf32, #tpu.memory_space<vmem>>
      %parallel_loop3A_951 = tpu.vector_load_idx %parallel_loop3A_950[%add3A_371] : memref<2048xf32, #tpu.memory_space<vmem>>[vector<16xi32>], vector<16xf32>,
      %parallel_loop3A_952 = arith.maximumf %parallel_loop3A_949, %parallel_loop3A_951 : vector<16xf32>
      %parallel_loop3A_953 = tpu.memref_slice %arg5[%parallel_loop3A_938] : memref<65536xf32, #tpu.memory_space<vmem>> -> memref<2048xf32, #tpu.memory_space<vmem>>
      %parallel_loop3A_954 = tpu.vector_load_idx %parallel_loop3A_953[%add3A_375] : memref<2048xf32, #tpu.memory_space<vmem>>[vector<16xi32>], vector<16xf32>,
      %parallel_loop3A_955 = arith.maximumf %parallel_loop3A_952, %parallel_loop3A_954 : vector<16xf32>
      %parallel_loop3A_956 = tpu.memref_slice %arg5[%parallel_loop3A_938] : memref<65536xf32, #tpu.memory_space<vmem>> -> memref<2048xf32, #tpu.memory_space<vmem>>
      %parallel_loop3A_957 = tpu.vector_load_idx %parallel_loop3A_956[%add3A_379] : memref<2048xf32, #tpu.memory_space<vmem>>[vector<16xi32>], vector<16xf32>,
      %parallel_loop3A_958 = arith.maximumf %parallel_loop3A_955, %parallel_loop3A_957 : vector<16xf32>
      %parallel_loop3A_959 = tpu.memref_slice %arg5[%parallel_loop3A_938] : memref<65536xf32, #tpu.memory_space<vmem>> -> memref<2048xf32, #tpu.memory_space<vmem>>
      %parallel_loop3A_960 = tpu.vector_load_idx %parallel_loop3A_959[%add3A_383] : memref<2048xf32, #tpu.memory_space<vmem>>[vector<16xi32>], vector<16xf32>,
      %parallel_loop3A_961 = arith.maximumf %parallel_loop3A_958, %parallel_loop3A_960 : vector<16xf32>
      %parallel_loop3A_962 = tpu.memref_slice %arg5[%parallel_loop3A_938] : memref<65536xf32, #tpu.memory_space<vmem>> -> memref<2048xf32, #tpu.memory_space<vmem>>
      %parallel_loop3A_963 = tpu.vector_load_idx %parallel_loop3A_962[%add3A_387] : memref<2048xf32, #tpu.memory_space<vmem>>[vector<16xi32>], vector<16xf32>,
      %parallel_loop3A_964 = arith.maximumf %parallel_loop3A_961, %parallel_loop3A_963 : vector<16xf32>
      %parallel_loop3A_965 = tpu.memref_slice %arg5[%parallel_loop3A_938] : memref<65536xf32, #tpu.memory_space<vmem>> -> memref<2048xf32, #tpu.memory_space<vmem>>
      %parallel_loop3A_966 = tpu.vector_load_idx %parallel_loop3A_965[%add3A_391] : memref<2048xf32, #tpu.memory_space<vmem>>[vector<16xi32>], vector<16xf32>,
      %parallel_loop3A_967 = arith.maximumf %parallel_loop3A_964, %parallel_loop3A_966 : vector<16xf32>
      %parallel_loop3A_968 = tpu.memref_slice %arg5[%parallel_loop3A_938] : memref<65536xf32, #tpu.memory_space<vmem>> -> memref<2048xf32, #tpu.memory_space<vmem>>
      %parallel_loop3A_969 = tpu.vector_load_idx %parallel_loop3A_968[%add3A_395] : memref<2048xf32, #tpu.memory_space<vmem>>[vector<16xi32>], vector<16xf32>,
      %parallel_loop3A_970 = arith.maximumf %parallel_loop3A_967, %parallel_loop3A_969 : vector<16xf32>
      %parallel_loop3A_971 = tpu.memref_slice %arg5[%parallel_loop3A_938] : memref<65536xf32, #tpu.memory_space<vmem>> -> memref<2048xf32, #tpu.memory_space<vmem>>
      %parallel_loop3A_972 = tpu.vector_load_idx %parallel_loop3A_971[%add3A_399] : memref<2048xf32, #tpu.memory_space<vmem>>[vector<16xi32>], vector<16xf32>,
      %parallel_loop3A_973 = arith.maximumf %parallel_loop3A_970, %parallel_loop3A_972 : vector<16xf32>
      %parallel_loop3A_974 = arith.constant 16 : i32
      %parallel_loop3A_975 = arith.muli %parallel_loop3A_936, %parallel_loop3A_974 : i32
      %parallel_loop3A_976 = arith.constant 1 : i32
      %parallel_loop3A_977 = arith.index_cast %parallel_loop3A_976 : i32 to index
      %parallel_loop3A_978 = arith.index_cast %parallel_loop3A_975 : i32 to index
      %parallel_loop3A_979 = tpu.vector_load %arg7[%parallel_loop3A_977, %parallel_loop3A_978] {strides = array<i32>} : memref<12x512xf32, #tpu.memory_space<vmem>>, vector<16xf32>,
      tpu.vector_store %arg7[%parallel_loop3A_977, %parallel_loop3A_978], %parallel_loop3A_973 {strides = array<i32>} : memref<12x512xf32, #tpu.memory_space<vmem>>, vector<16xf32>,
    } {sc.loop_unroll_factor = 1 : i64, sc.parallel_access}
    %get3A_403 = arith.constant 24 : index
    %get3A_404 = tpu.vector_load %arg6[%get3A_403] {strides = array<i32>} : memref<160xi32, #tpu.memory_space<vmem>>, vector<16xi32>,
    %reshape3A_405 = vector.shape_cast %select_n3A_25 : vector<16xi32> to vector<16x1xi32>
    %gather3A_406 = vector.shape_cast %reshape3A_405 : vector<16x1xi32> to vector<16xi32>
    %gather3A_407 = tpu.dynamic_gather %get3A_404[%gather3A_406] in [0] : vector<16xi32>, vector<16xi32> -> vector<16xi32>
    %add3A_408 = arith.addi %mul3A_7, %gather3A_407 : vector<16xi32>
    %reshape3A_409 = vector.shape_cast %select_n3A_50 : vector<16xi32> to vector<16x1xi32>
    %gather3A_410 = vector.shape_cast %reshape3A_409 : vector<16x1xi32> to vector<16xi32>
    %gather3A_411 = tpu.dynamic_gather %get3A_404[%gather3A_410] in [0] : vector<16xi32>, vector<16xi32> -> vector<16xi32>
    %add3A_412 = arith.addi %mul3A_7, %gather3A_411 : vector<16xi32>
    %reshape3A_413 = vector.shape_cast %select_n3A_75 : vector<16xi32> to vector<16x1xi32>
    %gather3A_414 = vector.shape_cast %reshape3A_413 : vector<16x1xi32> to vector<16xi32>
    %gather3A_415 = tpu.dynamic_gather %get3A_404[%gather3A_414] in [0] : vector<16xi32>, vector<16xi32> -> vector<16xi32>
    %add3A_416 = arith.addi %mul3A_7, %gather3A_415 : vector<16xi32>
    %reshape3A_417 = vector.shape_cast %select_n3A_100 : vector<16xi32> to vector<16x1xi32>
    %gather3A_418 = vector.shape_cast %reshape3A_417 : vector<16x1xi32> to vector<16xi32>
    %gather3A_419 = tpu.dynamic_gather %get3A_404[%gather3A_418] in [0] : vector<16xi32>, vector<16xi32> -> vector<16xi32>
    %add3A_420 = arith.addi %mul3A_7, %gather3A_419 : vector<16xi32>
    %reshape3A_421 = vector.shape_cast %select_n3A_125 : vector<16xi32> to vector<16x1xi32>
    %gather3A_422 = vector.shape_cast %reshape3A_421 : vector<16x1xi32> to vector<16xi32>
    %gather3A_423 = tpu.dynamic_gather %get3A_404[%gather3A_422] in [0] : vector<16xi32>, vector<16xi32> -> vector<16xi32>
    %add3A_424 = arith.addi %mul3A_7, %gather3A_423 : vector<16xi32>
    %reshape3A_425 = vector.shape_cast %select_n3A_150 : vector<16xi32> to vector<16x1xi32>
    %gather3A_426 = vector.shape_cast %reshape3A_425 : vector<16x1xi32> to vector<16xi32>
    %gather3A_427 = tpu.dynamic_gather %get3A_404[%gather3A_426] in [0] : vector<16xi32>, vector<16xi32> -> vector<16xi32>
    %add3A_428 = arith.addi %mul3A_7, %gather3A_427 : vector<16xi32>
    %reshape3A_429 = vector.shape_cast %select_n3A_175 : vector<16xi32> to vector<16x1xi32>
    %gather3A_430 = vector.shape_cast %reshape3A_429 : vector<16x1xi32> to vector<16xi32>
    %gather3A_431 = tpu.dynamic_gather %get3A_404[%gather3A_430] in [0] : vector<16xi32>, vector<16xi32> -> vector<16xi32>
    %add3A_432 = arith.addi %mul3A_7, %gather3A_431 : vector<16xi32>
    %reshape3A_433 = vector.shape_cast %select_n3A_200 : vector<16xi32> to vector<16x1xi32>
    %gather3A_434 = vector.shape_cast %reshape3A_433 : vector<16x1xi32> to vector<16xi32>
    %gather3A_435 = tpu.dynamic_gather %get3A_404[%gather3A_434] in [0] : vector<16xi32>, vector<16xi32> -> vector<16xi32>
    %add3A_436 = arith.addi %mul3A_7, %gather3A_435 : vector<16xi32>
    %reshape3A_437 = vector.shape_cast %select_n3A_225 : vector<16xi32> to vector<16x1xi32>
    %gather3A_438 = vector.shape_cast %reshape3A_437 : vector<16x1xi32> to vector<16xi32>
    %gather3A_439 = tpu.dynamic_gather %get3A_404[%gather3A_438] in [0] : vector<16xi32>, vector<16xi32> -> vector<16xi32>
    %add3A_440 = arith.addi %mul3A_7, %gather3A_439 : vector<16xi32>
    %reshape3A_441 = vector.shape_cast %select_n3A_250 : vector<16xi32> to vector<16x1xi32>
    %gather3A_442 = vector.shape_cast %reshape3A_441 : vector<16x1xi32> to vector<16xi32>
    %gather3A_443 = tpu.dynamic_gather %get3A_404[%gather3A_442] in [0] : vector<16xi32>, vector<16xi32> -> vector<16xi32>
    %add3A_444 = arith.addi %mul3A_7, %gather3A_443 : vector<16xi32>
    %reshape3A_445 = vector.shape_cast %select_n3A_275 : vector<16xi32> to vector<16x1xi32>
    %gather3A_446 = vector.shape_cast %reshape3A_445 : vector<16x1xi32> to vector<16xi32>
    %gather3A_447 = tpu.dynamic_gather %get3A_404[%gather3A_446] in [0] : vector<16xi32>, vector<16xi32> -> vector<16xi32>
    %add3A_448 = arith.addi %mul3A_7, %gather3A_447 : vector<16xi32>
    %reshape3A_449 = vector.shape_cast %select_n3A_300 : vector<16xi32> to vector<16x1xi32>
    %gather3A_450 = vector.shape_cast %reshape3A_449 : vector<16x1xi32> to vector<16xi32>
    %gather3A_451 = tpu.dynamic_gather %get3A_404[%gather3A_450] in [0] : vector<16xi32>, vector<16xi32> -> vector<16xi32>
    %add3A_452 = arith.addi %mul3A_7, %gather3A_451 : vector<16xi32>
    %parallel_loop3A_453 = arith.constant 0 : i32
    %parallel_loop3A_454 = arith.constant 32 : i32
    %parallel_loop3A_455 = arith.constant 1 : i32
    scf.for %parallel_loop3A_936 = %parallel_loop3A_453 to %parallel_loop3A_454 step %parallel_loop3A_455  : i32 {
      %parallel_loop3A_937 = arith.constant 2048 : i32
      %parallel_loop3A_938 = arith.muli %parallel_loop3A_936, %parallel_loop3A_937 : i32
      %parallel_loop3A_939 = tpu.memref_slice %arg5[%parallel_loop3A_938] : memref<65536xf32, #tpu.memory_space<vmem>> -> memref<2048xf32, #tpu.memory_space<vmem>>
      %parallel_loop3A_940 = tpu.vector_load_idx %parallel_loop3A_939[%add3A_408] : memref<2048xf32, #tpu.memory_space<vmem>>[vector<16xi32>], vector<16xf32>,
      %parallel_loop3A_941 = tpu.memref_slice %arg5[%parallel_loop3A_938] : memref<65536xf32, #tpu.memory_space<vmem>> -> memref<2048xf32, #tpu.memory_space<vmem>>
      %parallel_loop3A_942 = tpu.vector_load_idx %parallel_loop3A_941[%add3A_412] : memref<2048xf32, #tpu.memory_space<vmem>>[vector<16xi32>], vector<16xf32>,
      %parallel_loop3A_943 = arith.maximumf %parallel_loop3A_940, %parallel_loop3A_942 : vector<16xf32>
      %parallel_loop3A_944 = tpu.memref_slice %arg5[%parallel_loop3A_938] : memref<65536xf32, #tpu.memory_space<vmem>> -> memref<2048xf32, #tpu.memory_space<vmem>>
      %parallel_loop3A_945 = tpu.vector_load_idx %parallel_loop3A_944[%add3A_416] : memref<2048xf32, #tpu.memory_space<vmem>>[vector<16xi32>], vector<16xf32>,
      %parallel_loop3A_946 = arith.maximumf %parallel_loop3A_943, %parallel_loop3A_945 : vector<16xf32>
      %parallel_loop3A_947 = tpu.memref_slice %arg5[%parallel_loop3A_938] : memref<65536xf32, #tpu.memory_space<vmem>> -> memref<2048xf32, #tpu.memory_space<vmem>>
      %parallel_loop3A_948 = tpu.vector_load_idx %parallel_loop3A_947[%add3A_420] : memref<2048xf32, #tpu.memory_space<vmem>>[vector<16xi32>], vector<16xf32>,
      %parallel_loop3A_949 = arith.maximumf %parallel_loop3A_946, %parallel_loop3A_948 : vector<16xf32>
      %parallel_loop3A_950 = tpu.memref_slice %arg5[%parallel_loop3A_938] : memref<65536xf32, #tpu.memory_space<vmem>> -> memref<2048xf32, #tpu.memory_space<vmem>>
      %parallel_loop3A_951 = tpu.vector_load_idx %parallel_loop3A_950[%add3A_424] : memref<2048xf32, #tpu.memory_space<vmem>>[vector<16xi32>], vector<16xf32>,
      %parallel_loop3A_952 = arith.maximumf %parallel_loop3A_949, %parallel_loop3A_951 : vector<16xf32>
      %parallel_loop3A_953 = tpu.memref_slice %arg5[%parallel_loop3A_938] : memref<65536xf32, #tpu.memory_space<vmem>> -> memref<2048xf32, #tpu.memory_space<vmem>>
      %parallel_loop3A_954 = tpu.vector_load_idx %parallel_loop3A_953[%add3A_428] : memref<2048xf32, #tpu.memory_space<vmem>>[vector<16xi32>], vector<16xf32>,
      %parallel_loop3A_955 = arith.maximumf %parallel_loop3A_952, %parallel_loop3A_954 : vector<16xf32>
      %parallel_loop3A_956 = tpu.memref_slice %arg5[%parallel_loop3A_938] : memref<65536xf32, #tpu.memory_space<vmem>> -> memref<2048xf32, #tpu.memory_space<vmem>>
      %parallel_loop3A_957 = tpu.vector_load_idx %parallel_loop3A_956[%add3A_432] : memref<2048xf32, #tpu.memory_space<vmem>>[vector<16xi32>], vector<16xf32>,
      %parallel_loop3A_958 = arith.maximumf %parallel_loop3A_955, %parallel_loop3A_957 : vector<16xf32>
      %parallel_loop3A_959 = tpu.memref_slice %arg5[%parallel_loop3A_938] : memref<65536xf32, #tpu.memory_space<vmem>> -> memref<2048xf32, #tpu.memory_space<vmem>>
      %parallel_loop3A_960 = tpu.vector_load_idx %parallel_loop3A_959[%add3A_436] : memref<2048xf32, #tpu.memory_space<vmem>>[vector<16xi32>], vector<16xf32>,
      %parallel_loop3A_961 = arith.maximumf %parallel_loop3A_958, %parallel_loop3A_960 : vector<16xf32>
      %parallel_loop3A_962 = tpu.memref_slice %arg5[%parallel_loop3A_938] : memref<65536xf32, #tpu.memory_space<vmem>> -> memref<2048xf32, #tpu.memory_space<vmem>>
      %parallel_loop3A_963 = tpu.vector_load_idx %parallel_loop3A_962[%add3A_440] : memref<2048xf32, #tpu.memory_space<vmem>>[vector<16xi32>], vector<16xf32>,
      %parallel_loop3A_964 = arith.maximumf %parallel_loop3A_961, %parallel_loop3A_963 : vector<16xf32>
      %parallel_loop3A_965 = tpu.memref_slice %arg5[%parallel_loop3A_938] : memref<65536xf32, #tpu.memory_space<vmem>> -> memref<2048xf32, #tpu.memory_space<vmem>>
      %parallel_loop3A_966 = tpu.vector_load_idx %parallel_loop3A_965[%add3A_444] : memref<2048xf32, #tpu.memory_space<vmem>>[vector<16xi32>], vector<16xf32>,
      %parallel_loop3A_967 = arith.maximumf %parallel_loop3A_964, %parallel_loop3A_966 : vector<16xf32>
      %parallel_loop3A_968 = tpu.memref_slice %arg5[%parallel_loop3A_938] : memref<65536xf32, #tpu.memory_space<vmem>> -> memref<2048xf32, #tpu.memory_space<vmem>>
      %parallel_loop3A_969 = tpu.vector_load_idx %parallel_loop3A_968[%add3A_448] : memref<2048xf32, #tpu.memory_space<vmem>>[vector<16xi32>], vector<16xf32>,
      %parallel_loop3A_970 = arith.maximumf %parallel_loop3A_967, %parallel_loop3A_969 : vector<16xf32>
      %parallel_loop3A_971 = tpu.memref_slice %arg5[%parallel_loop3A_938] : memref<65536xf32, #tpu.memory_space<vmem>> -> memref<2048xf32, #tpu.memory_space<vmem>>
      %parallel_loop3A_972 = tpu.vector_load_idx %parallel_loop3A_971[%add3A_452] : memref<2048xf32, #tpu.memory_space<vmem>>[vector<16xi32>], vector<16xf32>,
      %parallel_loop3A_973 = arith.maximumf %parallel_loop3A_970, %parallel_loop3A_972 : vector<16xf32>
      %parallel_loop3A_974 = arith.constant 16 : i32
      %parallel_loop3A_975 = arith.muli %parallel_loop3A_936, %parallel_loop3A_974 : i32
      %parallel_loop3A_976 = arith.constant 2 : i32
      %parallel_loop3A_977 = arith.index_cast %parallel_loop3A_976 : i32 to index
      %parallel_loop3A_978 = arith.index_cast %parallel_loop3A_975 : i32 to index
      %parallel_loop3A_979 = tpu.vector_load %arg7[%parallel_loop3A_977, %parallel_loop3A_978] {strides = array<i32>} : memref<12x512xf32, #tpu.memory_space<vmem>>, vector<16xf32>,
      tpu.vector_store %arg7[%parallel_loop3A_977, %parallel_loop3A_978], %parallel_loop3A_973 {strides = array<i32>} : memref<12x512xf32, #tpu.memory_space<vmem>>, vector<16xf32>,
    } {sc.loop_unroll_factor = 1 : i64, sc.parallel_access}
    %get3A_456 = arith.constant 36 : index
    %get3A_457 = tpu.vector_load %arg6[%get3A_456] {strides = array<i32>} : memref<160xi32, #tpu.memory_space<vmem>>, vector<16xi32>,
    %reshape3A_458 = vector.shape_cast %select_n3A_25 : vector<16xi32> to vector<16x1xi32>
    %gather3A_459 = vector.shape_cast %reshape3A_458 : vector<16x1xi32> to vector<16xi32>
    %gather3A_460 = tpu.dynamic_gather %get3A_457[%gather3A_459] in [0] : vector<16xi32>, vector<16xi32> -> vector<16xi32>
    %add3A_461 = arith.addi %mul3A_7, %gather3A_460 : vector<16xi32>
    %reshape3A_462 = vector.shape_cast %select_n3A_50 : vector<16xi32> to vector<16x1xi32>
    %gather3A_463 = vector.shape_cast %reshape3A_462 : vector<16x1xi32> to vector<16xi32>
    %gather3A_464 = tpu.dynamic_gather %get3A_457[%gather3A_463] in [0] : vector<16xi32>, vector<16xi32> -> vector<16xi32>
    %add3A_465 = arith.addi %mul3A_7, %gather3A_464 : vector<16xi32>
    %reshape3A_466 = vector.shape_cast %select_n3A_75 : vector<16xi32> to vector<16x1xi32>
    %gather3A_467 = vector.shape_cast %reshape3A_466 : vector<16x1xi32> to vector<16xi32>
    %gather3A_468 = tpu.dynamic_gather %get3A_457[%gather3A_467] in [0] : vector<16xi32>, vector<16xi32> -> vector<16xi32>
    %add3A_469 = arith.addi %mul3A_7, %gather3A_468 : vector<16xi32>
    %reshape3A_470 = vector.shape_cast %select_n3A_100 : vector<16xi32> to vector<16x1xi32>
    %gather3A_471 = vector.shape_cast %reshape3A_470 : vector<16x1xi32> to vector<16xi32>
    %gather3A_472 = tpu.dynamic_gather %get3A_457[%gather3A_471] in [0] : vector<16xi32>, vector<16xi32> -> vector<16xi32>
    %add3A_473 = arith.addi %mul3A_7, %gather3A_472 : vector<16xi32>
    %reshape3A_474 = vector.shape_cast %select_n3A_125 : vector<16xi32> to vector<16x1xi32>
    %gather3A_475 = vector.shape_cast %reshape3A_474 : vector<16x1xi32> to vector<16xi32>
    %gather3A_476 = tpu.dynamic_gather %get3A_457[%gather3A_475] in [0] : vector<16xi32>, vector<16xi32> -> vector<16xi32>
    %add3A_477 = arith.addi %mul3A_7, %gather3A_476 : vector<16xi32>
    %reshape3A_478 = vector.shape_cast %select_n3A_150 : vector<16xi32> to vector<16x1xi32>
    %gather3A_479 = vector.shape_cast %reshape3A_478 : vector<16x1xi32> to vector<16xi32>
    %gather3A_480 = tpu.dynamic_gather %get3A_457[%gather3A_479] in [0] : vector<16xi32>, vector<16xi32> -> vector<16xi32>
    %add3A_481 = arith.addi %mul3A_7, %gather3A_480 : vector<16xi32>
    %reshape3A_482 = vector.shape_cast %select_n3A_175 : vector<16xi32> to vector<16x1xi32>
    %gather3A_483 = vector.shape_cast %reshape3A_482 : vector<16x1xi32> to vector<16xi32>
    %gather3A_484 = tpu.dynamic_gather %get3A_457[%gather3A_483] in [0] : vector<16xi32>, vector<16xi32> -> vector<16xi32>
    %add3A_485 = arith.addi %mul3A_7, %gather3A_484 : vector<16xi32>
    %reshape3A_486 = vector.shape_cast %select_n3A_200 : vector<16xi32> to vector<16x1xi32>
    %gather3A_487 = vector.shape_cast %reshape3A_486 : vector<16x1xi32> to vector<16xi32>
    %gather3A_488 = tpu.dynamic_gather %get3A_457[%gather3A_487] in [0] : vector<16xi32>, vector<16xi32> -> vector<16xi32>
    %add3A_489 = arith.addi %mul3A_7, %gather3A_488 : vector<16xi32>
    %reshape3A_490 = vector.shape_cast %select_n3A_225 : vector<16xi32> to vector<16x1xi32>
    %gather3A_491 = vector.shape_cast %reshape3A_490 : vector<16x1xi32> to vector<16xi32>
    %gather3A_492 = tpu.dynamic_gather %get3A_457[%gather3A_491] in [0] : vector<16xi32>, vector<16xi32> -> vector<16xi32>
    %add3A_493 = arith.addi %mul3A_7, %gather3A_492 : vector<16xi32>
    %reshape3A_494 = vector.shape_cast %select_n3A_250 : vector<16xi32> to vector<16x1xi32>
    %gather3A_495 = vector.shape_cast %reshape3A_494 : vector<16x1xi32> to vector<16xi32>
    %gather3A_496 = tpu.dynamic_gather %get3A_457[%gather3A_495] in [0] : vector<16xi32>, vector<16xi32> -> vector<16xi32>
    %add3A_497 = arith.addi %mul3A_7, %gather3A_496 : vector<16xi32>
    %reshape3A_498 = vector.shape_cast %select_n3A_275 : vector<16xi32> to vector<16x1xi32>
    %gather3A_499 = vector.shape_cast %reshape3A_498 : vector<16x1xi32> to vector<16xi32>
    %gather3A_500 = tpu.dynamic_gather %get3A_457[%gather3A_499] in [0] : vector<16xi32>, vector<16xi32> -> vector<16xi32>
    %add3A_501 = arith.addi %mul3A_7, %gather3A_500 : vector<16xi32>
    %reshape3A_502 = vector.shape_cast %select_n3A_300 : vector<16xi32> to vector<16x1xi32>
    %gather3A_503 = vector.shape_cast %reshape3A_502 : vector<16x1xi32> to vector<16xi32>
    %gather3A_504 = tpu.dynamic_gather %get3A_457[%gather3A_503] in [0] : vector<16xi32>, vector<16xi32> -> vector<16xi32>
    %add3A_505 = arith.addi %mul3A_7, %gather3A_504 : vector<16xi32>
    %parallel_loop3A_506 = arith.constant 0 : i32
    %parallel_loop3A_507 = arith.constant 32 : i32
    %parallel_loop3A_508 = arith.constant 1 : i32
    scf.for %parallel_loop3A_936 = %parallel_loop3A_506 to %parallel_loop3A_507 step %parallel_loop3A_508  : i32 {
      %parallel_loop3A_937 = arith.constant 2048 : i32
      %parallel_loop3A_938 = arith.muli %parallel_loop3A_936, %parallel_loop3A_937 : i32
      %parallel_loop3A_939 = tpu.memref_slice %arg5[%parallel_loop3A_938] : memref<65536xf32, #tpu.memory_space<vmem>> -> memref<2048xf32, #tpu.memory_space<vmem>>
      %parallel_loop3A_940 = tpu.vector_load_idx %parallel_loop3A_939[%add3A_461] : memref<2048xf32, #tpu.memory_space<vmem>>[vector<16xi32>], vector<16xf32>,
      %parallel_loop3A_941 = tpu.memref_slice %arg5[%parallel_loop3A_938] : memref<65536xf32, #tpu.memory_space<vmem>> -> memref<2048xf32, #tpu.memory_space<vmem>>
      %parallel_loop3A_942 = tpu.vector_load_idx %parallel_loop3A_941[%add3A_465] : memref<2048xf32, #tpu.memory_space<vmem>>[vector<16xi32>], vector<16xf32>,
      %parallel_loop3A_943 = arith.maximumf %parallel_loop3A_940, %parallel_loop3A_942 : vector<16xf32>
      %parallel_loop3A_944 = tpu.memref_slice %arg5[%parallel_loop3A_938] : memref<65536xf32, #tpu.memory_space<vmem>> -> memref<2048xf32, #tpu.memory_space<vmem>>
      %parallel_loop3A_945 = tpu.vector_load_idx %parallel_loop3A_944[%add3A_469] : memref<2048xf32, #tpu.memory_space<vmem>>[vector<16xi32>], vector<16xf32>,
      %parallel_loop3A_946 = arith.maximumf %parallel_loop3A_943, %parallel_loop3A_945 : vector<16xf32>
      %parallel_loop3A_947 = tpu.memref_slice %arg5[%parallel_loop3A_938] : memref<65536xf32, #tpu.memory_space<vmem>> -> memref<2048xf32, #tpu.memory_space<vmem>>
      %parallel_loop3A_948 = tpu.vector_load_idx %parallel_loop3A_947[%add3A_473] : memref<2048xf32, #tpu.memory_space<vmem>>[vector<16xi32>], vector<16xf32>,
      %parallel_loop3A_949 = arith.maximumf %parallel_loop3A_946, %parallel_loop3A_948 : vector<16xf32>
      %parallel_loop3A_950 = tpu.memref_slice %arg5[%parallel_loop3A_938] : memref<65536xf32, #tpu.memory_space<vmem>> -> memref<2048xf32, #tpu.memory_space<vmem>>
      %parallel_loop3A_951 = tpu.vector_load_idx %parallel_loop3A_950[%add3A_477] : memref<2048xf32, #tpu.memory_space<vmem>>[vector<16xi32>], vector<16xf32>,
      %parallel_loop3A_952 = arith.maximumf %parallel_loop3A_949, %parallel_loop3A_951 : vector<16xf32>
      %parallel_loop3A_953 = tpu.memref_slice %arg5[%parallel_loop3A_938] : memref<65536xf32, #tpu.memory_space<vmem>> -> memref<2048xf32, #tpu.memory_space<vmem>>
      %parallel_loop3A_954 = tpu.vector_load_idx %parallel_loop3A_953[%add3A_481] : memref<2048xf32, #tpu.memory_space<vmem>>[vector<16xi32>], vector<16xf32>,
      %parallel_loop3A_955 = arith.maximumf %parallel_loop3A_952, %parallel_loop3A_954 : vector<16xf32>
      %parallel_loop3A_956 = tpu.memref_slice %arg5[%parallel_loop3A_938] : memref<65536xf32, #tpu.memory_space<vmem>> -> memref<2048xf32, #tpu.memory_space<vmem>>
      %parallel_loop3A_957 = tpu.vector_load_idx %parallel_loop3A_956[%add3A_485] : memref<2048xf32, #tpu.memory_space<vmem>>[vector<16xi32>], vector<16xf32>,
      %parallel_loop3A_958 = arith.maximumf %parallel_loop3A_955, %parallel_loop3A_957 : vector<16xf32>
      %parallel_loop3A_959 = tpu.memref_slice %arg5[%parallel_loop3A_938] : memref<65536xf32, #tpu.memory_space<vmem>> -> memref<2048xf32, #tpu.memory_space<vmem>>
      %parallel_loop3A_960 = tpu.vector_load_idx %parallel_loop3A_959[%add3A_489] : memref<2048xf32, #tpu.memory_space<vmem>>[vector<16xi32>], vector<16xf32>,
      %parallel_loop3A_961 = arith.maximumf %parallel_loop3A_958, %parallel_loop3A_960 : vector<16xf32>
      %parallel_loop3A_962 = tpu.memref_slice %arg5[%parallel_loop3A_938] : memref<65536xf32, #tpu.memory_space<vmem>> -> memref<2048xf32, #tpu.memory_space<vmem>>
      %parallel_loop3A_963 = tpu.vector_load_idx %parallel_loop3A_962[%add3A_493] : memref<2048xf32, #tpu.memory_space<vmem>>[vector<16xi32>], vector<16xf32>,
      %parallel_loop3A_964 = arith.maximumf %parallel_loop3A_961, %parallel_loop3A_963 : vector<16xf32>
      %parallel_loop3A_965 = tpu.memref_slice %arg5[%parallel_loop3A_938] : memref<65536xf32, #tpu.memory_space<vmem>> -> memref<2048xf32, #tpu.memory_space<vmem>>
      %parallel_loop3A_966 = tpu.vector_load_idx %parallel_loop3A_965[%add3A_497] : memref<2048xf32, #tpu.memory_space<vmem>>[vector<16xi32>], vector<16xf32>,
      %parallel_loop3A_967 = arith.maximumf %parallel_loop3A_964, %parallel_loop3A_966 : vector<16xf32>
      %parallel_loop3A_968 = tpu.memref_slice %arg5[%parallel_loop3A_938] : memref<65536xf32, #tpu.memory_space<vmem>> -> memref<2048xf32, #tpu.memory_space<vmem>>
      %parallel_loop3A_969 = tpu.vector_load_idx %parallel_loop3A_968[%add3A_501] : memref<2048xf32, #tpu.memory_space<vmem>>[vector<16xi32>], vector<16xf32>,
      %parallel_loop3A_970 = arith.maximumf %parallel_loop3A_967, %parallel_loop3A_969 : vector<16xf32>
      %parallel_loop3A_971 = tpu.memref_slice %arg5[%parallel_loop3A_938] : memref<65536xf32, #tpu.memory_space<vmem>> -> memref<2048xf32, #tpu.memory_space<vmem>>
      %parallel_loop3A_972 = tpu.vector_load_idx %parallel_loop3A_971[%add3A_505] : memref<2048xf32, #tpu.memory_space<vmem>>[vector<16xi32>], vector<16xf32>,
      %parallel_loop3A_973 = arith.maximumf %parallel_loop3A_970, %parallel_loop3A_972 : vector<16xf32>
      %parallel_loop3A_974 = arith.constant 16 : i32
      %parallel_loop3A_975 = arith.muli %parallel_loop3A_936, %parallel_loop3A_974 : i32
      %parallel_loop3A_976 = arith.constant 3 : i32
      %parallel_loop3A_977 = arith.index_cast %parallel_loop3A_976 : i32 to index
      %parallel_loop3A_978 = arith.index_cast %parallel_loop3A_975 : i32 to index
      %parallel_loop3A_979 = tpu.vector_load %arg7[%parallel_loop3A_977, %parallel_loop3A_978] {strides = array<i32>} : memref<12x512xf32, #tpu.memory_space<vmem>>, vector<16xf32>,
      tpu.vector_store %arg7[%parallel_loop3A_977, %parallel_loop3A_978], %parallel_loop3A_973 {strides = array<i32>} : memref<12x512xf32, #tpu.memory_space<vmem>>, vector<16xf32>,
    } {sc.loop_unroll_factor = 1 : i64, sc.parallel_access}
    %get3A_509 = arith.constant 48 : index
    %get3A_510 = tpu.vector_load %arg6[%get3A_509] {strides = array<i32>} : memref<160xi32, #tpu.memory_space<vmem>>, vector<16xi32>,
    %reshape3A_511 = vector.shape_cast %select_n3A_25 : vector<16xi32> to vector<16x1xi32>
    %gather3A_512 = vector.shape_cast %reshape3A_511 : vector<16x1xi32> to vector<16xi32>
    %gather3A_513 = tpu.dynamic_gather %get3A_510[%gather3A_512] in [0] : vector<16xi32>, vector<16xi32> -> vector<16xi32>
    %add3A_514 = arith.addi %mul3A_7, %gather3A_513 : vector<16xi32>
    %reshape3A_515 = vector.shape_cast %select_n3A_50 : vector<16xi32> to vector<16x1xi32>
    %gather3A_516 = vector.shape_cast %reshape3A_515 : vector<16x1xi32> to vector<16xi32>
    %gather3A_517 = tpu.dynamic_gather %get3A_510[%gather3A_516] in [0] : vector<16xi32>, vector<16xi32> -> vector<16xi32>
    %add3A_518 = arith.addi %mul3A_7, %gather3A_517 : vector<16xi32>
    %reshape3A_519 = vector.shape_cast %select_n3A_75 : vector<16xi32> to vector<16x1xi32>
    %gather3A_520 = vector.shape_cast %reshape3A_519 : vector<16x1xi32> to vector<16xi32>
    %gather3A_521 = tpu.dynamic_gather %get3A_510[%gather3A_520] in [0] : vector<16xi32>, vector<16xi32> -> vector<16xi32>
    %add3A_522 = arith.addi %mul3A_7, %gather3A_521 : vector<16xi32>
    %reshape3A_523 = vector.shape_cast %select_n3A_100 : vector<16xi32> to vector<16x1xi32>
    %gather3A_524 = vector.shape_cast %reshape3A_523 : vector<16x1xi32> to vector<16xi32>
    %gather3A_525 = tpu.dynamic_gather %get3A_510[%gather3A_524] in [0] : vector<16xi32>, vector<16xi32> -> vector<16xi32>
    %add3A_526 = arith.addi %mul3A_7, %gather3A_525 : vector<16xi32>
    %reshape3A_527 = vector.shape_cast %select_n3A_125 : vector<16xi32> to vector<16x1xi32>
    %gather3A_528 = vector.shape_cast %reshape3A_527 : vector<16x1xi32> to vector<16xi32>
    %gather3A_529 = tpu.dynamic_gather %get3A_510[%gather3A_528] in [0] : vector<16xi32>, vector<16xi32> -> vector<16xi32>
    %add3A_530 = arith.addi %mul3A_7, %gather3A_529 : vector<16xi32>
    %reshape3A_531 = vector.shape_cast %select_n3A_150 : vector<16xi32> to vector<16x1xi32>
    %gather3A_532 = vector.shape_cast %reshape3A_531 : vector<16x1xi32> to vector<16xi32>
    %gather3A_533 = tpu.dynamic_gather %get3A_510[%gather3A_532] in [0] : vector<16xi32>, vector<16xi32> -> vector<16xi32>
    %add3A_534 = arith.addi %mul3A_7, %gather3A_533 : vector<16xi32>
    %reshape3A_535 = vector.shape_cast %select_n3A_175 : vector<16xi32> to vector<16x1xi32>
    %gather3A_536 = vector.shape_cast %reshape3A_535 : vector<16x1xi32> to vector<16xi32>
    %gather3A_537 = tpu.dynamic_gather %get3A_510[%gather3A_536] in [0] : vector<16xi32>, vector<16xi32> -> vector<16xi32>
    %add3A_538 = arith.addi %mul3A_7, %gather3A_537 : vector<16xi32>
    %reshape3A_539 = vector.shape_cast %select_n3A_200 : vector<16xi32> to vector<16x1xi32>
    %gather3A_540 = vector.shape_cast %reshape3A_539 : vector<16x1xi32> to vector<16xi32>
    %gather3A_541 = tpu.dynamic_gather %get3A_510[%gather3A_540] in [0] : vector<16xi32>, vector<16xi32> -> vector<16xi32>
    %add3A_542 = arith.addi %mul3A_7, %gather3A_541 : vector<16xi32>
    %reshape3A_543 = vector.shape_cast %select_n3A_225 : vector<16xi32> to vector<16x1xi32>
    %gather3A_544 = vector.shape_cast %reshape3A_543 : vector<16x1xi32> to vector<16xi32>
    %gather3A_545 = tpu.dynamic_gather %get3A_510[%gather3A_544] in [0] : vector<16xi32>, vector<16xi32> -> vector<16xi32>
    %add3A_546 = arith.addi %mul3A_7, %gather3A_545 : vector<16xi32>
    %reshape3A_547 = vector.shape_cast %select_n3A_250 : vector<16xi32> to vector<16x1xi32>
    %gather3A_548 = vector.shape_cast %reshape3A_547 : vector<16x1xi32> to vector<16xi32>
    %gather3A_549 = tpu.dynamic_gather %get3A_510[%gather3A_548] in [0] : vector<16xi32>, vector<16xi32> -> vector<16xi32>
    %add3A_550 = arith.addi %mul3A_7, %gather3A_549 : vector<16xi32>
    %reshape3A_551 = vector.shape_cast %select_n3A_275 : vector<16xi32> to vector<16x1xi32>
    %gather3A_552 = vector.shape_cast %reshape3A_551 : vector<16x1xi32> to vector<16xi32>
    %gather3A_553 = tpu.dynamic_gather %get3A_510[%gather3A_552] in [0] : vector<16xi32>, vector<16xi32> -> vector<16xi32>
    %add3A_554 = arith.addi %mul3A_7, %gather3A_553 : vector<16xi32>
    %reshape3A_555 = vector.shape_cast %select_n3A_300 : vector<16xi32> to vector<16x1xi32>
    %gather3A_556 = vector.shape_cast %reshape3A_555 : vector<16x1xi32> to vector<16xi32>
    %gather3A_557 = tpu.dynamic_gather %get3A_510[%gather3A_556] in [0] : vector<16xi32>, vector<16xi32> -> vector<16xi32>
    %add3A_558 = arith.addi %mul3A_7, %gather3A_557 : vector<16xi32>
    %parallel_loop3A_559 = arith.constant 0 : i32
    %parallel_loop3A_560 = arith.constant 32 : i32
    %parallel_loop3A_561 = arith.constant 1 : i32
    scf.for %parallel_loop3A_936 = %parallel_loop3A_559 to %parallel_loop3A_560 step %parallel_loop3A_561  : i32 {
      %parallel_loop3A_937 = arith.constant 2048 : i32
      %parallel_loop3A_938 = arith.muli %parallel_loop3A_936, %parallel_loop3A_937 : i32
      %parallel_loop3A_939 = tpu.memref_slice %arg5[%parallel_loop3A_938] : memref<65536xf32, #tpu.memory_space<vmem>> -> memref<2048xf32, #tpu.memory_space<vmem>>
      %parallel_loop3A_940 = tpu.vector_load_idx %parallel_loop3A_939[%add3A_514] : memref<2048xf32, #tpu.memory_space<vmem>>[vector<16xi32>], vector<16xf32>,
      %parallel_loop3A_941 = tpu.memref_slice %arg5[%parallel_loop3A_938] : memref<65536xf32, #tpu.memory_space<vmem>> -> memref<2048xf32, #tpu.memory_space<vmem>>
      %parallel_loop3A_942 = tpu.vector_load_idx %parallel_loop3A_941[%add3A_518] : memref<2048xf32, #tpu.memory_space<vmem>>[vector<16xi32>], vector<16xf32>,
      %parallel_loop3A_943 = arith.maximumf %parallel_loop3A_940, %parallel_loop3A_942 : vector<16xf32>
      %parallel_loop3A_944 = tpu.memref_slice %arg5[%parallel_loop3A_938] : memref<65536xf32, #tpu.memory_space<vmem>> -> memref<2048xf32, #tpu.memory_space<vmem>>
      %parallel_loop3A_945 = tpu.vector_load_idx %parallel_loop3A_944[%add3A_522] : memref<2048xf32, #tpu.memory_space<vmem>>[vector<16xi32>], vector<16xf32>,
      %parallel_loop3A_946 = arith.maximumf %parallel_loop3A_943, %parallel_loop3A_945 : vector<16xf32>
      %parallel_loop3A_947 = tpu.memref_slice %arg5[%parallel_loop3A_938] : memref<65536xf32, #tpu.memory_space<vmem>> -> memref<2048xf32, #tpu.memory_space<vmem>>
      %parallel_loop3A_948 = tpu.vector_load_idx %parallel_loop3A_947[%add3A_526] : memref<2048xf32, #tpu.memory_space<vmem>>[vector<16xi32>], vector<16xf32>,
      %parallel_loop3A_949 = arith.maximumf %parallel_loop3A_946, %parallel_loop3A_948 : vector<16xf32>
      %parallel_loop3A_950 = tpu.memref_slice %arg5[%parallel_loop3A_938] : memref<65536xf32, #tpu.memory_space<vmem>> -> memref<2048xf32, #tpu.memory_space<vmem>>
      %parallel_loop3A_951 = tpu.vector_load_idx %parallel_loop3A_950[%add3A_530] : memref<2048xf32, #tpu.memory_space<vmem>>[vector<16xi32>], vector<16xf32>,
      %parallel_loop3A_952 = arith.maximumf %parallel_loop3A_949, %parallel_loop3A_951 : vector<16xf32>
      %parallel_loop3A_953 = tpu.memref_slice %arg5[%parallel_loop3A_938] : memref<65536xf32, #tpu.memory_space<vmem>> -> memref<2048xf32, #tpu.memory_space<vmem>>
      %parallel_loop3A_954 = tpu.vector_load_idx %parallel_loop3A_953[%add3A_534] : memref<2048xf32, #tpu.memory_space<vmem>>[vector<16xi32>], vector<16xf32>,
      %parallel_loop3A_955 = arith.maximumf %parallel_loop3A_952, %parallel_loop3A_954 : vector<16xf32>
      %parallel_loop3A_956 = tpu.memref_slice %arg5[%parallel_loop3A_938] : memref<65536xf32, #tpu.memory_space<vmem>> -> memref<2048xf32, #tpu.memory_space<vmem>>
      %parallel_loop3A_957 = tpu.vector_load_idx %parallel_loop3A_956[%add3A_538] : memref<2048xf32, #tpu.memory_space<vmem>>[vector<16xi32>], vector<16xf32>,
      %parallel_loop3A_958 = arith.maximumf %parallel_loop3A_955, %parallel_loop3A_957 : vector<16xf32>
      %parallel_loop3A_959 = tpu.memref_slice %arg5[%parallel_loop3A_938] : memref<65536xf32, #tpu.memory_space<vmem>> -> memref<2048xf32, #tpu.memory_space<vmem>>
      %parallel_loop3A_960 = tpu.vector_load_idx %parallel_loop3A_959[%add3A_542] : memref<2048xf32, #tpu.memory_space<vmem>>[vector<16xi32>], vector<16xf32>,
      %parallel_loop3A_961 = arith.maximumf %parallel_loop3A_958, %parallel_loop3A_960 : vector<16xf32>
      %parallel_loop3A_962 = tpu.memref_slice %arg5[%parallel_loop3A_938] : memref<65536xf32, #tpu.memory_space<vmem>> -> memref<2048xf32, #tpu.memory_space<vmem>>
      %parallel_loop3A_963 = tpu.vector_load_idx %parallel_loop3A_962[%add3A_546] : memref<2048xf32, #tpu.memory_space<vmem>>[vector<16xi32>], vector<16xf32>,
      %parallel_loop3A_964 = arith.maximumf %parallel_loop3A_961, %parallel_loop3A_963 : vector<16xf32>
      %parallel_loop3A_965 = tpu.memref_slice %arg5[%parallel_loop3A_938] : memref<65536xf32, #tpu.memory_space<vmem>> -> memref<2048xf32, #tpu.memory_space<vmem>>
      %parallel_loop3A_966 = tpu.vector_load_idx %parallel_loop3A_965[%add3A_550] : memref<2048xf32, #tpu.memory_space<vmem>>[vector<16xi32>], vector<16xf32>,
      %parallel_loop3A_967 = arith.maximumf %parallel_loop3A_964, %parallel_loop3A_966 : vector<16xf32>
      %parallel_loop3A_968 = tpu.memref_slice %arg5[%parallel_loop3A_938] : memref<65536xf32, #tpu.memory_space<vmem>> -> memref<2048xf32, #tpu.memory_space<vmem>>
      %parallel_loop3A_969 = tpu.vector_load_idx %parallel_loop3A_968[%add3A_554] : memref<2048xf32, #tpu.memory_space<vmem>>[vector<16xi32>], vector<16xf32>,
      %parallel_loop3A_970 = arith.maximumf %parallel_loop3A_967, %parallel_loop3A_969 : vector<16xf32>
      %parallel_loop3A_971 = tpu.memref_slice %arg5[%parallel_loop3A_938] : memref<65536xf32, #tpu.memory_space<vmem>> -> memref<2048xf32, #tpu.memory_space<vmem>>
      %parallel_loop3A_972 = tpu.vector_load_idx %parallel_loop3A_971[%add3A_558] : memref<2048xf32, #tpu.memory_space<vmem>>[vector<16xi32>], vector<16xf32>,
      %parallel_loop3A_973 = arith.maximumf %parallel_loop3A_970, %parallel_loop3A_972 : vector<16xf32>
      %parallel_loop3A_974 = arith.constant 16 : i32
      %parallel_loop3A_975 = arith.muli %parallel_loop3A_936, %parallel_loop3A_974 : i32
      %parallel_loop3A_976 = arith.constant 4 : i32
      %parallel_loop3A_977 = arith.index_cast %parallel_loop3A_976 : i32 to index
      %parallel_loop3A_978 = arith.index_cast %parallel_loop3A_975 : i32 to index
      %parallel_loop3A_979 = tpu.vector_load %arg7[%parallel_loop3A_977, %parallel_loop3A_978] {strides = array<i32>} : memref<12x512xf32, #tpu.memory_space<vmem>>, vector<16xf32>,
      tpu.vector_store %arg7[%parallel_loop3A_977, %parallel_loop3A_978], %parallel_loop3A_973 {strides = array<i32>} : memref<12x512xf32, #tpu.memory_space<vmem>>, vector<16xf32>,
    } {sc.loop_unroll_factor = 1 : i64, sc.parallel_access}
    %get3A_562 = arith.constant 60 : index
    %get3A_563 = tpu.vector_load %arg6[%get3A_562] {strides = array<i32>} : memref<160xi32, #tpu.memory_space<vmem>>, vector<16xi32>,
    %reshape3A_564 = vector.shape_cast %select_n3A_25 : vector<16xi32> to vector<16x1xi32>
    %gather3A_565 = vector.shape_cast %reshape3A_564 : vector<16x1xi32> to vector<16xi32>
    %gather3A_566 = tpu.dynamic_gather %get3A_563[%gather3A_565] in [0] : vector<16xi32>, vector<16xi32> -> vector<16xi32>
    %add3A_567 = arith.addi %mul3A_7, %gather3A_566 : vector<16xi32>
    %reshape3A_568 = vector.shape_cast %select_n3A_50 : vector<16xi32> to vector<16x1xi32>
    %gather3A_569 = vector.shape_cast %reshape3A_568 : vector<16x1xi32> to vector<16xi32>
    %gather3A_570 = tpu.dynamic_gather %get3A_563[%gather3A_569] in [0] : vector<16xi32>, vector<16xi32> -> vector<16xi32>
    %add3A_571 = arith.addi %mul3A_7, %gather3A_570 : vector<16xi32>
    %reshape3A_572 = vector.shape_cast %select_n3A_75 : vector<16xi32> to vector<16x1xi32>
    %gather3A_573 = vector.shape_cast %reshape3A_572 : vector<16x1xi32> to vector<16xi32>
    %gather3A_574 = tpu.dynamic_gather %get3A_563[%gather3A_573] in [0] : vector<16xi32>, vector<16xi32> -> vector<16xi32>
    %add3A_575 = arith.addi %mul3A_7, %gather3A_574 : vector<16xi32>
    %reshape3A_576 = vector.shape_cast %select_n3A_100 : vector<16xi32> to vector<16x1xi32>
    %gather3A_577 = vector.shape_cast %reshape3A_576 : vector<16x1xi32> to vector<16xi32>
    %gather3A_578 = tpu.dynamic_gather %get3A_563[%gather3A_577] in [0] : vector<16xi32>, vector<16xi32> -> vector<16xi32>
    %add3A_579 = arith.addi %mul3A_7, %gather3A_578 : vector<16xi32>
    %reshape3A_580 = vector.shape_cast %select_n3A_125 : vector<16xi32> to vector<16x1xi32>
    %gather3A_581 = vector.shape_cast %reshape3A_580 : vector<16x1xi32> to vector<16xi32>
    %gather3A_582 = tpu.dynamic_gather %get3A_563[%gather3A_581] in [0] : vector<16xi32>, vector<16xi32> -> vector<16xi32>
    %add3A_583 = arith.addi %mul3A_7, %gather3A_582 : vector<16xi32>
    %reshape3A_584 = vector.shape_cast %select_n3A_150 : vector<16xi32> to vector<16x1xi32>
    %gather3A_585 = vector.shape_cast %reshape3A_584 : vector<16x1xi32> to vector<16xi32>
    %gather3A_586 = tpu.dynamic_gather %get3A_563[%gather3A_585] in [0] : vector<16xi32>, vector<16xi32> -> vector<16xi32>
    %add3A_587 = arith.addi %mul3A_7, %gather3A_586 : vector<16xi32>
    %reshape3A_588 = vector.shape_cast %select_n3A_175 : vector<16xi32> to vector<16x1xi32>
    %gather3A_589 = vector.shape_cast %reshape3A_588 : vector<16x1xi32> to vector<16xi32>
    %gather3A_590 = tpu.dynamic_gather %get3A_563[%gather3A_589] in [0] : vector<16xi32>, vector<16xi32> -> vector<16xi32>
    %add3A_591 = arith.addi %mul3A_7, %gather3A_590 : vector<16xi32>
    %reshape3A_592 = vector.shape_cast %select_n3A_200 : vector<16xi32> to vector<16x1xi32>
    %gather3A_593 = vector.shape_cast %reshape3A_592 : vector<16x1xi32> to vector<16xi32>
    %gather3A_594 = tpu.dynamic_gather %get3A_563[%gather3A_593] in [0] : vector<16xi32>, vector<16xi32> -> vector<16xi32>
    %add3A_595 = arith.addi %mul3A_7, %gather3A_594 : vector<16xi32>
    %reshape3A_596 = vector.shape_cast %select_n3A_225 : vector<16xi32> to vector<16x1xi32>
    %gather3A_597 = vector.shape_cast %reshape3A_596 : vector<16x1xi32> to vector<16xi32>
    %gather3A_598 = tpu.dynamic_gather %get3A_563[%gather3A_597] in [0] : vector<16xi32>, vector<16xi32> -> vector<16xi32>
    %add3A_599 = arith.addi %mul3A_7, %gather3A_598 : vector<16xi32>
    %reshape3A_600 = vector.shape_cast %select_n3A_250 : vector<16xi32> to vector<16x1xi32>
    %gather3A_601 = vector.shape_cast %reshape3A_600 : vector<16x1xi32> to vector<16xi32>
    %gather3A_602 = tpu.dynamic_gather %get3A_563[%gather3A_601] in [0] : vector<16xi32>, vector<16xi32> -> vector<16xi32>
    %add3A_603 = arith.addi %mul3A_7, %gather3A_602 : vector<16xi32>
    %reshape3A_604 = vector.shape_cast %select_n3A_275 : vector<16xi32> to vector<16x1xi32>
    %gather3A_605 = vector.shape_cast %reshape3A_604 : vector<16x1xi32> to vector<16xi32>
    %gather3A_606 = tpu.dynamic_gather %get3A_563[%gather3A_605] in [0] : vector<16xi32>, vector<16xi32> -> vector<16xi32>
    %add3A_607 = arith.addi %mul3A_7, %gather3A_606 : vector<16xi32>
    %reshape3A_608 = vector.shape_cast %select_n3A_300 : vector<16xi32> to vector<16x1xi32>
    %gather3A_609 = vector.shape_cast %reshape3A_608 : vector<16x1xi32> to vector<16xi32>
    %gather3A_610 = tpu.dynamic_gather %get3A_563[%gather3A_609] in [0] : vector<16xi32>, vector<16xi32> -> vector<16xi32>
    %add3A_611 = arith.addi %mul3A_7, %gather3A_610 : vector<16xi32>
    %parallel_loop3A_612 = arith.constant 0 : i32
    %parallel_loop3A_613 = arith.constant 32 : i32
    %parallel_loop3A_614 = arith.constant 1 : i32
    scf.for %parallel_loop3A_936 = %parallel_loop3A_612 to %parallel_loop3A_613 step %parallel_loop3A_614  : i32 {
      %parallel_loop3A_937 = arith.constant 2048 : i32
      %parallel_loop3A_938 = arith.muli %parallel_loop3A_936, %parallel_loop3A_937 : i32
      %parallel_loop3A_939 = tpu.memref_slice %arg5[%parallel_loop3A_938] : memref<65536xf32, #tpu.memory_space<vmem>> -> memref<2048xf32, #tpu.memory_space<vmem>>
      %parallel_loop3A_940 = tpu.vector_load_idx %parallel_loop3A_939[%add3A_567] : memref<2048xf32, #tpu.memory_space<vmem>>[vector<16xi32>], vector<16xf32>,
      %parallel_loop3A_941 = tpu.memref_slice %arg5[%parallel_loop3A_938] : memref<65536xf32, #tpu.memory_space<vmem>> -> memref<2048xf32, #tpu.memory_space<vmem>>
      %parallel_loop3A_942 = tpu.vector_load_idx %parallel_loop3A_941[%add3A_571] : memref<2048xf32, #tpu.memory_space<vmem>>[vector<16xi32>], vector<16xf32>,
      %parallel_loop3A_943 = arith.maximumf %parallel_loop3A_940, %parallel_loop3A_942 : vector<16xf32>
      %parallel_loop3A_944 = tpu.memref_slice %arg5[%parallel_loop3A_938] : memref<65536xf32, #tpu.memory_space<vmem>> -> memref<2048xf32, #tpu.memory_space<vmem>>
      %parallel_loop3A_945 = tpu.vector_load_idx %parallel_loop3A_944[%add3A_575] : memref<2048xf32, #tpu.memory_space<vmem>>[vector<16xi32>], vector<16xf32>,
      %parallel_loop3A_946 = arith.maximumf %parallel_loop3A_943, %parallel_loop3A_945 : vector<16xf32>
      %parallel_loop3A_947 = tpu.memref_slice %arg5[%parallel_loop3A_938] : memref<65536xf32, #tpu.memory_space<vmem>> -> memref<2048xf32, #tpu.memory_space<vmem>>
      %parallel_loop3A_948 = tpu.vector_load_idx %parallel_loop3A_947[%add3A_579] : memref<2048xf32, #tpu.memory_space<vmem>>[vector<16xi32>], vector<16xf32>,
      %parallel_loop3A_949 = arith.maximumf %parallel_loop3A_946, %parallel_loop3A_948 : vector<16xf32>
      %parallel_loop3A_950 = tpu.memref_slice %arg5[%parallel_loop3A_938] : memref<65536xf32, #tpu.memory_space<vmem>> -> memref<2048xf32, #tpu.memory_space<vmem>>
      %parallel_loop3A_951 = tpu.vector_load_idx %parallel_loop3A_950[%add3A_583] : memref<2048xf32, #tpu.memory_space<vmem>>[vector<16xi32>], vector<16xf32>,
      %parallel_loop3A_952 = arith.maximumf %parallel_loop3A_949, %parallel_loop3A_951 : vector<16xf32>
      %parallel_loop3A_953 = tpu.memref_slice %arg5[%parallel_loop3A_938] : memref<65536xf32, #tpu.memory_space<vmem>> -> memref<2048xf32, #tpu.memory_space<vmem>>
      %parallel_loop3A_954 = tpu.vector_load_idx %parallel_loop3A_953[%add3A_587] : memref<2048xf32, #tpu.memory_space<vmem>>[vector<16xi32>], vector<16xf32>,
      %parallel_loop3A_955 = arith.maximumf %parallel_loop3A_952, %parallel_loop3A_954 : vector<16xf32>
      %parallel_loop3A_956 = tpu.memref_slice %arg5[%parallel_loop3A_938] : memref<65536xf32, #tpu.memory_space<vmem>> -> memref<2048xf32, #tpu.memory_space<vmem>>
      %parallel_loop3A_957 = tpu.vector_load_idx %parallel_loop3A_956[%add3A_591] : memref<2048xf32, #tpu.memory_space<vmem>>[vector<16xi32>], vector<16xf32>,
      %parallel_loop3A_958 = arith.maximumf %parallel_loop3A_955, %parallel_loop3A_957 : vector<16xf32>
      %parallel_loop3A_959 = tpu.memref_slice %arg5[%parallel_loop3A_938] : memref<65536xf32, #tpu.memory_space<vmem>> -> memref<2048xf32, #tpu.memory_space<vmem>>
      %parallel_loop3A_960 = tpu.vector_load_idx %parallel_loop3A_959[%add3A_595] : memref<2048xf32, #tpu.memory_space<vmem>>[vector<16xi32>], vector<16xf32>,
      %parallel_loop3A_961 = arith.maximumf %parallel_loop3A_958, %parallel_loop3A_960 : vector<16xf32>
      %parallel_loop3A_962 = tpu.memref_slice %arg5[%parallel_loop3A_938] : memref<65536xf32, #tpu.memory_space<vmem>> -> memref<2048xf32, #tpu.memory_space<vmem>>
      %parallel_loop3A_963 = tpu.vector_load_idx %parallel_loop3A_962[%add3A_599] : memref<2048xf32, #tpu.memory_space<vmem>>[vector<16xi32>], vector<16xf32>,
      %parallel_loop3A_964 = arith.maximumf %parallel_loop3A_961, %parallel_loop3A_963 : vector<16xf32>
      %parallel_loop3A_965 = tpu.memref_slice %arg5[%parallel_loop3A_938] : memref<65536xf32, #tpu.memory_space<vmem>> -> memref<2048xf32, #tpu.memory_space<vmem>>
      %parallel_loop3A_966 = tpu.vector_load_idx %parallel_loop3A_965[%add3A_603] : memref<2048xf32, #tpu.memory_space<vmem>>[vector<16xi32>], vector<16xf32>,
      %parallel_loop3A_967 = arith.maximumf %parallel_loop3A_964, %parallel_loop3A_966 : vector<16xf32>
      %parallel_loop3A_968 = tpu.memref_slice %arg5[%parallel_loop3A_938] : memref<65536xf32, #tpu.memory_space<vmem>> -> memref<2048xf32, #tpu.memory_space<vmem>>
      %parallel_loop3A_969 = tpu.vector_load_idx %parallel_loop3A_968[%add3A_607] : memref<2048xf32, #tpu.memory_space<vmem>>[vector<16xi32>], vector<16xf32>,
      %parallel_loop3A_970 = arith.maximumf %parallel_loop3A_967, %parallel_loop3A_969 : vector<16xf32>
      %parallel_loop3A_971 = tpu.memref_slice %arg5[%parallel_loop3A_938] : memref<65536xf32, #tpu.memory_space<vmem>> -> memref<2048xf32, #tpu.memory_space<vmem>>
      %parallel_loop3A_972 = tpu.vector_load_idx %parallel_loop3A_971[%add3A_611] : memref<2048xf32, #tpu.memory_space<vmem>>[vector<16xi32>], vector<16xf32>,
      %parallel_loop3A_973 = arith.maximumf %parallel_loop3A_970, %parallel_loop3A_972 : vector<16xf32>
      %parallel_loop3A_974 = arith.constant 16 : i32
      %parallel_loop3A_975 = arith.muli %parallel_loop3A_936, %parallel_loop3A_974 : i32
      %parallel_loop3A_976 = arith.constant 5 : i32
      %parallel_loop3A_977 = arith.index_cast %parallel_loop3A_976 : i32 to index
      %parallel_loop3A_978 = arith.index_cast %parallel_loop3A_975 : i32 to index
      %parallel_loop3A_979 = tpu.vector_load %arg7[%parallel_loop3A_977, %parallel_loop3A_978] {strides = array<i32>} : memref<12x512xf32, #tpu.memory_space<vmem>>, vector<16xf32>,
      tpu.vector_store %arg7[%parallel_loop3A_977, %parallel_loop3A_978], %parallel_loop3A_973 {strides = array<i32>} : memref<12x512xf32, #tpu.memory_space<vmem>>, vector<16xf32>,
    } {sc.loop_unroll_factor = 1 : i64, sc.parallel_access}
    %get3A_615 = arith.constant 72 : index
    %get3A_616 = tpu.vector_load %arg6[%get3A_615] {strides = array<i32>} : memref<160xi32, #tpu.memory_space<vmem>>, vector<16xi32>,
    %reshape3A_617 = vector.shape_cast %select_n3A_25 : vector<16xi32> to vector<16x1xi32>
    %gather3A_618 = vector.shape_cast %reshape3A_617 : vector<16x1xi32> to vector<16xi32>
    %gather3A_619 = tpu.dynamic_gather %get3A_616[%gather3A_618] in [0] : vector<16xi32>, vector<16xi32> -> vector<16xi32>
    %add3A_620 = arith.addi %mul3A_7, %gather3A_619 : vector<16xi32>
    %reshape3A_621 = vector.shape_cast %select_n3A_50 : vector<16xi32> to vector<16x1xi32>
    %gather3A_622 = vector.shape_cast %reshape3A_621 : vector<16x1xi32> to vector<16xi32>
    %gather3A_623 = tpu.dynamic_gather %get3A_616[%gather3A_622] in [0] : vector<16xi32>, vector<16xi32> -> vector<16xi32>
    %add3A_624 = arith.addi %mul3A_7, %gather3A_623 : vector<16xi32>
    %reshape3A_625 = vector.shape_cast %select_n3A_75 : vector<16xi32> to vector<16x1xi32>
    %gather3A_626 = vector.shape_cast %reshape3A_625 : vector<16x1xi32> to vector<16xi32>
    %gather3A_627 = tpu.dynamic_gather %get3A_616[%gather3A_626] in [0] : vector<16xi32>, vector<16xi32> -> vector<16xi32>
    %add3A_628 = arith.addi %mul3A_7, %gather3A_627 : vector<16xi32>
    %reshape3A_629 = vector.shape_cast %select_n3A_100 : vector<16xi32> to vector<16x1xi32>
    %gather3A_630 = vector.shape_cast %reshape3A_629 : vector<16x1xi32> to vector<16xi32>
    %gather3A_631 = tpu.dynamic_gather %get3A_616[%gather3A_630] in [0] : vector<16xi32>, vector<16xi32> -> vector<16xi32>
    %add3A_632 = arith.addi %mul3A_7, %gather3A_631 : vector<16xi32>
    %reshape3A_633 = vector.shape_cast %select_n3A_125 : vector<16xi32> to vector<16x1xi32>
    %gather3A_634 = vector.shape_cast %reshape3A_633 : vector<16x1xi32> to vector<16xi32>
    %gather3A_635 = tpu.dynamic_gather %get3A_616[%gather3A_634] in [0] : vector<16xi32>, vector<16xi32> -> vector<16xi32>
    %add3A_636 = arith.addi %mul3A_7, %gather3A_635 : vector<16xi32>
    %reshape3A_637 = vector.shape_cast %select_n3A_150 : vector<16xi32> to vector<16x1xi32>
    %gather3A_638 = vector.shape_cast %reshape3A_637 : vector<16x1xi32> to vector<16xi32>
    %gather3A_639 = tpu.dynamic_gather %get3A_616[%gather3A_638] in [0] : vector<16xi32>, vector<16xi32> -> vector<16xi32>
    %add3A_640 = arith.addi %mul3A_7, %gather3A_639 : vector<16xi32>
    %reshape3A_641 = vector.shape_cast %select_n3A_175 : vector<16xi32> to vector<16x1xi32>
    %gather3A_642 = vector.shape_cast %reshape3A_641 : vector<16x1xi32> to vector<16xi32>
    %gather3A_643 = tpu.dynamic_gather %get3A_616[%gather3A_642] in [0] : vector<16xi32>, vector<16xi32> -> vector<16xi32>
    %add3A_644 = arith.addi %mul3A_7, %gather3A_643 : vector<16xi32>
    %reshape3A_645 = vector.shape_cast %select_n3A_200 : vector<16xi32> to vector<16x1xi32>
    %gather3A_646 = vector.shape_cast %reshape3A_645 : vector<16x1xi32> to vector<16xi32>
    %gather3A_647 = tpu.dynamic_gather %get3A_616[%gather3A_646] in [0] : vector<16xi32>, vector<16xi32> -> vector<16xi32>
    %add3A_648 = arith.addi %mul3A_7, %gather3A_647 : vector<16xi32>
    %reshape3A_649 = vector.shape_cast %select_n3A_225 : vector<16xi32> to vector<16x1xi32>
    %gather3A_650 = vector.shape_cast %reshape3A_649 : vector<16x1xi32> to vector<16xi32>
    %gather3A_651 = tpu.dynamic_gather %get3A_616[%gather3A_650] in [0] : vector<16xi32>, vector<16xi32> -> vector<16xi32>
    %add3A_652 = arith.addi %mul3A_7, %gather3A_651 : vector<16xi32>
    %reshape3A_653 = vector.shape_cast %select_n3A_250 : vector<16xi32> to vector<16x1xi32>
    %gather3A_654 = vector.shape_cast %reshape3A_653 : vector<16x1xi32> to vector<16xi32>
    %gather3A_655 = tpu.dynamic_gather %get3A_616[%gather3A_654] in [0] : vector<16xi32>, vector<16xi32> -> vector<16xi32>
    %add3A_656 = arith.addi %mul3A_7, %gather3A_655 : vector<16xi32>
    %reshape3A_657 = vector.shape_cast %select_n3A_275 : vector<16xi32> to vector<16x1xi32>
    %gather3A_658 = vector.shape_cast %reshape3A_657 : vector<16x1xi32> to vector<16xi32>
    %gather3A_659 = tpu.dynamic_gather %get3A_616[%gather3A_658] in [0] : vector<16xi32>, vector<16xi32> -> vector<16xi32>
    %add3A_660 = arith.addi %mul3A_7, %gather3A_659 : vector<16xi32>
    %reshape3A_661 = vector.shape_cast %select_n3A_300 : vector<16xi32> to vector<16x1xi32>
    %gather3A_662 = vector.shape_cast %reshape3A_661 : vector<16x1xi32> to vector<16xi32>
    %gather3A_663 = tpu.dynamic_gather %get3A_616[%gather3A_662] in [0] : vector<16xi32>, vector<16xi32> -> vector<16xi32>
    %add3A_664 = arith.addi %mul3A_7, %gather3A_663 : vector<16xi32>
    %parallel_loop3A_665 = arith.constant 0 : i32
    %parallel_loop3A_666 = arith.constant 32 : i32
    %parallel_loop3A_667 = arith.constant 1 : i32
    scf.for %parallel_loop3A_936 = %parallel_loop3A_665 to %parallel_loop3A_666 step %parallel_loop3A_667  : i32 {
      %parallel_loop3A_937 = arith.constant 2048 : i32
      %parallel_loop3A_938 = arith.muli %parallel_loop3A_936, %parallel_loop3A_937 : i32
      %parallel_loop3A_939 = tpu.memref_slice %arg5[%parallel_loop3A_938] : memref<65536xf32, #tpu.memory_space<vmem>> -> memref<2048xf32, #tpu.memory_space<vmem>>
      %parallel_loop3A_940 = tpu.vector_load_idx %parallel_loop3A_939[%add3A_620] : memref<2048xf32, #tpu.memory_space<vmem>>[vector<16xi32>], vector<16xf32>,
      %parallel_loop3A_941 = tpu.memref_slice %arg5[%parallel_loop3A_938] : memref<65536xf32, #tpu.memory_space<vmem>> -> memref<2048xf32, #tpu.memory_space<vmem>>
      %parallel_loop3A_942 = tpu.vector_load_idx %parallel_loop3A_941[%add3A_624] : memref<2048xf32, #tpu.memory_space<vmem>>[vector<16xi32>], vector<16xf32>,
      %parallel_loop3A_943 = arith.maximumf %parallel_loop3A_940, %parallel_loop3A_942 : vector<16xf32>
      %parallel_loop3A_944 = tpu.memref_slice %arg5[%parallel_loop3A_938] : memref<65536xf32, #tpu.memory_space<vmem>> -> memref<2048xf32, #tpu.memory_space<vmem>>
      %parallel_loop3A_945 = tpu.vector_load_idx %parallel_loop3A_944[%add3A_628] : memref<2048xf32, #tpu.memory_space<vmem>>[vector<16xi32>], vector<16xf32>,
      %parallel_loop3A_946 = arith.maximumf %parallel_loop3A_943, %parallel_loop3A_945 : vector<16xf32>
      %parallel_loop3A_947 = tpu.memref_slice %arg5[%parallel_loop3A_938] : memref<65536xf32, #tpu.memory_space<vmem>> -> memref<2048xf32, #tpu.memory_space<vmem>>
      %parallel_loop3A_948 = tpu.vector_load_idx %parallel_loop3A_947[%add3A_632] : memref<2048xf32, #tpu.memory_space<vmem>>[vector<16xi32>], vector<16xf32>,
      %parallel_loop3A_949 = arith.maximumf %parallel_loop3A_946, %parallel_loop3A_948 : vector<16xf32>
      %parallel_loop3A_950 = tpu.memref_slice %arg5[%parallel_loop3A_938] : memref<65536xf32, #tpu.memory_space<vmem>> -> memref<2048xf32, #tpu.memory_space<vmem>>
      %parallel_loop3A_951 = tpu.vector_load_idx %parallel_loop3A_950[%add3A_636] : memref<2048xf32, #tpu.memory_space<vmem>>[vector<16xi32>], vector<16xf32>,
      %parallel_loop3A_952 = arith.maximumf %parallel_loop3A_949, %parallel_loop3A_951 : vector<16xf32>
      %parallel_loop3A_953 = tpu.memref_slice %arg5[%parallel_loop3A_938] : memref<65536xf32, #tpu.memory_space<vmem>> -> memref<2048xf32, #tpu.memory_space<vmem>>
      %parallel_loop3A_954 = tpu.vector_load_idx %parallel_loop3A_953[%add3A_640] : memref<2048xf32, #tpu.memory_space<vmem>>[vector<16xi32>], vector<16xf32>,
      %parallel_loop3A_955 = arith.maximumf %parallel_loop3A_952, %parallel_loop3A_954 : vector<16xf32>
      %parallel_loop3A_956 = tpu.memref_slice %arg5[%parallel_loop3A_938] : memref<65536xf32, #tpu.memory_space<vmem>> -> memref<2048xf32, #tpu.memory_space<vmem>>
      %parallel_loop3A_957 = tpu.vector_load_idx %parallel_loop3A_956[%add3A_644] : memref<2048xf32, #tpu.memory_space<vmem>>[vector<16xi32>], vector<16xf32>,
      %parallel_loop3A_958 = arith.maximumf %parallel_loop3A_955, %parallel_loop3A_957 : vector<16xf32>
      %parallel_loop3A_959 = tpu.memref_slice %arg5[%parallel_loop3A_938] : memref<65536xf32, #tpu.memory_space<vmem>> -> memref<2048xf32, #tpu.memory_space<vmem>>
      %parallel_loop3A_960 = tpu.vector_load_idx %parallel_loop3A_959[%add3A_648] : memref<2048xf32, #tpu.memory_space<vmem>>[vector<16xi32>], vector<16xf32>,
      %parallel_loop3A_961 = arith.maximumf %parallel_loop3A_958, %parallel_loop3A_960 : vector<16xf32>
      %parallel_loop3A_962 = tpu.memref_slice %arg5[%parallel_loop3A_938] : memref<65536xf32, #tpu.memory_space<vmem>> -> memref<2048xf32, #tpu.memory_space<vmem>>
      %parallel_loop3A_963 = tpu.vector_load_idx %parallel_loop3A_962[%add3A_652] : memref<2048xf32, #tpu.memory_space<vmem>>[vector<16xi32>], vector<16xf32>,
      %parallel_loop3A_964 = arith.maximumf %parallel_loop3A_961, %parallel_loop3A_963 : vector<16xf32>
      %parallel_loop3A_965 = tpu.memref_slice %arg5[%parallel_loop3A_938] : memref<65536xf32, #tpu.memory_space<vmem>> -> memref<2048xf32, #tpu.memory_space<vmem>>
      %parallel_loop3A_966 = tpu.vector_load_idx %parallel_loop3A_965[%add3A_656] : memref<2048xf32, #tpu.memory_space<vmem>>[vector<16xi32>], vector<16xf32>,
      %parallel_loop3A_967 = arith.maximumf %parallel_loop3A_964, %parallel_loop3A_966 : vector<16xf32>
      %parallel_loop3A_968 = tpu.memref_slice %arg5[%parallel_loop3A_938] : memref<65536xf32, #tpu.memory_space<vmem>> -> memref<2048xf32, #tpu.memory_space<vmem>>
      %parallel_loop3A_969 = tpu.vector_load_idx %parallel_loop3A_968[%add3A_660] : memref<2048xf32, #tpu.memory_space<vmem>>[vector<16xi32>], vector<16xf32>,
      %parallel_loop3A_970 = arith.maximumf %parallel_loop3A_967, %parallel_loop3A_969 : vector<16xf32>
      %parallel_loop3A_971 = tpu.memref_slice %arg5[%parallel_loop3A_938] : memref<65536xf32, #tpu.memory_space<vmem>> -> memref<2048xf32, #tpu.memory_space<vmem>>
      %parallel_loop3A_972 = tpu.vector_load_idx %parallel_loop3A_971[%add3A_664] : memref<2048xf32, #tpu.memory_space<vmem>>[vector<16xi32>], vector<16xf32>,
      %parallel_loop3A_973 = arith.maximumf %parallel_loop3A_970, %parallel_loop3A_972 : vector<16xf32>
      %parallel_loop3A_974 = arith.constant 16 : i32
      %parallel_loop3A_975 = arith.muli %parallel_loop3A_936, %parallel_loop3A_974 : i32
      %parallel_loop3A_976 = arith.constant 6 : i32
      %parallel_loop3A_977 = arith.index_cast %parallel_loop3A_976 : i32 to index
      %parallel_loop3A_978 = arith.index_cast %parallel_loop3A_975 : i32 to index
      %parallel_loop3A_979 = tpu.vector_load %arg7[%parallel_loop3A_977, %parallel_loop3A_978] {strides = array<i32>} : memref<12x512xf32, #tpu.memory_space<vmem>>, vector<16xf32>,
      tpu.vector_store %arg7[%parallel_loop3A_977, %parallel_loop3A_978], %parallel_loop3A_973 {strides = array<i32>} : memref<12x512xf32, #tpu.memory_space<vmem>>, vector<16xf32>,
    } {sc.loop_unroll_factor = 1 : i64, sc.parallel_access}
    %get3A_668 = arith.constant 84 : index
    %get3A_669 = tpu.vector_load %arg6[%get3A_668] {strides = array<i32>} : memref<160xi32, #tpu.memory_space<vmem>>, vector<16xi32>,
    %reshape3A_670 = vector.shape_cast %select_n3A_25 : vector<16xi32> to vector<16x1xi32>
    %gather3A_671 = vector.shape_cast %reshape3A_670 : vector<16x1xi32> to vector<16xi32>
    %gather3A_672 = tpu.dynamic_gather %get3A_669[%gather3A_671] in [0] : vector<16xi32>, vector<16xi32> -> vector<16xi32>
    %add3A_673 = arith.addi %mul3A_7, %gather3A_672 : vector<16xi32>
    %reshape3A_674 = vector.shape_cast %select_n3A_50 : vector<16xi32> to vector<16x1xi32>
    %gather3A_675 = vector.shape_cast %reshape3A_674 : vector<16x1xi32> to vector<16xi32>
    %gather3A_676 = tpu.dynamic_gather %get3A_669[%gather3A_675] in [0] : vector<16xi32>, vector<16xi32> -> vector<16xi32>
    %add3A_677 = arith.addi %mul3A_7, %gather3A_676 : vector<16xi32>
    %reshape3A_678 = vector.shape_cast %select_n3A_75 : vector<16xi32> to vector<16x1xi32>
    %gather3A_679 = vector.shape_cast %reshape3A_678 : vector<16x1xi32> to vector<16xi32>
    %gather3A_680 = tpu.dynamic_gather %get3A_669[%gather3A_679] in [0] : vector<16xi32>, vector<16xi32> -> vector<16xi32>
    %add3A_681 = arith.addi %mul3A_7, %gather3A_680 : vector<16xi32>
    %reshape3A_682 = vector.shape_cast %select_n3A_100 : vector<16xi32> to vector<16x1xi32>
    %gather3A_683 = vector.shape_cast %reshape3A_682 : vector<16x1xi32> to vector<16xi32>
    %gather3A_684 = tpu.dynamic_gather %get3A_669[%gather3A_683] in [0] : vector<16xi32>, vector<16xi32> -> vector<16xi32>
    %add3A_685 = arith.addi %mul3A_7, %gather3A_684 : vector<16xi32>
    %reshape3A_686 = vector.shape_cast %select_n3A_125 : vector<16xi32> to vector<16x1xi32>
    %gather3A_687 = vector.shape_cast %reshape3A_686 : vector<16x1xi32> to vector<16xi32>
    %gather3A_688 = tpu.dynamic_gather %get3A_669[%gather3A_687] in [0] : vector<16xi32>, vector<16xi32> -> vector<16xi32>
    %add3A_689 = arith.addi %mul3A_7, %gather3A_688 : vector<16xi32>
    %reshape3A_690 = vector.shape_cast %select_n3A_150 : vector<16xi32> to vector<16x1xi32>
    %gather3A_691 = vector.shape_cast %reshape3A_690 : vector<16x1xi32> to vector<16xi32>
    %gather3A_692 = tpu.dynamic_gather %get3A_669[%gather3A_691] in [0] : vector<16xi32>, vector<16xi32> -> vector<16xi32>
    %add3A_693 = arith.addi %mul3A_7, %gather3A_692 : vector<16xi32>
    %reshape3A_694 = vector.shape_cast %select_n3A_175 : vector<16xi32> to vector<16x1xi32>
    %gather3A_695 = vector.shape_cast %reshape3A_694 : vector<16x1xi32> to vector<16xi32>
    %gather3A_696 = tpu.dynamic_gather %get3A_669[%gather3A_695] in [0] : vector<16xi32>, vector<16xi32> -> vector<16xi32>
    %add3A_697 = arith.addi %mul3A_7, %gather3A_696 : vector<16xi32>
    %reshape3A_698 = vector.shape_cast %select_n3A_200 : vector<16xi32> to vector<16x1xi32>
    %gather3A_699 = vector.shape_cast %reshape3A_698 : vector<16x1xi32> to vector<16xi32>
    %gather3A_700 = tpu.dynamic_gather %get3A_669[%gather3A_699] in [0] : vector<16xi32>, vector<16xi32> -> vector<16xi32>
    %add3A_701 = arith.addi %mul3A_7, %gather3A_700 : vector<16xi32>
    %reshape3A_702 = vector.shape_cast %select_n3A_225 : vector<16xi32> to vector<16x1xi32>
    %gather3A_703 = vector.shape_cast %reshape3A_702 : vector<16x1xi32> to vector<16xi32>
    %gather3A_704 = tpu.dynamic_gather %get3A_669[%gather3A_703] in [0] : vector<16xi32>, vector<16xi32> -> vector<16xi32>
    %add3A_705 = arith.addi %mul3A_7, %gather3A_704 : vector<16xi32>
    %reshape3A_706 = vector.shape_cast %select_n3A_250 : vector<16xi32> to vector<16x1xi32>
    %gather3A_707 = vector.shape_cast %reshape3A_706 : vector<16x1xi32> to vector<16xi32>
    %gather3A_708 = tpu.dynamic_gather %get3A_669[%gather3A_707] in [0] : vector<16xi32>, vector<16xi32> -> vector<16xi32>
    %add3A_709 = arith.addi %mul3A_7, %gather3A_708 : vector<16xi32>
    %reshape3A_710 = vector.shape_cast %select_n3A_275 : vector<16xi32> to vector<16x1xi32>
    %gather3A_711 = vector.shape_cast %reshape3A_710 : vector<16x1xi32> to vector<16xi32>
    %gather3A_712 = tpu.dynamic_gather %get3A_669[%gather3A_711] in [0] : vector<16xi32>, vector<16xi32> -> vector<16xi32>
    %add3A_713 = arith.addi %mul3A_7, %gather3A_712 : vector<16xi32>
    %reshape3A_714 = vector.shape_cast %select_n3A_300 : vector<16xi32> to vector<16x1xi32>
    %gather3A_715 = vector.shape_cast %reshape3A_714 : vector<16x1xi32> to vector<16xi32>
    %gather3A_716 = tpu.dynamic_gather %get3A_669[%gather3A_715] in [0] : vector<16xi32>, vector<16xi32> -> vector<16xi32>
    %add3A_717 = arith.addi %mul3A_7, %gather3A_716 : vector<16xi32>
    %parallel_loop3A_718 = arith.constant 0 : i32
    %parallel_loop3A_719 = arith.constant 32 : i32
    %parallel_loop3A_720 = arith.constant 1 : i32
    scf.for %parallel_loop3A_936 = %parallel_loop3A_718 to %parallel_loop3A_719 step %parallel_loop3A_720  : i32 {
      %parallel_loop3A_937 = arith.constant 2048 : i32
      %parallel_loop3A_938 = arith.muli %parallel_loop3A_936, %parallel_loop3A_937 : i32
      %parallel_loop3A_939 = tpu.memref_slice %arg5[%parallel_loop3A_938] : memref<65536xf32, #tpu.memory_space<vmem>> -> memref<2048xf32, #tpu.memory_space<vmem>>
      %parallel_loop3A_940 = tpu.vector_load_idx %parallel_loop3A_939[%add3A_673] : memref<2048xf32, #tpu.memory_space<vmem>>[vector<16xi32>], vector<16xf32>,
      %parallel_loop3A_941 = tpu.memref_slice %arg5[%parallel_loop3A_938] : memref<65536xf32, #tpu.memory_space<vmem>> -> memref<2048xf32, #tpu.memory_space<vmem>>
      %parallel_loop3A_942 = tpu.vector_load_idx %parallel_loop3A_941[%add3A_677] : memref<2048xf32, #tpu.memory_space<vmem>>[vector<16xi32>], vector<16xf32>,
      %parallel_loop3A_943 = arith.maximumf %parallel_loop3A_940, %parallel_loop3A_942 : vector<16xf32>
      %parallel_loop3A_944 = tpu.memref_slice %arg5[%parallel_loop3A_938] : memref<65536xf32, #tpu.memory_space<vmem>> -> memref<2048xf32, #tpu.memory_space<vmem>>
      %parallel_loop3A_945 = tpu.vector_load_idx %parallel_loop3A_944[%add3A_681] : memref<2048xf32, #tpu.memory_space<vmem>>[vector<16xi32>], vector<16xf32>,
      %parallel_loop3A_946 = arith.maximumf %parallel_loop3A_943, %parallel_loop3A_945 : vector<16xf32>
      %parallel_loop3A_947 = tpu.memref_slice %arg5[%parallel_loop3A_938] : memref<65536xf32, #tpu.memory_space<vmem>> -> memref<2048xf32, #tpu.memory_space<vmem>>
      %parallel_loop3A_948 = tpu.vector_load_idx %parallel_loop3A_947[%add3A_685] : memref<2048xf32, #tpu.memory_space<vmem>>[vector<16xi32>], vector<16xf32>,
      %parallel_loop3A_949 = arith.maximumf %parallel_loop3A_946, %parallel_loop3A_948 : vector<16xf32>
      %parallel_loop3A_950 = tpu.memref_slice %arg5[%parallel_loop3A_938] : memref<65536xf32, #tpu.memory_space<vmem>> -> memref<2048xf32, #tpu.memory_space<vmem>>
      %parallel_loop3A_951 = tpu.vector_load_idx %parallel_loop3A_950[%add3A_689] : memref<2048xf32, #tpu.memory_space<vmem>>[vector<16xi32>], vector<16xf32>,
      %parallel_loop3A_952 = arith.maximumf %parallel_loop3A_949, %parallel_loop3A_951 : vector<16xf32>
      %parallel_loop3A_953 = tpu.memref_slice %arg5[%parallel_loop3A_938] : memref<65536xf32, #tpu.memory_space<vmem>> -> memref<2048xf32, #tpu.memory_space<vmem>>
      %parallel_loop3A_954 = tpu.vector_load_idx %parallel_loop3A_953[%add3A_693] : memref<2048xf32, #tpu.memory_space<vmem>>[vector<16xi32>], vector<16xf32>,
      %parallel_loop3A_955 = arith.maximumf %parallel_loop3A_952, %parallel_loop3A_954 : vector<16xf32>
      %parallel_loop3A_956 = tpu.memref_slice %arg5[%parallel_loop3A_938] : memref<65536xf32, #tpu.memory_space<vmem>> -> memref<2048xf32, #tpu.memory_space<vmem>>
      %parallel_loop3A_957 = tpu.vector_load_idx %parallel_loop3A_956[%add3A_697] : memref<2048xf32, #tpu.memory_space<vmem>>[vector<16xi32>], vector<16xf32>,
      %parallel_loop3A_958 = arith.maximumf %parallel_loop3A_955, %parallel_loop3A_957 : vector<16xf32>
      %parallel_loop3A_959 = tpu.memref_slice %arg5[%parallel_loop3A_938] : memref<65536xf32, #tpu.memory_space<vmem>> -> memref<2048xf32, #tpu.memory_space<vmem>>
      %parallel_loop3A_960 = tpu.vector_load_idx %parallel_loop3A_959[%add3A_701] : memref<2048xf32, #tpu.memory_space<vmem>>[vector<16xi32>], vector<16xf32>,
      %parallel_loop3A_961 = arith.maximumf %parallel_loop3A_958, %parallel_loop3A_960 : vector<16xf32>
      %parallel_loop3A_962 = tpu.memref_slice %arg5[%parallel_loop3A_938] : memref<65536xf32, #tpu.memory_space<vmem>> -> memref<2048xf32, #tpu.memory_space<vmem>>
      %parallel_loop3A_963 = tpu.vector_load_idx %parallel_loop3A_962[%add3A_705] : memref<2048xf32, #tpu.memory_space<vmem>>[vector<16xi32>], vector<16xf32>,
      %parallel_loop3A_964 = arith.maximumf %parallel_loop3A_961, %parallel_loop3A_963 : vector<16xf32>
      %parallel_loop3A_965 = tpu.memref_slice %arg5[%parallel_loop3A_938] : memref<65536xf32, #tpu.memory_space<vmem>> -> memref<2048xf32, #tpu.memory_space<vmem>>
      %parallel_loop3A_966 = tpu.vector_load_idx %parallel_loop3A_965[%add3A_709] : memref<2048xf32, #tpu.memory_space<vmem>>[vector<16xi32>], vector<16xf32>,
      %parallel_loop3A_967 = arith.maximumf %parallel_loop3A_964, %parallel_loop3A_966 : vector<16xf32>
      %parallel_loop3A_968 = tpu.memref_slice %arg5[%parallel_loop3A_938] : memref<65536xf32, #tpu.memory_space<vmem>> -> memref<2048xf32, #tpu.memory_space<vmem>>
      %parallel_loop3A_969 = tpu.vector_load_idx %parallel_loop3A_968[%add3A_713] : memref<2048xf32, #tpu.memory_space<vmem>>[vector<16xi32>], vector<16xf32>,
      %parallel_loop3A_970 = arith.maximumf %parallel_loop3A_967, %parallel_loop3A_969 : vector<16xf32>
      %parallel_loop3A_971 = tpu.memref_slice %arg5[%parallel_loop3A_938] : memref<65536xf32, #tpu.memory_space<vmem>> -> memref<2048xf32, #tpu.memory_space<vmem>>
      %parallel_loop3A_972 = tpu.vector_load_idx %parallel_loop3A_971[%add3A_717] : memref<2048xf32, #tpu.memory_space<vmem>>[vector<16xi32>], vector<16xf32>,
      %parallel_loop3A_973 = arith.maximumf %parallel_loop3A_970, %parallel_loop3A_972 : vector<16xf32>
      %parallel_loop3A_974 = arith.constant 16 : i32
      %parallel_loop3A_975 = arith.muli %parallel_loop3A_936, %parallel_loop3A_974 : i32
      %parallel_loop3A_976 = arith.constant 7 : i32
      %parallel_loop3A_977 = arith.index_cast %parallel_loop3A_976 : i32 to index
      %parallel_loop3A_978 = arith.index_cast %parallel_loop3A_975 : i32 to index
      %parallel_loop3A_979 = tpu.vector_load %arg7[%parallel_loop3A_977, %parallel_loop3A_978] {strides = array<i32>} : memref<12x512xf32, #tpu.memory_space<vmem>>, vector<16xf32>,
      tpu.vector_store %arg7[%parallel_loop3A_977, %parallel_loop3A_978], %parallel_loop3A_973 {strides = array<i32>} : memref<12x512xf32, #tpu.memory_space<vmem>>, vector<16xf32>,
    } {sc.loop_unroll_factor = 1 : i64, sc.parallel_access}
    %get3A_721 = arith.constant 96 : index
    %get3A_722 = tpu.vector_load %arg6[%get3A_721] {strides = array<i32>} : memref<160xi32, #tpu.memory_space<vmem>>, vector<16xi32>,
    %reshape3A_723 = vector.shape_cast %select_n3A_25 : vector<16xi32> to vector<16x1xi32>
    %gather3A_724 = vector.shape_cast %reshape3A_723 : vector<16x1xi32> to vector<16xi32>
    %gather3A_725 = tpu.dynamic_gather %get3A_722[%gather3A_724] in [0] : vector<16xi32>, vector<16xi32> -> vector<16xi32>
    %add3A_726 = arith.addi %mul3A_7, %gather3A_725 : vector<16xi32>
    %reshape3A_727 = vector.shape_cast %select_n3A_50 : vector<16xi32> to vector<16x1xi32>
    %gather3A_728 = vector.shape_cast %reshape3A_727 : vector<16x1xi32> to vector<16xi32>
    %gather3A_729 = tpu.dynamic_gather %get3A_722[%gather3A_728] in [0] : vector<16xi32>, vector<16xi32> -> vector<16xi32>
    %add3A_730 = arith.addi %mul3A_7, %gather3A_729 : vector<16xi32>
    %reshape3A_731 = vector.shape_cast %select_n3A_75 : vector<16xi32> to vector<16x1xi32>
    %gather3A_732 = vector.shape_cast %reshape3A_731 : vector<16x1xi32> to vector<16xi32>
    %gather3A_733 = tpu.dynamic_gather %get3A_722[%gather3A_732] in [0] : vector<16xi32>, vector<16xi32> -> vector<16xi32>
    %add3A_734 = arith.addi %mul3A_7, %gather3A_733 : vector<16xi32>
    %reshape3A_735 = vector.shape_cast %select_n3A_100 : vector<16xi32> to vector<16x1xi32>
    %gather3A_736 = vector.shape_cast %reshape3A_735 : vector<16x1xi32> to vector<16xi32>
    %gather3A_737 = tpu.dynamic_gather %get3A_722[%gather3A_736] in [0] : vector<16xi32>, vector<16xi32> -> vector<16xi32>
    %add3A_738 = arith.addi %mul3A_7, %gather3A_737 : vector<16xi32>
    %reshape3A_739 = vector.shape_cast %select_n3A_125 : vector<16xi32> to vector<16x1xi32>
    %gather3A_740 = vector.shape_cast %reshape3A_739 : vector<16x1xi32> to vector<16xi32>
    %gather3A_741 = tpu.dynamic_gather %get3A_722[%gather3A_740] in [0] : vector<16xi32>, vector<16xi32> -> vector<16xi32>
    %add3A_742 = arith.addi %mul3A_7, %gather3A_741 : vector<16xi32>
    %reshape3A_743 = vector.shape_cast %select_n3A_150 : vector<16xi32> to vector<16x1xi32>
    %gather3A_744 = vector.shape_cast %reshape3A_743 : vector<16x1xi32> to vector<16xi32>
    %gather3A_745 = tpu.dynamic_gather %get3A_722[%gather3A_744] in [0] : vector<16xi32>, vector<16xi32> -> vector<16xi32>
    %add3A_746 = arith.addi %mul3A_7, %gather3A_745 : vector<16xi32>
    %reshape3A_747 = vector.shape_cast %select_n3A_175 : vector<16xi32> to vector<16x1xi32>
    %gather3A_748 = vector.shape_cast %reshape3A_747 : vector<16x1xi32> to vector<16xi32>
    %gather3A_749 = tpu.dynamic_gather %get3A_722[%gather3A_748] in [0] : vector<16xi32>, vector<16xi32> -> vector<16xi32>
    %add3A_750 = arith.addi %mul3A_7, %gather3A_749 : vector<16xi32>
    %reshape3A_751 = vector.shape_cast %select_n3A_200 : vector<16xi32> to vector<16x1xi32>
    %gather3A_752 = vector.shape_cast %reshape3A_751 : vector<16x1xi32> to vector<16xi32>
    %gather3A_753 = tpu.dynamic_gather %get3A_722[%gather3A_752] in [0] : vector<16xi32>, vector<16xi32> -> vector<16xi32>
    %add3A_754 = arith.addi %mul3A_7, %gather3A_753 : vector<16xi32>
    %reshape3A_755 = vector.shape_cast %select_n3A_225 : vector<16xi32> to vector<16x1xi32>
    %gather3A_756 = vector.shape_cast %reshape3A_755 : vector<16x1xi32> to vector<16xi32>
    %gather3A_757 = tpu.dynamic_gather %get3A_722[%gather3A_756] in [0] : vector<16xi32>, vector<16xi32> -> vector<16xi32>
    %add3A_758 = arith.addi %mul3A_7, %gather3A_757 : vector<16xi32>
    %reshape3A_759 = vector.shape_cast %select_n3A_250 : vector<16xi32> to vector<16x1xi32>
    %gather3A_760 = vector.shape_cast %reshape3A_759 : vector<16x1xi32> to vector<16xi32>
    %gather3A_761 = tpu.dynamic_gather %get3A_722[%gather3A_760] in [0] : vector<16xi32>, vector<16xi32> -> vector<16xi32>
    %add3A_762 = arith.addi %mul3A_7, %gather3A_761 : vector<16xi32>
    %reshape3A_763 = vector.shape_cast %select_n3A_275 : vector<16xi32> to vector<16x1xi32>
    %gather3A_764 = vector.shape_cast %reshape3A_763 : vector<16x1xi32> to vector<16xi32>
    %gather3A_765 = tpu.dynamic_gather %get3A_722[%gather3A_764] in [0] : vector<16xi32>, vector<16xi32> -> vector<16xi32>
    %add3A_766 = arith.addi %mul3A_7, %gather3A_765 : vector<16xi32>
    %reshape3A_767 = vector.shape_cast %select_n3A_300 : vector<16xi32> to vector<16x1xi32>
    %gather3A_768 = vector.shape_cast %reshape3A_767 : vector<16x1xi32> to vector<16xi32>
    %gather3A_769 = tpu.dynamic_gather %get3A_722[%gather3A_768] in [0] : vector<16xi32>, vector<16xi32> -> vector<16xi32>
    %add3A_770 = arith.addi %mul3A_7, %gather3A_769 : vector<16xi32>
    %parallel_loop3A_771 = arith.constant 0 : i32
    %parallel_loop3A_772 = arith.constant 32 : i32
    %parallel_loop3A_773 = arith.constant 1 : i32
    scf.for %parallel_loop3A_936 = %parallel_loop3A_771 to %parallel_loop3A_772 step %parallel_loop3A_773  : i32 {
      %parallel_loop3A_937 = arith.constant 2048 : i32
      %parallel_loop3A_938 = arith.muli %parallel_loop3A_936, %parallel_loop3A_937 : i32
      %parallel_loop3A_939 = tpu.memref_slice %arg5[%parallel_loop3A_938] : memref<65536xf32, #tpu.memory_space<vmem>> -> memref<2048xf32, #tpu.memory_space<vmem>>
      %parallel_loop3A_940 = tpu.vector_load_idx %parallel_loop3A_939[%add3A_726] : memref<2048xf32, #tpu.memory_space<vmem>>[vector<16xi32>], vector<16xf32>,
      %parallel_loop3A_941 = tpu.memref_slice %arg5[%parallel_loop3A_938] : memref<65536xf32, #tpu.memory_space<vmem>> -> memref<2048xf32, #tpu.memory_space<vmem>>
      %parallel_loop3A_942 = tpu.vector_load_idx %parallel_loop3A_941[%add3A_730] : memref<2048xf32, #tpu.memory_space<vmem>>[vector<16xi32>], vector<16xf32>,
      %parallel_loop3A_943 = arith.maximumf %parallel_loop3A_940, %parallel_loop3A_942 : vector<16xf32>
      %parallel_loop3A_944 = tpu.memref_slice %arg5[%parallel_loop3A_938] : memref<65536xf32, #tpu.memory_space<vmem>> -> memref<2048xf32, #tpu.memory_space<vmem>>
      %parallel_loop3A_945 = tpu.vector_load_idx %parallel_loop3A_944[%add3A_734] : memref<2048xf32, #tpu.memory_space<vmem>>[vector<16xi32>], vector<16xf32>,
      %parallel_loop3A_946 = arith.maximumf %parallel_loop3A_943, %parallel_loop3A_945 : vector<16xf32>
      %parallel_loop3A_947 = tpu.memref_slice %arg5[%parallel_loop3A_938] : memref<65536xf32, #tpu.memory_space<vmem>> -> memref<2048xf32, #tpu.memory_space<vmem>>
      %parallel_loop3A_948 = tpu.vector_load_idx %parallel_loop3A_947[%add3A_738] : memref<2048xf32, #tpu.memory_space<vmem>>[vector<16xi32>], vector<16xf32>,
      %parallel_loop3A_949 = arith.maximumf %parallel_loop3A_946, %parallel_loop3A_948 : vector<16xf32>
      %parallel_loop3A_950 = tpu.memref_slice %arg5[%parallel_loop3A_938] : memref<65536xf32, #tpu.memory_space<vmem>> -> memref<2048xf32, #tpu.memory_space<vmem>>
      %parallel_loop3A_951 = tpu.vector_load_idx %parallel_loop3A_950[%add3A_742] : memref<2048xf32, #tpu.memory_space<vmem>>[vector<16xi32>], vector<16xf32>,
      %parallel_loop3A_952 = arith.maximumf %parallel_loop3A_949, %parallel_loop3A_951 : vector<16xf32>
      %parallel_loop3A_953 = tpu.memref_slice %arg5[%parallel_loop3A_938] : memref<65536xf32, #tpu.memory_space<vmem>> -> memref<2048xf32, #tpu.memory_space<vmem>>
      %parallel_loop3A_954 = tpu.vector_load_idx %parallel_loop3A_953[%add3A_746] : memref<2048xf32, #tpu.memory_space<vmem>>[vector<16xi32>], vector<16xf32>,
      %parallel_loop3A_955 = arith.maximumf %parallel_loop3A_952, %parallel_loop3A_954 : vector<16xf32>
      %parallel_loop3A_956 = tpu.memref_slice %arg5[%parallel_loop3A_938] : memref<65536xf32, #tpu.memory_space<vmem>> -> memref<2048xf32, #tpu.memory_space<vmem>>
      %parallel_loop3A_957 = tpu.vector_load_idx %parallel_loop3A_956[%add3A_750] : memref<2048xf32, #tpu.memory_space<vmem>>[vector<16xi32>], vector<16xf32>,
      %parallel_loop3A_958 = arith.maximumf %parallel_loop3A_955, %parallel_loop3A_957 : vector<16xf32>
      %parallel_loop3A_959 = tpu.memref_slice %arg5[%parallel_loop3A_938] : memref<65536xf32, #tpu.memory_space<vmem>> -> memref<2048xf32, #tpu.memory_space<vmem>>
      %parallel_loop3A_960 = tpu.vector_load_idx %parallel_loop3A_959[%add3A_754] : memref<2048xf32, #tpu.memory_space<vmem>>[vector<16xi32>], vector<16xf32>,
      %parallel_loop3A_961 = arith.maximumf %parallel_loop3A_958, %parallel_loop3A_960 : vector<16xf32>
      %parallel_loop3A_962 = tpu.memref_slice %arg5[%parallel_loop3A_938] : memref<65536xf32, #tpu.memory_space<vmem>> -> memref<2048xf32, #tpu.memory_space<vmem>>
      %parallel_loop3A_963 = tpu.vector_load_idx %parallel_loop3A_962[%add3A_758] : memref<2048xf32, #tpu.memory_space<vmem>>[vector<16xi32>], vector<16xf32>,
      %parallel_loop3A_964 = arith.maximumf %parallel_loop3A_961, %parallel_loop3A_963 : vector<16xf32>
      %parallel_loop3A_965 = tpu.memref_slice %arg5[%parallel_loop3A_938] : memref<65536xf32, #tpu.memory_space<vmem>> -> memref<2048xf32, #tpu.memory_space<vmem>>
      %parallel_loop3A_966 = tpu.vector_load_idx %parallel_loop3A_965[%add3A_762] : memref<2048xf32, #tpu.memory_space<vmem>>[vector<16xi32>], vector<16xf32>,
      %parallel_loop3A_967 = arith.maximumf %parallel_loop3A_964, %parallel_loop3A_966 : vector<16xf32>
      %parallel_loop3A_968 = tpu.memref_slice %arg5[%parallel_loop3A_938] : memref<65536xf32, #tpu.memory_space<vmem>> -> memref<2048xf32, #tpu.memory_space<vmem>>
      %parallel_loop3A_969 = tpu.vector_load_idx %parallel_loop3A_968[%add3A_766] : memref<2048xf32, #tpu.memory_space<vmem>>[vector<16xi32>], vector<16xf32>,
      %parallel_loop3A_970 = arith.maximumf %parallel_loop3A_967, %parallel_loop3A_969 : vector<16xf32>
      %parallel_loop3A_971 = tpu.memref_slice %arg5[%parallel_loop3A_938] : memref<65536xf32, #tpu.memory_space<vmem>> -> memref<2048xf32, #tpu.memory_space<vmem>>
      %parallel_loop3A_972 = tpu.vector_load_idx %parallel_loop3A_971[%add3A_770] : memref<2048xf32, #tpu.memory_space<vmem>>[vector<16xi32>], vector<16xf32>,
      %parallel_loop3A_973 = arith.maximumf %parallel_loop3A_970, %parallel_loop3A_972 : vector<16xf32>
      %parallel_loop3A_974 = arith.constant 16 : i32
      %parallel_loop3A_975 = arith.muli %parallel_loop3A_936, %parallel_loop3A_974 : i32
      %parallel_loop3A_976 = arith.constant 8 : i32
      %parallel_loop3A_977 = arith.index_cast %parallel_loop3A_976 : i32 to index
      %parallel_loop3A_978 = arith.index_cast %parallel_loop3A_975 : i32 to index
      %parallel_loop3A_979 = tpu.vector_load %arg7[%parallel_loop3A_977, %parallel_loop3A_978] {strides = array<i32>} : memref<12x512xf32, #tpu.memory_space<vmem>>, vector<16xf32>,
      tpu.vector_store %arg7[%parallel_loop3A_977, %parallel_loop3A_978], %parallel_loop3A_973 {strides = array<i32>} : memref<12x512xf32, #tpu.memory_space<vmem>>, vector<16xf32>,
    } {sc.loop_unroll_factor = 1 : i64, sc.parallel_access}
    %get3A_774 = arith.constant 108 : index
    %get3A_775 = tpu.vector_load %arg6[%get3A_774] {strides = array<i32>} : memref<160xi32, #tpu.memory_space<vmem>>, vector<16xi32>,
    %reshape3A_776 = vector.shape_cast %select_n3A_25 : vector<16xi32> to vector<16x1xi32>
    %gather3A_777 = vector.shape_cast %reshape3A_776 : vector<16x1xi32> to vector<16xi32>
    %gather3A_778 = tpu.dynamic_gather %get3A_775[%gather3A_777] in [0] : vector<16xi32>, vector<16xi32> -> vector<16xi32>
    %add3A_779 = arith.addi %mul3A_7, %gather3A_778 : vector<16xi32>
    %reshape3A_780 = vector.shape_cast %select_n3A_50 : vector<16xi32> to vector<16x1xi32>
    %gather3A_781 = vector.shape_cast %reshape3A_780 : vector<16x1xi32> to vector<16xi32>
    %gather3A_782 = tpu.dynamic_gather %get3A_775[%gather3A_781] in [0] : vector<16xi32>, vector<16xi32> -> vector<16xi32>
    %add3A_783 = arith.addi %mul3A_7, %gather3A_782 : vector<16xi32>
    %reshape3A_784 = vector.shape_cast %select_n3A_75 : vector<16xi32> to vector<16x1xi32>
    %gather3A_785 = vector.shape_cast %reshape3A_784 : vector<16x1xi32> to vector<16xi32>
    %gather3A_786 = tpu.dynamic_gather %get3A_775[%gather3A_785] in [0] : vector<16xi32>, vector<16xi32> -> vector<16xi32>
    %add3A_787 = arith.addi %mul3A_7, %gather3A_786 : vector<16xi32>
    %reshape3A_788 = vector.shape_cast %select_n3A_100 : vector<16xi32> to vector<16x1xi32>
    %gather3A_789 = vector.shape_cast %reshape3A_788 : vector<16x1xi32> to vector<16xi32>
    %gather3A_790 = tpu.dynamic_gather %get3A_775[%gather3A_789] in [0] : vector<16xi32>, vector<16xi32> -> vector<16xi32>
    %add3A_791 = arith.addi %mul3A_7, %gather3A_790 : vector<16xi32>
    %reshape3A_792 = vector.shape_cast %select_n3A_125 : vector<16xi32> to vector<16x1xi32>
    %gather3A_793 = vector.shape_cast %reshape3A_792 : vector<16x1xi32> to vector<16xi32>
    %gather3A_794 = tpu.dynamic_gather %get3A_775[%gather3A_793] in [0] : vector<16xi32>, vector<16xi32> -> vector<16xi32>
    %add3A_795 = arith.addi %mul3A_7, %gather3A_794 : vector<16xi32>
    %reshape3A_796 = vector.shape_cast %select_n3A_150 : vector<16xi32> to vector<16x1xi32>
    %gather3A_797 = vector.shape_cast %reshape3A_796 : vector<16x1xi32> to vector<16xi32>
    %gather3A_798 = tpu.dynamic_gather %get3A_775[%gather3A_797] in [0] : vector<16xi32>, vector<16xi32> -> vector<16xi32>
    %add3A_799 = arith.addi %mul3A_7, %gather3A_798 : vector<16xi32>
    %reshape3A_800 = vector.shape_cast %select_n3A_175 : vector<16xi32> to vector<16x1xi32>
    %gather3A_801 = vector.shape_cast %reshape3A_800 : vector<16x1xi32> to vector<16xi32>
    %gather3A_802 = tpu.dynamic_gather %get3A_775[%gather3A_801] in [0] : vector<16xi32>, vector<16xi32> -> vector<16xi32>
    %add3A_803 = arith.addi %mul3A_7, %gather3A_802 : vector<16xi32>
    %reshape3A_804 = vector.shape_cast %select_n3A_200 : vector<16xi32> to vector<16x1xi32>
    %gather3A_805 = vector.shape_cast %reshape3A_804 : vector<16x1xi32> to vector<16xi32>
    %gather3A_806 = tpu.dynamic_gather %get3A_775[%gather3A_805] in [0] : vector<16xi32>, vector<16xi32> -> vector<16xi32>
    %add3A_807 = arith.addi %mul3A_7, %gather3A_806 : vector<16xi32>
    %reshape3A_808 = vector.shape_cast %select_n3A_225 : vector<16xi32> to vector<16x1xi32>
    %gather3A_809 = vector.shape_cast %reshape3A_808 : vector<16x1xi32> to vector<16xi32>
    %gather3A_810 = tpu.dynamic_gather %get3A_775[%gather3A_809] in [0] : vector<16xi32>, vector<16xi32> -> vector<16xi32>
    %add3A_811 = arith.addi %mul3A_7, %gather3A_810 : vector<16xi32>
    %reshape3A_812 = vector.shape_cast %select_n3A_250 : vector<16xi32> to vector<16x1xi32>
    %gather3A_813 = vector.shape_cast %reshape3A_812 : vector<16x1xi32> to vector<16xi32>
    %gather3A_814 = tpu.dynamic_gather %get3A_775[%gather3A_813] in [0] : vector<16xi32>, vector<16xi32> -> vector<16xi32>
    %add3A_815 = arith.addi %mul3A_7, %gather3A_814 : vector<16xi32>
    %reshape3A_816 = vector.shape_cast %select_n3A_275 : vector<16xi32> to vector<16x1xi32>
    %gather3A_817 = vector.shape_cast %reshape3A_816 : vector<16x1xi32> to vector<16xi32>
    %gather3A_818 = tpu.dynamic_gather %get3A_775[%gather3A_817] in [0] : vector<16xi32>, vector<16xi32> -> vector<16xi32>
    %add3A_819 = arith.addi %mul3A_7, %gather3A_818 : vector<16xi32>
    %reshape3A_820 = vector.shape_cast %select_n3A_300 : vector<16xi32> to vector<16x1xi32>
    %gather3A_821 = vector.shape_cast %reshape3A_820 : vector<16x1xi32> to vector<16xi32>
    %gather3A_822 = tpu.dynamic_gather %get3A_775[%gather3A_821] in [0] : vector<16xi32>, vector<16xi32> -> vector<16xi32>
    %add3A_823 = arith.addi %mul3A_7, %gather3A_822 : vector<16xi32>
    %parallel_loop3A_824 = arith.constant 0 : i32
    %parallel_loop3A_825 = arith.constant 32 : i32
    %parallel_loop3A_826 = arith.constant 1 : i32
    scf.for %parallel_loop3A_936 = %parallel_loop3A_824 to %parallel_loop3A_825 step %parallel_loop3A_826  : i32 {
      %parallel_loop3A_937 = arith.constant 2048 : i32
      %parallel_loop3A_938 = arith.muli %parallel_loop3A_936, %parallel_loop3A_937 : i32
      %parallel_loop3A_939 = tpu.memref_slice %arg5[%parallel_loop3A_938] : memref<65536xf32, #tpu.memory_space<vmem>> -> memref<2048xf32, #tpu.memory_space<vmem>>
      %parallel_loop3A_940 = tpu.vector_load_idx %parallel_loop3A_939[%add3A_779] : memref<2048xf32, #tpu.memory_space<vmem>>[vector<16xi32>], vector<16xf32>,
      %parallel_loop3A_941 = tpu.memref_slice %arg5[%parallel_loop3A_938] : memref<65536xf32, #tpu.memory_space<vmem>> -> memref<2048xf32, #tpu.memory_space<vmem>>
      %parallel_loop3A_942 = tpu.vector_load_idx %parallel_loop3A_941[%add3A_783] : memref<2048xf32, #tpu.memory_space<vmem>>[vector<16xi32>], vector<16xf32>,
      %parallel_loop3A_943 = arith.maximumf %parallel_loop3A_940, %parallel_loop3A_942 : vector<16xf32>
      %parallel_loop3A_944 = tpu.memref_slice %arg5[%parallel_loop3A_938] : memref<65536xf32, #tpu.memory_space<vmem>> -> memref<2048xf32, #tpu.memory_space<vmem>>
      %parallel_loop3A_945 = tpu.vector_load_idx %parallel_loop3A_944[%add3A_787] : memref<2048xf32, #tpu.memory_space<vmem>>[vector<16xi32>], vector<16xf32>,
      %parallel_loop3A_946 = arith.maximumf %parallel_loop3A_943, %parallel_loop3A_945 : vector<16xf32>
      %parallel_loop3A_947 = tpu.memref_slice %arg5[%parallel_loop3A_938] : memref<65536xf32, #tpu.memory_space<vmem>> -> memref<2048xf32, #tpu.memory_space<vmem>>
      %parallel_loop3A_948 = tpu.vector_load_idx %parallel_loop3A_947[%add3A_791] : memref<2048xf32, #tpu.memory_space<vmem>>[vector<16xi32>], vector<16xf32>,
      %parallel_loop3A_949 = arith.maximumf %parallel_loop3A_946, %parallel_loop3A_948 : vector<16xf32>
      %parallel_loop3A_950 = tpu.memref_slice %arg5[%parallel_loop3A_938] : memref<65536xf32, #tpu.memory_space<vmem>> -> memref<2048xf32, #tpu.memory_space<vmem>>
      %parallel_loop3A_951 = tpu.vector_load_idx %parallel_loop3A_950[%add3A_795] : memref<2048xf32, #tpu.memory_space<vmem>>[vector<16xi32>], vector<16xf32>,
      %parallel_loop3A_952 = arith.maximumf %parallel_loop3A_949, %parallel_loop3A_951 : vector<16xf32>
      %parallel_loop3A_953 = tpu.memref_slice %arg5[%parallel_loop3A_938] : memref<65536xf32, #tpu.memory_space<vmem>> -> memref<2048xf32, #tpu.memory_space<vmem>>
      %parallel_loop3A_954 = tpu.vector_load_idx %parallel_loop3A_953[%add3A_799] : memref<2048xf32, #tpu.memory_space<vmem>>[vector<16xi32>], vector<16xf32>,
      %parallel_loop3A_955 = arith.maximumf %parallel_loop3A_952, %parallel_loop3A_954 : vector<16xf32>
      %parallel_loop3A_956 = tpu.memref_slice %arg5[%parallel_loop3A_938] : memref<65536xf32, #tpu.memory_space<vmem>> -> memref<2048xf32, #tpu.memory_space<vmem>>
      %parallel_loop3A_957 = tpu.vector_load_idx %parallel_loop3A_956[%add3A_803] : memref<2048xf32, #tpu.memory_space<vmem>>[vector<16xi32>], vector<16xf32>,
      %parallel_loop3A_958 = arith.maximumf %parallel_loop3A_955, %parallel_loop3A_957 : vector<16xf32>
      %parallel_loop3A_959 = tpu.memref_slice %arg5[%parallel_loop3A_938] : memref<65536xf32, #tpu.memory_space<vmem>> -> memref<2048xf32, #tpu.memory_space<vmem>>
      %parallel_loop3A_960 = tpu.vector_load_idx %parallel_loop3A_959[%add3A_807] : memref<2048xf32, #tpu.memory_space<vmem>>[vector<16xi32>], vector<16xf32>,
      %parallel_loop3A_961 = arith.maximumf %parallel_loop3A_958, %parallel_loop3A_960 : vector<16xf32>
      %parallel_loop3A_962 = tpu.memref_slice %arg5[%parallel_loop3A_938] : memref<65536xf32, #tpu.memory_space<vmem>> -> memref<2048xf32, #tpu.memory_space<vmem>>
      %parallel_loop3A_963 = tpu.vector_load_idx %parallel_loop3A_962[%add3A_811] : memref<2048xf32, #tpu.memory_space<vmem>>[vector<16xi32>], vector<16xf32>,
      %parallel_loop3A_964 = arith.maximumf %parallel_loop3A_961, %parallel_loop3A_963 : vector<16xf32>
      %parallel_loop3A_965 = tpu.memref_slice %arg5[%parallel_loop3A_938] : memref<65536xf32, #tpu.memory_space<vmem>> -> memref<2048xf32, #tpu.memory_space<vmem>>
      %parallel_loop3A_966 = tpu.vector_load_idx %parallel_loop3A_965[%add3A_815] : memref<2048xf32, #tpu.memory_space<vmem>>[vector<16xi32>], vector<16xf32>,
      %parallel_loop3A_967 = arith.maximumf %parallel_loop3A_964, %parallel_loop3A_966 : vector<16xf32>
      %parallel_loop3A_968 = tpu.memref_slice %arg5[%parallel_loop3A_938] : memref<65536xf32, #tpu.memory_space<vmem>> -> memref<2048xf32, #tpu.memory_space<vmem>>
      %parallel_loop3A_969 = tpu.vector_load_idx %parallel_loop3A_968[%add3A_819] : memref<2048xf32, #tpu.memory_space<vmem>>[vector<16xi32>], vector<16xf32>,
      %parallel_loop3A_970 = arith.maximumf %parallel_loop3A_967, %parallel_loop3A_969 : vector<16xf32>
      %parallel_loop3A_971 = tpu.memref_slice %arg5[%parallel_loop3A_938] : memref<65536xf32, #tpu.memory_space<vmem>> -> memref<2048xf32, #tpu.memory_space<vmem>>
      %parallel_loop3A_972 = tpu.vector_load_idx %parallel_loop3A_971[%add3A_823] : memref<2048xf32, #tpu.memory_space<vmem>>[vector<16xi32>], vector<16xf32>,
      %parallel_loop3A_973 = arith.maximumf %parallel_loop3A_970, %parallel_loop3A_972 : vector<16xf32>
      %parallel_loop3A_974 = arith.constant 16 : i32
      %parallel_loop3A_975 = arith.muli %parallel_loop3A_936, %parallel_loop3A_974 : i32
      %parallel_loop3A_976 = arith.constant 9 : i32
      %parallel_loop3A_977 = arith.index_cast %parallel_loop3A_976 : i32 to index
      %parallel_loop3A_978 = arith.index_cast %parallel_loop3A_975 : i32 to index
      %parallel_loop3A_979 = tpu.vector_load %arg7[%parallel_loop3A_977, %parallel_loop3A_978] {strides = array<i32>} : memref<12x512xf32, #tpu.memory_space<vmem>>, vector<16xf32>,
      tpu.vector_store %arg7[%parallel_loop3A_977, %parallel_loop3A_978], %parallel_loop3A_973 {strides = array<i32>} : memref<12x512xf32, #tpu.memory_space<vmem>>, vector<16xf32>,
    } {sc.loop_unroll_factor = 1 : i64, sc.parallel_access}
    %get3A_827 = arith.constant 120 : index
    %get3A_828 = tpu.vector_load %arg6[%get3A_827] {strides = array<i32>} : memref<160xi32, #tpu.memory_space<vmem>>, vector<16xi32>,
    %reshape3A_829 = vector.shape_cast %select_n3A_25 : vector<16xi32> to vector<16x1xi32>
    %gather3A_830 = vector.shape_cast %reshape3A_829 : vector<16x1xi32> to vector<16xi32>
    %gather3A_831 = tpu.dynamic_gather %get3A_828[%gather3A_830] in [0] : vector<16xi32>, vector<16xi32> -> vector<16xi32>
    %add3A_832 = arith.addi %mul3A_7, %gather3A_831 : vector<16xi32>
    %reshape3A_833 = vector.shape_cast %select_n3A_50 : vector<16xi32> to vector<16x1xi32>
    %gather3A_834 = vector.shape_cast %reshape3A_833 : vector<16x1xi32> to vector<16xi32>
    %gather3A_835 = tpu.dynamic_gather %get3A_828[%gather3A_834] in [0] : vector<16xi32>, vector<16xi32> -> vector<16xi32>
    %add3A_836 = arith.addi %mul3A_7, %gather3A_835 : vector<16xi32>
    %reshape3A_837 = vector.shape_cast %select_n3A_75 : vector<16xi32> to vector<16x1xi32>
    %gather3A_838 = vector.shape_cast %reshape3A_837 : vector<16x1xi32> to vector<16xi32>
    %gather3A_839 = tpu.dynamic_gather %get3A_828[%gather3A_838] in [0] : vector<16xi32>, vector<16xi32> -> vector<16xi32>
    %add3A_840 = arith.addi %mul3A_7, %gather3A_839 : vector<16xi32>
    %reshape3A_841 = vector.shape_cast %select_n3A_100 : vector<16xi32> to vector<16x1xi32>
    %gather3A_842 = vector.shape_cast %reshape3A_841 : vector<16x1xi32> to vector<16xi32>
    %gather3A_843 = tpu.dynamic_gather %get3A_828[%gather3A_842] in [0] : vector<16xi32>, vector<16xi32> -> vector<16xi32>
    %add3A_844 = arith.addi %mul3A_7, %gather3A_843 : vector<16xi32>
    %reshape3A_845 = vector.shape_cast %select_n3A_125 : vector<16xi32> to vector<16x1xi32>
    %gather3A_846 = vector.shape_cast %reshape3A_845 : vector<16x1xi32> to vector<16xi32>
    %gather3A_847 = tpu.dynamic_gather %get3A_828[%gather3A_846] in [0] : vector<16xi32>, vector<16xi32> -> vector<16xi32>
    %add3A_848 = arith.addi %mul3A_7, %gather3A_847 : vector<16xi32>
    %reshape3A_849 = vector.shape_cast %select_n3A_150 : vector<16xi32> to vector<16x1xi32>
    %gather3A_850 = vector.shape_cast %reshape3A_849 : vector<16x1xi32> to vector<16xi32>
    %gather3A_851 = tpu.dynamic_gather %get3A_828[%gather3A_850] in [0] : vector<16xi32>, vector<16xi32> -> vector<16xi32>
    %add3A_852 = arith.addi %mul3A_7, %gather3A_851 : vector<16xi32>
    %reshape3A_853 = vector.shape_cast %select_n3A_175 : vector<16xi32> to vector<16x1xi32>
    %gather3A_854 = vector.shape_cast %reshape3A_853 : vector<16x1xi32> to vector<16xi32>
    %gather3A_855 = tpu.dynamic_gather %get3A_828[%gather3A_854] in [0] : vector<16xi32>, vector<16xi32> -> vector<16xi32>
    %add3A_856 = arith.addi %mul3A_7, %gather3A_855 : vector<16xi32>
    %reshape3A_857 = vector.shape_cast %select_n3A_200 : vector<16xi32> to vector<16x1xi32>
    %gather3A_858 = vector.shape_cast %reshape3A_857 : vector<16x1xi32> to vector<16xi32>
    %gather3A_859 = tpu.dynamic_gather %get3A_828[%gather3A_858] in [0] : vector<16xi32>, vector<16xi32> -> vector<16xi32>
    %add3A_860 = arith.addi %mul3A_7, %gather3A_859 : vector<16xi32>
    %reshape3A_861 = vector.shape_cast %select_n3A_225 : vector<16xi32> to vector<16x1xi32>
    %gather3A_862 = vector.shape_cast %reshape3A_861 : vector<16x1xi32> to vector<16xi32>
    %gather3A_863 = tpu.dynamic_gather %get3A_828[%gather3A_862] in [0] : vector<16xi32>, vector<16xi32> -> vector<16xi32>
    %add3A_864 = arith.addi %mul3A_7, %gather3A_863 : vector<16xi32>
    %reshape3A_865 = vector.shape_cast %select_n3A_250 : vector<16xi32> to vector<16x1xi32>
    %gather3A_866 = vector.shape_cast %reshape3A_865 : vector<16x1xi32> to vector<16xi32>
    %gather3A_867 = tpu.dynamic_gather %get3A_828[%gather3A_866] in [0] : vector<16xi32>, vector<16xi32> -> vector<16xi32>
    %add3A_868 = arith.addi %mul3A_7, %gather3A_867 : vector<16xi32>
    %reshape3A_869 = vector.shape_cast %select_n3A_275 : vector<16xi32> to vector<16x1xi32>
    %gather3A_870 = vector.shape_cast %reshape3A_869 : vector<16x1xi32> to vector<16xi32>
    %gather3A_871 = tpu.dynamic_gather %get3A_828[%gather3A_870] in [0] : vector<16xi32>, vector<16xi32> -> vector<16xi32>
    %add3A_872 = arith.addi %mul3A_7, %gather3A_871 : vector<16xi32>
    %reshape3A_873 = vector.shape_cast %select_n3A_300 : vector<16xi32> to vector<16x1xi32>
    %gather3A_874 = vector.shape_cast %reshape3A_873 : vector<16x1xi32> to vector<16xi32>
    %gather3A_875 = tpu.dynamic_gather %get3A_828[%gather3A_874] in [0] : vector<16xi32>, vector<16xi32> -> vector<16xi32>
    %add3A_876 = arith.addi %mul3A_7, %gather3A_875 : vector<16xi32>
    %parallel_loop3A_877 = arith.constant 0 : i32
    %parallel_loop3A_878 = arith.constant 32 : i32
    %parallel_loop3A_879 = arith.constant 1 : i32
    scf.for %parallel_loop3A_936 = %parallel_loop3A_877 to %parallel_loop3A_878 step %parallel_loop3A_879  : i32 {
      %parallel_loop3A_937 = arith.constant 2048 : i32
      %parallel_loop3A_938 = arith.muli %parallel_loop3A_936, %parallel_loop3A_937 : i32
      %parallel_loop3A_939 = tpu.memref_slice %arg5[%parallel_loop3A_938] : memref<65536xf32, #tpu.memory_space<vmem>> -> memref<2048xf32, #tpu.memory_space<vmem>>
      %parallel_loop3A_940 = tpu.vector_load_idx %parallel_loop3A_939[%add3A_832] : memref<2048xf32, #tpu.memory_space<vmem>>[vector<16xi32>], vector<16xf32>,
      %parallel_loop3A_941 = tpu.memref_slice %arg5[%parallel_loop3A_938] : memref<65536xf32, #tpu.memory_space<vmem>> -> memref<2048xf32, #tpu.memory_space<vmem>>
      %parallel_loop3A_942 = tpu.vector_load_idx %parallel_loop3A_941[%add3A_836] : memref<2048xf32, #tpu.memory_space<vmem>>[vector<16xi32>], vector<16xf32>,
      %parallel_loop3A_943 = arith.maximumf %parallel_loop3A_940, %parallel_loop3A_942 : vector<16xf32>
      %parallel_loop3A_944 = tpu.memref_slice %arg5[%parallel_loop3A_938] : memref<65536xf32, #tpu.memory_space<vmem>> -> memref<2048xf32, #tpu.memory_space<vmem>>
      %parallel_loop3A_945 = tpu.vector_load_idx %parallel_loop3A_944[%add3A_840] : memref<2048xf32, #tpu.memory_space<vmem>>[vector<16xi32>], vector<16xf32>,
      %parallel_loop3A_946 = arith.maximumf %parallel_loop3A_943, %parallel_loop3A_945 : vector<16xf32>
      %parallel_loop3A_947 = tpu.memref_slice %arg5[%parallel_loop3A_938] : memref<65536xf32, #tpu.memory_space<vmem>> -> memref<2048xf32, #tpu.memory_space<vmem>>
      %parallel_loop3A_948 = tpu.vector_load_idx %parallel_loop3A_947[%add3A_844] : memref<2048xf32, #tpu.memory_space<vmem>>[vector<16xi32>], vector<16xf32>,
      %parallel_loop3A_949 = arith.maximumf %parallel_loop3A_946, %parallel_loop3A_948 : vector<16xf32>
      %parallel_loop3A_950 = tpu.memref_slice %arg5[%parallel_loop3A_938] : memref<65536xf32, #tpu.memory_space<vmem>> -> memref<2048xf32, #tpu.memory_space<vmem>>
      %parallel_loop3A_951 = tpu.vector_load_idx %parallel_loop3A_950[%add3A_848] : memref<2048xf32, #tpu.memory_space<vmem>>[vector<16xi32>], vector<16xf32>,
      %parallel_loop3A_952 = arith.maximumf %parallel_loop3A_949, %parallel_loop3A_951 : vector<16xf32>
      %parallel_loop3A_953 = tpu.memref_slice %arg5[%parallel_loop3A_938] : memref<65536xf32, #tpu.memory_space<vmem>> -> memref<2048xf32, #tpu.memory_space<vmem>>
      %parallel_loop3A_954 = tpu.vector_load_idx %parallel_loop3A_953[%add3A_852] : memref<2048xf32, #tpu.memory_space<vmem>>[vector<16xi32>], vector<16xf32>,
      %parallel_loop3A_955 = arith.maximumf %parallel_loop3A_952, %parallel_loop3A_954 : vector<16xf32>
      %parallel_loop3A_956 = tpu.memref_slice %arg5[%parallel_loop3A_938] : memref<65536xf32, #tpu.memory_space<vmem>> -> memref<2048xf32, #tpu.memory_space<vmem>>
      %parallel_loop3A_957 = tpu.vector_load_idx %parallel_loop3A_956[%add3A_856] : memref<2048xf32, #tpu.memory_space<vmem>>[vector<16xi32>], vector<16xf32>,
      %parallel_loop3A_958 = arith.maximumf %parallel_loop3A_955, %parallel_loop3A_957 : vector<16xf32>
      %parallel_loop3A_959 = tpu.memref_slice %arg5[%parallel_loop3A_938] : memref<65536xf32, #tpu.memory_space<vmem>> -> memref<2048xf32, #tpu.memory_space<vmem>>
      %parallel_loop3A_960 = tpu.vector_load_idx %parallel_loop3A_959[%add3A_860] : memref<2048xf32, #tpu.memory_space<vmem>>[vector<16xi32>], vector<16xf32>,
      %parallel_loop3A_961 = arith.maximumf %parallel_loop3A_958, %parallel_loop3A_960 : vector<16xf32>
      %parallel_loop3A_962 = tpu.memref_slice %arg5[%parallel_loop3A_938] : memref<65536xf32, #tpu.memory_space<vmem>> -> memref<2048xf32, #tpu.memory_space<vmem>>
      %parallel_loop3A_963 = tpu.vector_load_idx %parallel_loop3A_962[%add3A_864] : memref<2048xf32, #tpu.memory_space<vmem>>[vector<16xi32>], vector<16xf32>,
      %parallel_loop3A_964 = arith.maximumf %parallel_loop3A_961, %parallel_loop3A_963 : vector<16xf32>
      %parallel_loop3A_965 = tpu.memref_slice %arg5[%parallel_loop3A_938] : memref<65536xf32, #tpu.memory_space<vmem>> -> memref<2048xf32, #tpu.memory_space<vmem>>
      %parallel_loop3A_966 = tpu.vector_load_idx %parallel_loop3A_965[%add3A_868] : memref<2048xf32, #tpu.memory_space<vmem>>[vector<16xi32>], vector<16xf32>,
      %parallel_loop3A_967 = arith.maximumf %parallel_loop3A_964, %parallel_loop3A_966 : vector<16xf32>
      %parallel_loop3A_968 = tpu.memref_slice %arg5[%parallel_loop3A_938] : memref<65536xf32, #tpu.memory_space<vmem>> -> memref<2048xf32, #tpu.memory_space<vmem>>
      %parallel_loop3A_969 = tpu.vector_load_idx %parallel_loop3A_968[%add3A_872] : memref<2048xf32, #tpu.memory_space<vmem>>[vector<16xi32>], vector<16xf32>,
      %parallel_loop3A_970 = arith.maximumf %parallel_loop3A_967, %parallel_loop3A_969 : vector<16xf32>
      %parallel_loop3A_971 = tpu.memref_slice %arg5[%parallel_loop3A_938] : memref<65536xf32, #tpu.memory_space<vmem>> -> memref<2048xf32, #tpu.memory_space<vmem>>
      %parallel_loop3A_972 = tpu.vector_load_idx %parallel_loop3A_971[%add3A_876] : memref<2048xf32, #tpu.memory_space<vmem>>[vector<16xi32>], vector<16xf32>,
      %parallel_loop3A_973 = arith.maximumf %parallel_loop3A_970, %parallel_loop3A_972 : vector<16xf32>
      %parallel_loop3A_974 = arith.constant 16 : i32
      %parallel_loop3A_975 = arith.muli %parallel_loop3A_936, %parallel_loop3A_974 : i32
      %parallel_loop3A_976 = arith.constant 10 : i32
      %parallel_loop3A_977 = arith.index_cast %parallel_loop3A_976 : i32 to index
      %parallel_loop3A_978 = arith.index_cast %parallel_loop3A_975 : i32 to index
      %parallel_loop3A_979 = tpu.vector_load %arg7[%parallel_loop3A_977, %parallel_loop3A_978] {strides = array<i32>} : memref<12x512xf32, #tpu.memory_space<vmem>>, vector<16xf32>,
      tpu.vector_store %arg7[%parallel_loop3A_977, %parallel_loop3A_978], %parallel_loop3A_973 {strides = array<i32>} : memref<12x512xf32, #tpu.memory_space<vmem>>, vector<16xf32>,
    } {sc.loop_unroll_factor = 1 : i64, sc.parallel_access}
    %get3A_880 = arith.constant 132 : index
    %get3A_881 = tpu.vector_load %arg6[%get3A_880] {strides = array<i32>} : memref<160xi32, #tpu.memory_space<vmem>>, vector<16xi32>,
    %reshape3A_882 = vector.shape_cast %select_n3A_25 : vector<16xi32> to vector<16x1xi32>
    %gather3A_883 = vector.shape_cast %reshape3A_882 : vector<16x1xi32> to vector<16xi32>
    %gather3A_884 = tpu.dynamic_gather %get3A_881[%gather3A_883] in [0] : vector<16xi32>, vector<16xi32> -> vector<16xi32>
    %add3A_885 = arith.addi %mul3A_7, %gather3A_884 : vector<16xi32>
    %reshape3A_886 = vector.shape_cast %select_n3A_50 : vector<16xi32> to vector<16x1xi32>
    %gather3A_887 = vector.shape_cast %reshape3A_886 : vector<16x1xi32> to vector<16xi32>
    %gather3A_888 = tpu.dynamic_gather %get3A_881[%gather3A_887] in [0] : vector<16xi32>, vector<16xi32> -> vector<16xi32>
    %add3A_889 = arith.addi %mul3A_7, %gather3A_888 : vector<16xi32>
    %reshape3A_890 = vector.shape_cast %select_n3A_75 : vector<16xi32> to vector<16x1xi32>
    %gather3A_891 = vector.shape_cast %reshape3A_890 : vector<16x1xi32> to vector<16xi32>
    %gather3A_892 = tpu.dynamic_gather %get3A_881[%gather3A_891] in [0] : vector<16xi32>, vector<16xi32> -> vector<16xi32>
    %add3A_893 = arith.addi %mul3A_7, %gather3A_892 : vector<16xi32>
    %reshape3A_894 = vector.shape_cast %select_n3A_100 : vector<16xi32> to vector<16x1xi32>
    %gather3A_895 = vector.shape_cast %reshape3A_894 : vector<16x1xi32> to vector<16xi32>
    %gather3A_896 = tpu.dynamic_gather %get3A_881[%gather3A_895] in [0] : vector<16xi32>, vector<16xi32> -> vector<16xi32>
    %add3A_897 = arith.addi %mul3A_7, %gather3A_896 : vector<16xi32>
    %reshape3A_898 = vector.shape_cast %select_n3A_125 : vector<16xi32> to vector<16x1xi32>
    %gather3A_899 = vector.shape_cast %reshape3A_898 : vector<16x1xi32> to vector<16xi32>
    %gather3A_900 = tpu.dynamic_gather %get3A_881[%gather3A_899] in [0] : vector<16xi32>, vector<16xi32> -> vector<16xi32>
    %add3A_901 = arith.addi %mul3A_7, %gather3A_900 : vector<16xi32>
    %reshape3A_902 = vector.shape_cast %select_n3A_150 : vector<16xi32> to vector<16x1xi32>
    %gather3A_903 = vector.shape_cast %reshape3A_902 : vector<16x1xi32> to vector<16xi32>
    %gather3A_904 = tpu.dynamic_gather %get3A_881[%gather3A_903] in [0] : vector<16xi32>, vector<16xi32> -> vector<16xi32>
    %add3A_905 = arith.addi %mul3A_7, %gather3A_904 : vector<16xi32>
    %reshape3A_906 = vector.shape_cast %select_n3A_175 : vector<16xi32> to vector<16x1xi32>
    %gather3A_907 = vector.shape_cast %reshape3A_906 : vector<16x1xi32> to vector<16xi32>
    %gather3A_908 = tpu.dynamic_gather %get3A_881[%gather3A_907] in [0] : vector<16xi32>, vector<16xi32> -> vector<16xi32>
    %add3A_909 = arith.addi %mul3A_7, %gather3A_908 : vector<16xi32>
    %reshape3A_910 = vector.shape_cast %select_n3A_200 : vector<16xi32> to vector<16x1xi32>
    %gather3A_911 = vector.shape_cast %reshape3A_910 : vector<16x1xi32> to vector<16xi32>
    %gather3A_912 = tpu.dynamic_gather %get3A_881[%gather3A_911] in [0] : vector<16xi32>, vector<16xi32> -> vector<16xi32>
    %add3A_913 = arith.addi %mul3A_7, %gather3A_912 : vector<16xi32>
    %reshape3A_914 = vector.shape_cast %select_n3A_225 : vector<16xi32> to vector<16x1xi32>
    %gather3A_915 = vector.shape_cast %reshape3A_914 : vector<16x1xi32> to vector<16xi32>
    %gather3A_916 = tpu.dynamic_gather %get3A_881[%gather3A_915] in [0] : vector<16xi32>, vector<16xi32> -> vector<16xi32>
    %add3A_917 = arith.addi %mul3A_7, %gather3A_916 : vector<16xi32>
    %reshape3A_918 = vector.shape_cast %select_n3A_250 : vector<16xi32> to vector<16x1xi32>
    %gather3A_919 = vector.shape_cast %reshape3A_918 : vector<16x1xi32> to vector<16xi32>
    %gather3A_920 = tpu.dynamic_gather %get3A_881[%gather3A_919] in [0] : vector<16xi32>, vector<16xi32> -> vector<16xi32>
    %add3A_921 = arith.addi %mul3A_7, %gather3A_920 : vector<16xi32>
    %reshape3A_922 = vector.shape_cast %select_n3A_275 : vector<16xi32> to vector<16x1xi32>
    %gather3A_923 = vector.shape_cast %reshape3A_922 : vector<16x1xi32> to vector<16xi32>
    %gather3A_924 = tpu.dynamic_gather %get3A_881[%gather3A_923] in [0] : vector<16xi32>, vector<16xi32> -> vector<16xi32>
    %add3A_925 = arith.addi %mul3A_7, %gather3A_924 : vector<16xi32>
    %reshape3A_926 = vector.shape_cast %select_n3A_300 : vector<16xi32> to vector<16x1xi32>
    %gather3A_927 = vector.shape_cast %reshape3A_926 : vector<16x1xi32> to vector<16xi32>
    %gather3A_928 = tpu.dynamic_gather %get3A_881[%gather3A_927] in [0] : vector<16xi32>, vector<16xi32> -> vector<16xi32>
    %add3A_929 = arith.addi %mul3A_7, %gather3A_928 : vector<16xi32>
    %parallel_loop3A_930 = arith.constant 0 : i32
    %parallel_loop3A_931 = arith.constant 32 : i32
    %parallel_loop3A_932 = arith.constant 1 : i32
    scf.for %parallel_loop3A_936 = %parallel_loop3A_930 to %parallel_loop3A_931 step %parallel_loop3A_932  : i32 {
      %parallel_loop3A_937 = arith.constant 2048 : i32
      %parallel_loop3A_938 = arith.muli %parallel_loop3A_936, %parallel_loop3A_937 : i32
      %parallel_loop3A_939 = tpu.memref_slice %arg5[%parallel_loop3A_938] : memref<65536xf32, #tpu.memory_space<vmem>> -> memref<2048xf32, #tpu.memory_space<vmem>>
      %parallel_loop3A_940 = tpu.vector_load_idx %parallel_loop3A_939[%add3A_885] : memref<2048xf32, #tpu.memory_space<vmem>>[vector<16xi32>], vector<16xf32>,
      %parallel_loop3A_941 = tpu.memref_slice %arg5[%parallel_loop3A_938] : memref<65536xf32, #tpu.memory_space<vmem>> -> memref<2048xf32, #tpu.memory_space<vmem>>
      %parallel_loop3A_942 = tpu.vector_load_idx %parallel_loop3A_941[%add3A_889] : memref<2048xf32, #tpu.memory_space<vmem>>[vector<16xi32>], vector<16xf32>,
      %parallel_loop3A_943 = arith.maximumf %parallel_loop3A_940, %parallel_loop3A_942 : vector<16xf32>
      %parallel_loop3A_944 = tpu.memref_slice %arg5[%parallel_loop3A_938] : memref<65536xf32, #tpu.memory_space<vmem>> -> memref<2048xf32, #tpu.memory_space<vmem>>
      %parallel_loop3A_945 = tpu.vector_load_idx %parallel_loop3A_944[%add3A_893] : memref<2048xf32, #tpu.memory_space<vmem>>[vector<16xi32>], vector<16xf32>,
      %parallel_loop3A_946 = arith.maximumf %parallel_loop3A_943, %parallel_loop3A_945 : vector<16xf32>
      %parallel_loop3A_947 = tpu.memref_slice %arg5[%parallel_loop3A_938] : memref<65536xf32, #tpu.memory_space<vmem>> -> memref<2048xf32, #tpu.memory_space<vmem>>
      %parallel_loop3A_948 = tpu.vector_load_idx %parallel_loop3A_947[%add3A_897] : memref<2048xf32, #tpu.memory_space<vmem>>[vector<16xi32>], vector<16xf32>,
      %parallel_loop3A_949 = arith.maximumf %parallel_loop3A_946, %parallel_loop3A_948 : vector<16xf32>
      %parallel_loop3A_950 = tpu.memref_slice %arg5[%parallel_loop3A_938] : memref<65536xf32, #tpu.memory_space<vmem>> -> memref<2048xf32, #tpu.memory_space<vmem>>
      %parallel_loop3A_951 = tpu.vector_load_idx %parallel_loop3A_950[%add3A_901] : memref<2048xf32, #tpu.memory_space<vmem>>[vector<16xi32>], vector<16xf32>,
      %parallel_loop3A_952 = arith.maximumf %parallel_loop3A_949, %parallel_loop3A_951 : vector<16xf32>
      %parallel_loop3A_953 = tpu.memref_slice %arg5[%parallel_loop3A_938] : memref<65536xf32, #tpu.memory_space<vmem>> -> memref<2048xf32, #tpu.memory_space<vmem>>
      %parallel_loop3A_954 = tpu.vector_load_idx %parallel_loop3A_953[%add3A_905] : memref<2048xf32, #tpu.memory_space<vmem>>[vector<16xi32>], vector<16xf32>,
      %parallel_loop3A_955 = arith.maximumf %parallel_loop3A_952, %parallel_loop3A_954 : vector<16xf32>
      %parallel_loop3A_956 = tpu.memref_slice %arg5[%parallel_loop3A_938] : memref<65536xf32, #tpu.memory_space<vmem>> -> memref<2048xf32, #tpu.memory_space<vmem>>
      %parallel_loop3A_957 = tpu.vector_load_idx %parallel_loop3A_956[%add3A_909] : memref<2048xf32, #tpu.memory_space<vmem>>[vector<16xi32>], vector<16xf32>,
      %parallel_loop3A_958 = arith.maximumf %parallel_loop3A_955, %parallel_loop3A_957 : vector<16xf32>
      %parallel_loop3A_959 = tpu.memref_slice %arg5[%parallel_loop3A_938] : memref<65536xf32, #tpu.memory_space<vmem>> -> memref<2048xf32, #tpu.memory_space<vmem>>
      %parallel_loop3A_960 = tpu.vector_load_idx %parallel_loop3A_959[%add3A_913] : memref<2048xf32, #tpu.memory_space<vmem>>[vector<16xi32>], vector<16xf32>,
      %parallel_loop3A_961 = arith.maximumf %parallel_loop3A_958, %parallel_loop3A_960 : vector<16xf32>
      %parallel_loop3A_962 = tpu.memref_slice %arg5[%parallel_loop3A_938] : memref<65536xf32, #tpu.memory_space<vmem>> -> memref<2048xf32, #tpu.memory_space<vmem>>
      %parallel_loop3A_963 = tpu.vector_load_idx %parallel_loop3A_962[%add3A_917] : memref<2048xf32, #tpu.memory_space<vmem>>[vector<16xi32>], vector<16xf32>,
      %parallel_loop3A_964 = arith.maximumf %parallel_loop3A_961, %parallel_loop3A_963 : vector<16xf32>
      %parallel_loop3A_965 = tpu.memref_slice %arg5[%parallel_loop3A_938] : memref<65536xf32, #tpu.memory_space<vmem>> -> memref<2048xf32, #tpu.memory_space<vmem>>
      %parallel_loop3A_966 = tpu.vector_load_idx %parallel_loop3A_965[%add3A_921] : memref<2048xf32, #tpu.memory_space<vmem>>[vector<16xi32>], vector<16xf32>,
      %parallel_loop3A_967 = arith.maximumf %parallel_loop3A_964, %parallel_loop3A_966 : vector<16xf32>
      %parallel_loop3A_968 = tpu.memref_slice %arg5[%parallel_loop3A_938] : memref<65536xf32, #tpu.memory_space<vmem>> -> memref<2048xf32, #tpu.memory_space<vmem>>
      %parallel_loop3A_969 = tpu.vector_load_idx %parallel_loop3A_968[%add3A_925] : memref<2048xf32, #tpu.memory_space<vmem>>[vector<16xi32>], vector<16xf32>,
      %parallel_loop3A_970 = arith.maximumf %parallel_loop3A_967, %parallel_loop3A_969 : vector<16xf32>
      %parallel_loop3A_971 = tpu.memref_slice %arg5[%parallel_loop3A_938] : memref<65536xf32, #tpu.memory_space<vmem>> -> memref<2048xf32, #tpu.memory_space<vmem>>
      %parallel_loop3A_972 = tpu.vector_load_idx %parallel_loop3A_971[%add3A_929] : memref<2048xf32, #tpu.memory_space<vmem>>[vector<16xi32>], vector<16xf32>,
      %parallel_loop3A_973 = arith.maximumf %parallel_loop3A_970, %parallel_loop3A_972 : vector<16xf32>
      %parallel_loop3A_974 = arith.constant 16 : i32
      %parallel_loop3A_975 = arith.muli %parallel_loop3A_936, %parallel_loop3A_974 : i32
      %parallel_loop3A_976 = arith.constant 11 : i32
      %parallel_loop3A_977 = arith.index_cast %parallel_loop3A_976 : i32 to index
      %parallel_loop3A_978 = arith.index_cast %parallel_loop3A_975 : i32 to index
      %parallel_loop3A_979 = tpu.vector_load %arg7[%parallel_loop3A_977, %parallel_loop3A_978] {strides = array<i32>} : memref<12x512xf32, #tpu.memory_space<vmem>>, vector<16xf32>,
      tpu.vector_store %arg7[%parallel_loop3A_977, %parallel_loop3A_978], %parallel_loop3A_973 {strides = array<i32>} : memref<12x512xf32, #tpu.memory_space<vmem>>, vector<16xf32>,
    } {sc.loop_unroll_factor = 1 : i64, sc.parallel_access}
    %parallel_loop3A_933 = arith.constant 0 : i32
    %parallel_loop3A_934 = arith.constant 32 : i32
    %parallel_loop3A_935 = arith.constant 1 : i32
    scf.for %parallel_loop3A_936 = %parallel_loop3A_933 to %parallel_loop3A_934 step %parallel_loop3A_935  : i32 {
      %parallel_loop3A_937 = arith.constant 16 : i32
      %parallel_loop3A_938 = arith.muli %parallel_loop3A_936, %parallel_loop3A_937 : i32
      %parallel_loop3A_939 = arith.constant 0 : i32
      %parallel_loop3A_940 = arith.index_cast %parallel_loop3A_939 : i32 to index
      %parallel_loop3A_941 = arith.index_cast %parallel_loop3A_938 : i32 to index
      %parallel_loop3A_942 = tpu.vector_load %arg7[%parallel_loop3A_940, %parallel_loop3A_941] {strides = array<i32>} : memref<12x512xf32, #tpu.memory_space<vmem>>, vector<16xf32>,
      %parallel_loop3A_943 = arith.constant 16 : i32
      %parallel_loop3A_944 = arith.muli %parallel_loop3A_936, %parallel_loop3A_943 : i32
      %parallel_loop3A_945 = arith.constant 1 : i32
      %parallel_loop3A_946 = arith.index_cast %parallel_loop3A_945 : i32 to index
      %parallel_loop3A_947 = arith.index_cast %parallel_loop3A_944 : i32 to index
      %parallel_loop3A_948 = tpu.vector_load %arg7[%parallel_loop3A_946, %parallel_loop3A_947] {strides = array<i32>} : memref<12x512xf32, #tpu.memory_space<vmem>>, vector<16xf32>,
      %parallel_loop3A_949 = arith.constant 16 : i32
      %parallel_loop3A_950 = arith.muli %parallel_loop3A_936, %parallel_loop3A_949 : i32
      %parallel_loop3A_951 = arith.constant 2 : i32
      %parallel_loop3A_952 = arith.index_cast %parallel_loop3A_951 : i32 to index
      %parallel_loop3A_953 = arith.index_cast %parallel_loop3A_950 : i32 to index
      %parallel_loop3A_954 = tpu.vector_load %arg7[%parallel_loop3A_952, %parallel_loop3A_953] {strides = array<i32>} : memref<12x512xf32, #tpu.memory_space<vmem>>, vector<16xf32>,
      %parallel_loop3A_955 = arith.constant 16 : i32
      %parallel_loop3A_956 = arith.muli %parallel_loop3A_936, %parallel_loop3A_955 : i32
      %parallel_loop3A_957 = arith.constant 3 : i32
      %parallel_loop3A_958 = arith.index_cast %parallel_loop3A_957 : i32 to index
      %parallel_loop3A_959 = arith.index_cast %parallel_loop3A_956 : i32 to index
      %parallel_loop3A_960 = tpu.vector_load %arg7[%parallel_loop3A_958, %parallel_loop3A_959] {strides = array<i32>} : memref<12x512xf32, #tpu.memory_space<vmem>>, vector<16xf32>,
      %parallel_loop3A_961 = arith.constant 16 : i32
      %parallel_loop3A_962 = arith.muli %parallel_loop3A_936, %parallel_loop3A_961 : i32
      %parallel_loop3A_963 = arith.constant 4 : i32
      %parallel_loop3A_964 = arith.index_cast %parallel_loop3A_963 : i32 to index
      %parallel_loop3A_965 = arith.index_cast %parallel_loop3A_962 : i32 to index
      %parallel_loop3A_966 = tpu.vector_load %arg7[%parallel_loop3A_964, %parallel_loop3A_965] {strides = array<i32>} : memref<12x512xf32, #tpu.memory_space<vmem>>, vector<16xf32>,
      %parallel_loop3A_967 = arith.constant 16 : i32
      %parallel_loop3A_968 = arith.muli %parallel_loop3A_936, %parallel_loop3A_967 : i32
      %parallel_loop3A_969 = arith.constant 5 : i32
      %parallel_loop3A_970 = arith.index_cast %parallel_loop3A_969 : i32 to index
      %parallel_loop3A_971 = arith.index_cast %parallel_loop3A_968 : i32 to index
      %parallel_loop3A_972 = tpu.vector_load %arg7[%parallel_loop3A_970, %parallel_loop3A_971] {strides = array<i32>} : memref<12x512xf32, #tpu.memory_space<vmem>>, vector<16xf32>,
      %parallel_loop3A_973 = arith.constant 16 : i32
      %parallel_loop3A_974 = arith.muli %parallel_loop3A_936, %parallel_loop3A_973 : i32
      %parallel_loop3A_975 = arith.constant 6 : i32
      %parallel_loop3A_976 = arith.index_cast %parallel_loop3A_975 : i32 to index
      %parallel_loop3A_977 = arith.index_cast %parallel_loop3A_974 : i32 to index
      %parallel_loop3A_978 = tpu.vector_load %arg7[%parallel_loop3A_976, %parallel_loop3A_977] {strides = array<i32>} : memref<12x512xf32, #tpu.memory_space<vmem>>, vector<16xf32>,
      %parallel_loop3A_979 = arith.constant 16 : i32
      %parallel_loop3A_980 = arith.muli %parallel_loop3A_936, %parallel_loop3A_979 : i32
      %parallel_loop3A_981 = arith.constant 7 : i32
      %parallel_loop3A_982 = arith.index_cast %parallel_loop3A_981 : i32 to index
      %parallel_loop3A_983 = arith.index_cast %parallel_loop3A_980 : i32 to index
      %parallel_loop3A_984 = tpu.vector_load %arg7[%parallel_loop3A_982, %parallel_loop3A_983] {strides = array<i32>} : memref<12x512xf32, #tpu.memory_space<vmem>>, vector<16xf32>,
      %parallel_loop3A_985 = arith.constant 16 : i32
      %parallel_loop3A_986 = arith.muli %parallel_loop3A_936, %parallel_loop3A_985 : i32
      %parallel_loop3A_987 = arith.constant 8 : i32
      %parallel_loop3A_988 = arith.index_cast %parallel_loop3A_987 : i32 to index
      %parallel_loop3A_989 = arith.index_cast %parallel_loop3A_986 : i32 to index
      %parallel_loop3A_990 = tpu.vector_load %arg7[%parallel_loop3A_988, %parallel_loop3A_989] {strides = array<i32>} : memref<12x512xf32, #tpu.memory_space<vmem>>, vector<16xf32>,
      %parallel_loop3A_991 = arith.constant 16 : i32
      %parallel_loop3A_992 = arith.muli %parallel_loop3A_936, %parallel_loop3A_991 : i32
      %parallel_loop3A_993 = arith.constant 9 : i32
      %parallel_loop3A_994 = arith.index_cast %parallel_loop3A_993 : i32 to index
      %parallel_loop3A_995 = arith.index_cast %parallel_loop3A_992 : i32 to index
      %parallel_loop3A_996 = tpu.vector_load %arg7[%parallel_loop3A_994, %parallel_loop3A_995] {strides = array<i32>} : memref<12x512xf32, #tpu.memory_space<vmem>>, vector<16xf32>,
      %parallel_loop3A_997 = arith.constant 16 : i32
      %parallel_loop3A_998 = arith.muli %parallel_loop3A_936, %parallel_loop3A_997 : i32
      %parallel_loop3A_999 = arith.constant 10 : i32
      %parallel_loop3A_1000 = arith.index_cast %parallel_loop3A_999 : i32 to index
      %parallel_loop3A_1001 = arith.index_cast %parallel_loop3A_998 : i32 to index
      %parallel_loop3A_1002 = tpu.vector_load %arg7[%parallel_loop3A_1000, %parallel_loop3A_1001] {strides = array<i32>} : memref<12x512xf32, #tpu.memory_space<vmem>>, vector<16xf32>,
      %parallel_loop3A_1003 = arith.constant 16 : i32
      %parallel_loop3A_1004 = arith.muli %parallel_loop3A_936, %parallel_loop3A_1003 : i32
      %parallel_loop3A_1005 = arith.constant 11 : i32
      %parallel_loop3A_1006 = arith.index_cast %parallel_loop3A_1005 : i32 to index
      %parallel_loop3A_1007 = arith.index_cast %parallel_loop3A_1004 : i32 to index
      %parallel_loop3A_1008 = tpu.vector_load %arg7[%parallel_loop3A_1006, %parallel_loop3A_1007] {strides = array<i32>} : memref<12x512xf32, #tpu.memory_space<vmem>>, vector<16xf32>,
      %parallel_loop3A_1009 = arith.maximumf %parallel_loop3A_942, %parallel_loop3A_948 : vector<16xf32>
      %parallel_loop3A_1010 = arith.maximumf %parallel_loop3A_1009, %parallel_loop3A_954 : vector<16xf32>
      %parallel_loop3A_1011 = arith.maximumf %parallel_loop3A_1010, %parallel_loop3A_960 : vector<16xf32>
      %parallel_loop3A_1012 = arith.maximumf %parallel_loop3A_1011, %parallel_loop3A_966 : vector<16xf32>
      %parallel_loop3A_1013 = arith.maximumf %parallel_loop3A_1012, %parallel_loop3A_972 : vector<16xf32>
      %parallel_loop3A_1014 = arith.maximumf %parallel_loop3A_1013, %parallel_loop3A_978 : vector<16xf32>
      %parallel_loop3A_1015 = arith.maximumf %parallel_loop3A_1014, %parallel_loop3A_984 : vector<16xf32>
      %parallel_loop3A_1016 = arith.maximumf %parallel_loop3A_1015, %parallel_loop3A_990 : vector<16xf32>
      %parallel_loop3A_1017 = arith.maximumf %parallel_loop3A_1016, %parallel_loop3A_996 : vector<16xf32>
      %parallel_loop3A_1018 = arith.maximumf %parallel_loop3A_1017, %parallel_loop3A_1002 : vector<16xf32>
      %parallel_loop3A_1019 = arith.maximumf %parallel_loop3A_1018, %parallel_loop3A_1008 : vector<16xf32>
      %parallel_loop3A_1020 = arith.subf %parallel_loop3A_942, %parallel_loop3A_1019 : vector<16xf32>
      %parallel_loop3A_1021 = math.exp %parallel_loop3A_1020 : vector<16xf32>
      %parallel_loop3A_1022 = arith.subf %parallel_loop3A_948, %parallel_loop3A_1019 : vector<16xf32>
      %parallel_loop3A_1023 = math.exp %parallel_loop3A_1022 : vector<16xf32>
      %parallel_loop3A_1024 = arith.subf %parallel_loop3A_954, %parallel_loop3A_1019 : vector<16xf32>
      %parallel_loop3A_1025 = math.exp %parallel_loop3A_1024 : vector<16xf32>
      %parallel_loop3A_1026 = arith.subf %parallel_loop3A_960, %parallel_loop3A_1019 : vector<16xf32>
      %parallel_loop3A_1027 = math.exp %parallel_loop3A_1026 : vector<16xf32>
      %parallel_loop3A_1028 = arith.subf %parallel_loop3A_966, %parallel_loop3A_1019 : vector<16xf32>
      %parallel_loop3A_1029 = math.exp %parallel_loop3A_1028 : vector<16xf32>
      %parallel_loop3A_1030 = arith.subf %parallel_loop3A_972, %parallel_loop3A_1019 : vector<16xf32>
      %parallel_loop3A_1031 = math.exp %parallel_loop3A_1030 : vector<16xf32>
      %parallel_loop3A_1032 = arith.subf %parallel_loop3A_978, %parallel_loop3A_1019 : vector<16xf32>
      %parallel_loop3A_1033 = math.exp %parallel_loop3A_1032 : vector<16xf32>
      %parallel_loop3A_1034 = arith.subf %parallel_loop3A_984, %parallel_loop3A_1019 : vector<16xf32>
      %parallel_loop3A_1035 = math.exp %parallel_loop3A_1034 : vector<16xf32>
      %parallel_loop3A_1036 = arith.subf %parallel_loop3A_990, %parallel_loop3A_1019 : vector<16xf32>
      %parallel_loop3A_1037 = math.exp %parallel_loop3A_1036 : vector<16xf32>
      %parallel_loop3A_1038 = arith.subf %parallel_loop3A_996, %parallel_loop3A_1019 : vector<16xf32>
      %parallel_loop3A_1039 = math.exp %parallel_loop3A_1038 : vector<16xf32>
      %parallel_loop3A_1040 = arith.subf %parallel_loop3A_1002, %parallel_loop3A_1019 : vector<16xf32>
      %parallel_loop3A_1041 = math.exp %parallel_loop3A_1040 : vector<16xf32>
      %parallel_loop3A_1042 = arith.subf %parallel_loop3A_1008, %parallel_loop3A_1019 : vector<16xf32>
      %parallel_loop3A_1043 = math.exp %parallel_loop3A_1042 : vector<16xf32>
      %parallel_loop3A_1044 = arith.addf %parallel_loop3A_1021, %parallel_loop3A_1023 : vector<16xf32>
      %parallel_loop3A_1045 = arith.addf %parallel_loop3A_1044, %parallel_loop3A_1025 : vector<16xf32>
      %parallel_loop3A_1046 = arith.addf %parallel_loop3A_1045, %parallel_loop3A_1027 : vector<16xf32>
      %parallel_loop3A_1047 = arith.addf %parallel_loop3A_1046, %parallel_loop3A_1029 : vector<16xf32>
      %parallel_loop3A_1048 = arith.addf %parallel_loop3A_1047, %parallel_loop3A_1031 : vector<16xf32>
      %parallel_loop3A_1049 = arith.addf %parallel_loop3A_1048, %parallel_loop3A_1033 : vector<16xf32>
      %parallel_loop3A_1050 = arith.addf %parallel_loop3A_1049, %parallel_loop3A_1035 : vector<16xf32>
      %parallel_loop3A_1051 = arith.addf %parallel_loop3A_1050, %parallel_loop3A_1037 : vector<16xf32>
      %parallel_loop3A_1052 = arith.addf %parallel_loop3A_1051, %parallel_loop3A_1039 : vector<16xf32>
      %parallel_loop3A_1053 = arith.addf %parallel_loop3A_1052, %parallel_loop3A_1041 : vector<16xf32>
      %parallel_loop3A_1054 = arith.addf %parallel_loop3A_1053, %parallel_loop3A_1043 : vector<16xf32>
      %parallel_loop3A_1055 = arith.constant 1.000000e+00 : f32
      %parallel_loop3A_1056 = vector.broadcast %parallel_loop3A_1055 : f32 to vector<16xf32>
      %parallel_loop3A_1057 = arith.divf %parallel_loop3A_1056, %parallel_loop3A_1054 : vector<16xf32>
      %parallel_loop3A_1058 = arith.mulf %parallel_loop3A_1021, %parallel_loop3A_1057 : vector<16xf32>
      %parallel_loop3A_1059 = arith.constant 16 : i32
      %parallel_loop3A_1060 = arith.muli %parallel_loop3A_936, %parallel_loop3A_1059 : i32
      %parallel_loop3A_1061 = arith.constant 0 : i32
      %parallel_loop3A_1062 = arith.index_cast %parallel_loop3A_1061 : i32 to index
      %parallel_loop3A_1063 = arith.index_cast %parallel_loop3A_1060 : i32 to index
      %parallel_loop3A_1064 = tpu.vector_load %arg7[%parallel_loop3A_1062, %parallel_loop3A_1063] {strides = array<i32>} : memref<12x512xf32, #tpu.memory_space<vmem>>, vector<16xf32>,
      tpu.vector_store %arg7[%parallel_loop3A_1062, %parallel_loop3A_1063], %parallel_loop3A_1058 {strides = array<i32>} : memref<12x512xf32, #tpu.memory_space<vmem>>, vector<16xf32>,
      %parallel_loop3A_1065 = arith.mulf %parallel_loop3A_1023, %parallel_loop3A_1057 : vector<16xf32>
      %parallel_loop3A_1066 = arith.constant 16 : i32
      %parallel_loop3A_1067 = arith.muli %parallel_loop3A_936, %parallel_loop3A_1066 : i32
      %parallel_loop3A_1068 = arith.constant 1 : i32
      %parallel_loop3A_1069 = arith.index_cast %parallel_loop3A_1068 : i32 to index
      %parallel_loop3A_1070 = arith.index_cast %parallel_loop3A_1067 : i32 to index
      %parallel_loop3A_1071 = tpu.vector_load %arg7[%parallel_loop3A_1069, %parallel_loop3A_1070] {strides = array<i32>} : memref<12x512xf32, #tpu.memory_space<vmem>>, vector<16xf32>,
      tpu.vector_store %arg7[%parallel_loop3A_1069, %parallel_loop3A_1070], %parallel_loop3A_1065 {strides = array<i32>} : memref<12x512xf32, #tpu.memory_space<vmem>>, vector<16xf32>,
      %parallel_loop3A_1072 = arith.mulf %parallel_loop3A_1025, %parallel_loop3A_1057 : vector<16xf32>
      %parallel_loop3A_1073 = arith.constant 16 : i32
      %parallel_loop3A_1074 = arith.muli %parallel_loop3A_936, %parallel_loop3A_1073 : i32
      %parallel_loop3A_1075 = arith.constant 2 : i32
      %parallel_loop3A_1076 = arith.index_cast %parallel_loop3A_1075 : i32 to index
      %parallel_loop3A_1077 = arith.index_cast %parallel_loop3A_1074 : i32 to index
      %parallel_loop3A_1078 = tpu.vector_load %arg7[%parallel_loop3A_1076, %parallel_loop3A_1077] {strides = array<i32>} : memref<12x512xf32, #tpu.memory_space<vmem>>, vector<16xf32>,
      tpu.vector_store %arg7[%parallel_loop3A_1076, %parallel_loop3A_1077], %parallel_loop3A_1072 {strides = array<i32>} : memref<12x512xf32, #tpu.memory_space<vmem>>, vector<16xf32>,
      %parallel_loop3A_1079 = arith.mulf %parallel_loop3A_1027, %parallel_loop3A_1057 : vector<16xf32>
      %parallel_loop3A_1080 = arith.constant 16 : i32
      %parallel_loop3A_1081 = arith.muli %parallel_loop3A_936, %parallel_loop3A_1080 : i32
      %parallel_loop3A_1082 = arith.constant 3 : i32
      %parallel_loop3A_1083 = arith.index_cast %parallel_loop3A_1082 : i32 to index
      %parallel_loop3A_1084 = arith.index_cast %parallel_loop3A_1081 : i32 to index
      %parallel_loop3A_1085 = tpu.vector_load %arg7[%parallel_loop3A_1083, %parallel_loop3A_1084] {strides = array<i32>} : memref<12x512xf32, #tpu.memory_space<vmem>>, vector<16xf32>,
      tpu.vector_store %arg7[%parallel_loop3A_1083, %parallel_loop3A_1084], %parallel_loop3A_1079 {strides = array<i32>} : memref<12x512xf32, #tpu.memory_space<vmem>>, vector<16xf32>,
      %parallel_loop3A_1086 = arith.mulf %parallel_loop3A_1029, %parallel_loop3A_1057 : vector<16xf32>
      %parallel_loop3A_1087 = arith.constant 16 : i32
      %parallel_loop3A_1088 = arith.muli %parallel_loop3A_936, %parallel_loop3A_1087 : i32
      %parallel_loop3A_1089 = arith.constant 4 : i32
      %parallel_loop3A_1090 = arith.index_cast %parallel_loop3A_1089 : i32 to index
      %parallel_loop3A_1091 = arith.index_cast %parallel_loop3A_1088 : i32 to index
      %parallel_loop3A_1092 = tpu.vector_load %arg7[%parallel_loop3A_1090, %parallel_loop3A_1091] {strides = array<i32>} : memref<12x512xf32, #tpu.memory_space<vmem>>, vector<16xf32>,
      tpu.vector_store %arg7[%parallel_loop3A_1090, %parallel_loop3A_1091], %parallel_loop3A_1086 {strides = array<i32>} : memref<12x512xf32, #tpu.memory_space<vmem>>, vector<16xf32>,
      %parallel_loop3A_1093 = arith.mulf %parallel_loop3A_1031, %parallel_loop3A_1057 : vector<16xf32>
      %parallel_loop3A_1094 = arith.constant 16 : i32
      %parallel_loop3A_1095 = arith.muli %parallel_loop3A_936, %parallel_loop3A_1094 : i32
      %parallel_loop3A_1096 = arith.constant 5 : i32
      %parallel_loop3A_1097 = arith.index_cast %parallel_loop3A_1096 : i32 to index
      %parallel_loop3A_1098 = arith.index_cast %parallel_loop3A_1095 : i32 to index
      %parallel_loop3A_1099 = tpu.vector_load %arg7[%parallel_loop3A_1097, %parallel_loop3A_1098] {strides = array<i32>} : memref<12x512xf32, #tpu.memory_space<vmem>>, vector<16xf32>,
      tpu.vector_store %arg7[%parallel_loop3A_1097, %parallel_loop3A_1098], %parallel_loop3A_1093 {strides = array<i32>} : memref<12x512xf32, #tpu.memory_space<vmem>>, vector<16xf32>,
      %parallel_loop3A_1100 = arith.mulf %parallel_loop3A_1033, %parallel_loop3A_1057 : vector<16xf32>
      %parallel_loop3A_1101 = arith.constant 16 : i32
      %parallel_loop3A_1102 = arith.muli %parallel_loop3A_936, %parallel_loop3A_1101 : i32
      %parallel_loop3A_1103 = arith.constant 6 : i32
      %parallel_loop3A_1104 = arith.index_cast %parallel_loop3A_1103 : i32 to index
      %parallel_loop3A_1105 = arith.index_cast %parallel_loop3A_1102 : i32 to index
      %parallel_loop3A_1106 = tpu.vector_load %arg7[%parallel_loop3A_1104, %parallel_loop3A_1105] {strides = array<i32>} : memref<12x512xf32, #tpu.memory_space<vmem>>, vector<16xf32>,
      tpu.vector_store %arg7[%parallel_loop3A_1104, %parallel_loop3A_1105], %parallel_loop3A_1100 {strides = array<i32>} : memref<12x512xf32, #tpu.memory_space<vmem>>, vector<16xf32>,
      %parallel_loop3A_1107 = arith.mulf %parallel_loop3A_1035, %parallel_loop3A_1057 : vector<16xf32>
      %parallel_loop3A_1108 = arith.constant 16 : i32
      %parallel_loop3A_1109 = arith.muli %parallel_loop3A_936, %parallel_loop3A_1108 : i32
      %parallel_loop3A_1110 = arith.constant 7 : i32
      %parallel_loop3A_1111 = arith.index_cast %parallel_loop3A_1110 : i32 to index
      %parallel_loop3A_1112 = arith.index_cast %parallel_loop3A_1109 : i32 to index
      %parallel_loop3A_1113 = tpu.vector_load %arg7[%parallel_loop3A_1111, %parallel_loop3A_1112] {strides = array<i32>} : memref<12x512xf32, #tpu.memory_space<vmem>>, vector<16xf32>,
      tpu.vector_store %arg7[%parallel_loop3A_1111, %parallel_loop3A_1112], %parallel_loop3A_1107 {strides = array<i32>} : memref<12x512xf32, #tpu.memory_space<vmem>>, vector<16xf32>,
      %parallel_loop3A_1114 = arith.mulf %parallel_loop3A_1037, %parallel_loop3A_1057 : vector<16xf32>
      %parallel_loop3A_1115 = arith.constant 16 : i32
      %parallel_loop3A_1116 = arith.muli %parallel_loop3A_936, %parallel_loop3A_1115 : i32
      %parallel_loop3A_1117 = arith.constant 8 : i32
      %parallel_loop3A_1118 = arith.index_cast %parallel_loop3A_1117 : i32 to index
      %parallel_loop3A_1119 = arith.index_cast %parallel_loop3A_1116 : i32 to index
      %parallel_loop3A_1120 = tpu.vector_load %arg7[%parallel_loop3A_1118, %parallel_loop3A_1119] {strides = array<i32>} : memref<12x512xf32, #tpu.memory_space<vmem>>, vector<16xf32>,
      tpu.vector_store %arg7[%parallel_loop3A_1118, %parallel_loop3A_1119], %parallel_loop3A_1114 {strides = array<i32>} : memref<12x512xf32, #tpu.memory_space<vmem>>, vector<16xf32>,
      %parallel_loop3A_1121 = arith.mulf %parallel_loop3A_1039, %parallel_loop3A_1057 : vector<16xf32>
      %parallel_loop3A_1122 = arith.constant 16 : i32
      %parallel_loop3A_1123 = arith.muli %parallel_loop3A_936, %parallel_loop3A_1122 : i32
      %parallel_loop3A_1124 = arith.constant 9 : i32
      %parallel_loop3A_1125 = arith.index_cast %parallel_loop3A_1124 : i32 to index
      %parallel_loop3A_1126 = arith.index_cast %parallel_loop3A_1123 : i32 to index
      %parallel_loop3A_1127 = tpu.vector_load %arg7[%parallel_loop3A_1125, %parallel_loop3A_1126] {strides = array<i32>} : memref<12x512xf32, #tpu.memory_space<vmem>>, vector<16xf32>,
      tpu.vector_store %arg7[%parallel_loop3A_1125, %parallel_loop3A_1126], %parallel_loop3A_1121 {strides = array<i32>} : memref<12x512xf32, #tpu.memory_space<vmem>>, vector<16xf32>,
      %parallel_loop3A_1128 = arith.mulf %parallel_loop3A_1041, %parallel_loop3A_1057 : vector<16xf32>
      %parallel_loop3A_1129 = arith.constant 16 : i32
      %parallel_loop3A_1130 = arith.muli %parallel_loop3A_936, %parallel_loop3A_1129 : i32
      %parallel_loop3A_1131 = arith.constant 10 : i32
      %parallel_loop3A_1132 = arith.index_cast %parallel_loop3A_1131 : i32 to index
      %parallel_loop3A_1133 = arith.index_cast %parallel_loop3A_1130 : i32 to index
      %parallel_loop3A_1134 = tpu.vector_load %arg7[%parallel_loop3A_1132, %parallel_loop3A_1133] {strides = array<i32>} : memref<12x512xf32, #tpu.memory_space<vmem>>, vector<16xf32>,
      tpu.vector_store %arg7[%parallel_loop3A_1132, %parallel_loop3A_1133], %parallel_loop3A_1128 {strides = array<i32>} : memref<12x512xf32, #tpu.memory_space<vmem>>, vector<16xf32>,
      %parallel_loop3A_1135 = arith.mulf %parallel_loop3A_1043, %parallel_loop3A_1057 : vector<16xf32>
      %parallel_loop3A_1136 = arith.constant 16 : i32
      %parallel_loop3A_1137 = arith.muli %parallel_loop3A_936, %parallel_loop3A_1136 : i32
      %parallel_loop3A_1138 = arith.constant 11 : i32
      %parallel_loop3A_1139 = arith.index_cast %parallel_loop3A_1138 : i32 to index
      %parallel_loop3A_1140 = arith.index_cast %parallel_loop3A_1137 : i32 to index
      %parallel_loop3A_1141 = tpu.vector_load %arg7[%parallel_loop3A_1139, %parallel_loop3A_1140] {strides = array<i32>} : memref<12x512xf32, #tpu.memory_space<vmem>>, vector<16xf32>,
      tpu.vector_store %arg7[%parallel_loop3A_1139, %parallel_loop3A_1140], %parallel_loop3A_1135 {strides = array<i32>} : memref<12x512xf32, #tpu.memory_space<vmem>>, vector<16xf32>,
    } {sc.loop_unroll_factor = 1 : i64, sc.parallel_access}
    "tpu.region"() ({
      %run_scoped3A = tpu.sem_alloc : memref<!tpu.dma_semaphore, #tpu.memory_space<semaphore_mem>>
      %dma_start3A = arith.constant 0 : i32
      %dma_start3A_936 = tpu.memref_slice %arg4[%dma_start3A, %mul3A_2] : memref<12x16384xf32, #tpu.memory_space<hbm>> -> memref<12x512xf32, #tpu.memory_space<hbm>>
      %dma_start3A_937 = arith.constant 0 : i32
      %dma_start3A_938 = tpu.memref_slice %arg4[%dma_start3A_937, %mul3A_2] : memref<12x16384xf32, #tpu.memory_space<hbm>> -> memref<12x512xf32, #tpu.memory_space<hbm>>
      tpu.enqueue_dma source(%arg7 : memref<12x512xf32, #tpu.memory_space<vmem>>) target(%dma_start3A_938 : memref<12x512xf32, #tpu.memory_space<hbm>>) target_semaphore(%run_scoped3A : memref<!tpu.dma_semaphore, #tpu.memory_space<semaphore_mem>>)
      %dma_wait3A = arith.constant 0 : i32
      %dma_wait3A_939 = tpu.memref_slice %arg4[%dma_wait3A, %mul3A_2] : memref<12x16384xf32, #tpu.memory_space<hbm>> -> memref<12x512xf32, #tpu.memory_space<hbm>>
      %dma_wait3A_940 = arith.constant 0 : i32
      %dma_wait3A_941 = tpu.memref_slice %arg4[%dma_wait3A_940, %mul3A_2] : memref<12x16384xf32, #tpu.memory_space<hbm>> -> memref<12x512xf32, #tpu.memory_space<hbm>>
      tpu.wait_dma2 semaphore(%run_scoped3A : memref<!tpu.dma_semaphore, #tpu.memory_space<semaphore_mem>>) src(%arg7 : memref<12x512xf32, #tpu.memory_space<vmem>>) dst(%dma_wait3A_941 : memref<12x512xf32, #tpu.memory_space<hbm>>)
      tpu.yield
    }) : () -> ()
    return
  }
}

</mosaic_0001>

<sc_bundles>
// kernel: kernel.3.cloned.1.call-start
scs
__scs_entry_jumppad:
0x0: {  	(pc) =	sbr.rel $0x88, $3  }
0x1: {  	(tag) =	ssettag $0x0;
	lr =	simm.s32 $0x1  }
0x2: {  	[smem:$0x3F9F] =	sst lr;
	_ =	strace $0xD0000000  }
0x3: {  	_ = 	snop  }
0x4: {  	_ = 	snop  }
0x5: {  	_ = 	snop  }
0x6: {  	_ = 	snop  }
0x7: {  	_ = 	snop  }
__scs_overlays_trampoline_lowered:
0x8: {  	[smem:$0x3FAE] =	sst s0  }
0x9: {  	[smem:$0x3FAF] =	sst s1  }
0xa: {  	[smem:$0x3FB0] =	sst s2  }
0xb: {  	[smem:$0x3FB1] =	sst s3  }
0xc: {  	[smem:$0x3FB2] =	sst s4  }
0xd: {  	[smem:$0x3FB3] =	sst s5  }
0xe: {  	[smem:$0x3FB4] =	sst s6  }
0xf: {  	[smem:$0x3FB5] =	sst s7  }
0x10: {  	[smem:$0x3FB6] =	sst s8  }
0x11: {  	[smem:$0x3FB7] =	sst s9;
	s0 =	simm.s32 @!p0 $0x0  }
0x12: {  	s1 =	sld [smem:$0x3F9D];
	s0 =	simm.s32 @p0 $0x1  }
0x13: {  	[smem:$0x3FB8] =	sst s0;
	s0 =	simm.s32 @!p1 $0x0  }
0x14: {  	s2 =	sld [smem:$0x3F9C];
	s0 =	simm.s32 @p1 $0x1  }
0x15: {  	[smem:$0x3FB9] =	sst s0;
	s0 =	simm.s32 @!p2 $0x0  }
0x16: {  	s3 =	sld [smem:$0x3FDB];
	s0 =	simm.s32 @p2 $0x1  }
0x17: {  	s4 =	simm.s32 $0x1BF5;
	[smem:$0x3FBB] =	sst s0  }
0x18: {  	s0 =	sld [smem:$0x3F9E];
	_ =	swait.ge [sflag:s4], $0x0  }
0x19: {  	s7 =	sld [smem:$0x3F9F]  }
0x1a: {  	s8 =	sadd.s32 $0xFFFFE003, lr  }
0x1b: {  	s9 =	sadd.s32 $0xFFFFFEF7, lr;
	s5 =	simm.s32 $0xFFFFFFFF;
	p2 =	slt.u32 s8, $0xFFFFF086  }
0x1c: {  	p1 =	slt.u32 s9, $0xF7A;
	s5 =	simm.s32 @!p2 $0x0  }
0x1d: {  	s5 =	simm.s32 @p1 $0x1;
	p0 =	seq.s32 s7, s2  }
0x1e: {  	s7 =	smul.u32 @!p0 $0xF7A, s2;
	p2 =	seq.s32 @!p0 s5, $0x0  }
0x1f: {  	s9 =	smul.u32 $0xF7A, s1;
	s8 =	simm.s32 @!p0 $0x1BF5;
	p2 =	por !p2, p0  }
0x20: {  	[sflag:s8] =	ssyncset.s32 @!p0 $0xFFFFF086;
	s6 =	sadd.s32 @!p0 s3, s7;
	s7 =	simm.s32 @!p0 $0x108  }
0x21: {  	s3 =	sadd.s32 s3, s9;
	s6 =	sadd.s32 @!p0 $0x88, s6;
	s7 =	simm.s32 @p2 $0x1082  }
0x22: {  	[simem:s7], [sflag:s8] =	dma.local @!p0 [hbm:s6], $0xF7A  }
0x23: {  	s9 =	sor.u32 $0xD0000000, s2;
	s6 =	simm.s32 $0x108;
	_ =	swait.ge @!p0 [sflag:s8], $0x0  }
0x24: {  	s3 =	sadd.s32 $0x88, s3;
	s6 =	simm.s32 @!p1 $0x1082;
	[sflag:s4] =	ssyncset.s32 $0xFFFFF086  }
0x25: {  	[simem:s6], [sflag:s4] =	dma.local [hbm:s3], $0xF7A  }
0x26: {  	[smem:$0x3F9F] =	sst s1;
	(tag) =	ssettag s2;
	_ =	strace s9  }
0x27: {  	s1 =	sld [smem:$0x3FAF]  }
0x28: {  	s2 =	sld [smem:$0x3FB0]  }
0x29: {  	s4 =	sld [smem:$0x3FB2]  }
0x2a: {  	p0 =	seq.s32 s5, $0x0;
	s5 =	sld [smem:$0x3FB3]  }
0x2b: {  	s6 =	sld [smem:$0x3FB4]  }
0x2c: {  	s7 =	sld [smem:$0x3FB5]  }
0x2d: {  	s3 =	simm.s32 $0x108;
	s8 =	sld [smem:$0x3FB6]  }
0x2e: {  	s3 =	simm.s32 @!p0 $0x1082;
	s9 =	sld [smem:$0x3FB7]  }
0x2f: {  	lr =	sadd.s32 s0, s3;
	s0 =	sld [smem:$0x3FAE]  }
0x30: {  	s3 =	sld [smem:$0x3FB1]  }
0x31: {  	[smem:$0x3FBA] =	sst s10  }
0x32: {  	s10 =	sld [smem:$0x3FB8];
	_ =	sdelay $0x3  }
0x33: {  	p0 =	seq.s32 s10, $0x1;
	s10 =	sld [smem:$0x3FBA];
	_ =	sdelay $0x3  }
0x34: {  	[smem:$0x3FBA] =	sst s10  }
0x35: {  	s10 =	sld [smem:$0x3FB9];
	_ =	sdelay $0x3  }
0x36: {  	p1 =	seq.s32 s10, $0x1;
	s10 =	sld [smem:$0x3FBA];
	_ =	sdelay $0x3  }
0x37: {  	[smem:$0x3FBA] =	sst s10  }
0x38: {  	s10 =	sld [smem:$0x3FBB]  }
0x39: {  	_ = 	snop;
	(pc) =	sbr.ind lr, $3  }
0x3a: {  	_ = 	snop  }
0x3b: {  	_ = 	snop  }
0x3c: {  	p2 =	seq.s32 s10, $0x1;
	s10 =	sld [smem:$0x3FBA]  }
0x3d: {  	_ =	shalt  }
0x3e: {  	_ =	shalt  }
0x3f: {  	_ =	shalt  }
0x40: {  	_ =	shalt  }
0x41: {  	_ =	shalt  }
0x42: {  	_ =	shalt  }
0x43: {  	_ =	shalt  }
0x44: {  	_ =	shalt  }
0x45: {  	_ =	shalt  }
0x46: {  	_ =	shalt  }
0x47: {  	_ =	shalt  }
0x48: {  	_ =	shalt  }
0x49: {  	_ =	shalt  }
0x4a: {  	_ =	shalt  }
0x4b: {  	_ =	shalt  }
0x4c: {  	_ =	shalt  }
0x4d: {  	_ =	shalt  }
0x4e: {  	_ =	shalt  }
0x4f: {  	_ =	shalt  }
0x50: {  	_ =	shalt  }
0x51: {  	_ =	shalt  }
0x52: {  	_ =	shalt  }
0x53: {  	_ =	shalt  }
0x54: {  	_ =	shalt  }
0x55: {  	_ =	shalt  }
0x56: {  	_ =	shalt  }
0x57: {  	_ =	shalt  }
0x58: {  	_ =	shalt  }
0x59: {  	_ =	shalt  }
0x5a: {  	_ =	shalt  }
0x5b: {  	_ =	shalt  }
0x5c: {  	_ =	shalt  }
0x5d: {  	_ =	shalt  }
0x5e: {  	_ =	shalt  }
0x5f: {  	_ =	shalt  }
0x60: {  	_ =	shalt  }
0x61: {  	_ =	shalt  }
0x62: {  	_ =	shalt  }
0x63: {  	_ =	shalt  }
0x64: {  	_ =	shalt  }
0x65: {  	_ =	shalt  }
0x66: {  	_ =	shalt  }
0x67: {  	_ =	shalt  }
0x68: {  	_ =	shalt  }
0x69: {  	_ =	shalt  }
0x6a: {  	_ =	shalt  }
0x6b: {  	_ =	shalt  }
0x6c: {  	_ =	shalt  }
0x6d: {  	_ =	shalt  }
0x6e: {  	_ =	shalt  }
0x6f: {  	_ =	shalt  }
0x70: {  	_ =	shalt  }
0x71: {  	_ =	shalt  }
0x72: {  	_ =	shalt  }
0x73: {  	_ =	shalt  }
0x74: {  	_ =	shalt  }
0x75: {  	_ =	shalt  }
0x76: {  	_ =	shalt  }
0x77: {  	_ =	shalt  }
0x78: {  	_ =	shalt  }
0x79: {  	_ =	shalt  }
0x7a: {  	_ =	shalt  }
0x7b: {  	_ =	shalt  }
0x7c: {  	_ =	shalt  }
0x7d: {  	_ =	shalt  }
0x7e: {  	_ =	shalt  }
0x7f: {  	_ =	shalt  }
0x80: {  	_ =	shalt  }
0x81: {  	_ =	shalt  }
0x82: {  	_ =	shalt  }
0x83: {  	_ =	shalt  }
0x84: {  	_ =	shalt  }
0x85: {  	_ =	shalt  }
0x86: {  	_ =	shalt  }
0x87: {  	_ =	shalt  }
.Lfunc_end0:
.L_simem_size_0:
called_computation_lowered:
.L_overlay_start_0:
0x88: {  	s2 =	sld [smem:$0x3FD9]  }
0x89: {  	s3 =	sld [smem:$0x3FFE];
	_ =	sdelay $0x1  }
0x8a: {  	s1 =	srdreg.scid  }
0x8b: {  	s0 =	sand.u32 $0x1, s1  }
0x8c: {  	s17 =	sshll.u32 s0, $0xA;
	s2 =	sadd.s32 s3, s2  }
0x8d: {  	s2 =	sadd.s32 s2, s17  }
0x8e: {  	[smem:$0x3FC6] =	sst s2  }
0x8f: {  	_ = 	snop  }
0x90: {  	s2 =	sld [smem:$0x3FC9]  }
0x91: {  	s18 =	sld [smem:$0x3FD0];
	(tm) =	ssettm $0x1  }
0x92: {  	s4 =	sld [smem:$0x3FFB];
	_ =	sdelay $0x3  }
0x93: {  	_ =	strace s4  }
0x94: {  	s4 =	sld [smem:$0x3FFC];
	_ =	sdelay $0x3  }
0x95: {  	_ =	strace s4  }
0x96: {  	s4 =	sld [smem:$0x3FFD];
	_ =	sdelay $0x3  }
0x97: {  	_ =	strace s4  }
0x98: {  	_ =	strace $0x8FFFFFFF  }
0x99: {  	s19 =	sld [smem:$0x3FDB];
	_ =	sdelay $0x1  }
0x9a: {  	s5 =	simm.s32 $_scs_section_size  }
0x9b: {  	s6 =	simm.s32 $_size__tile_overlayer_lowered;
	s7 =	simm.s32 $_tile_overlayer_lowered  }
0x9c: {  	s22 =	simm.s32 $0x1BFF;
	s21 =	sshll.u32 s7, $0x1;
	s4 =	sadd.s32 s5, s19  }
0x9d: {  	s8 =	simm.s32 $0x0;
	s20 =	sshll.u32 s6, $0x1;
	s6 =	sadd.s32 s21, s4  }
0x9e: {  	[timem:s8], [sflag:s22] =	dma.local [hbm:s6], s20  }
0x9f: {  	_ =	swait.ge [sflag:s22], s20  }
0xa0: {  	s5 =	ssub.s32 $0x0, s20;
	[sflag:s22] =	ssyncset.done $0x0  }
0xa1: {  	[sflag:s22] =	ssyncadd.s32 s5;
	_ =	sdelay $0x1  }
0xa2: {  	s23 =	simm.s32 $0x1B8B  }
0xa3: {  	_ =	swait.ge [sflag:s23], $0x1  }
0xa4: {  	[sflag:s23] =	ssyncset.done $0x0  }
0xa5: {  	s25 =	simm.s32 $0x1B8E;
	s24 =	sld [smem:$0x3FFE];
	[sflag:s23] =	ssyncadd.s32 $0xFFFFFFFF  }
0xa6: {  	s26 =	simm.s32 $execute0_lowered;
	[smem:$0x3FD2] =	sst s25  }
0xa7: {  	s6 =	sshll.u32 s26, $0x1;
	_ =	strace $0x80000046;
	[dreg:$0x1] =	wrdreg $0xFFFFFFFF  }
0xa8: {  	s28 =	simm.s32 $_size_execute0_lowered;
	s4 =	sadd.s32 s4, s6;
	[dreg:$0x0] =	wrdreg $0x0  }
0xa9: {  	s6 =	sshll.u32 s28, $0x1;
	[dreg:$0x2] =	wrdreg s4  }
0xaa: {  	[dreg:$0x3] =	wrdreg s6  }
0xab: {  	[dreg:$0x4] =	wrdreg $0xC0  }
0xac: {  	_ =	task [dreg:s8], $0x5FFFF  }
0xad: {  	[dreg:$0x1] =	wrdreg $0xFFFFFFFF  }
0xae: {  	[dreg:$0x0] =	wrdreg $0x60  }
0xaf: {  	[dreg:$0x2] =	wrdreg s2  }
0xb0: {  	[dreg:$0x3] =	wrdreg s18  }
0xb1: {  	[dreg:$0x4] =	wrdreg s24  }
0xb2: {  	[dreg:$0x5] =	wrdreg $0x9  }
0xb3: {  	_ =	task.clear_ibuf [dreg:s8], $0x6FFFF;
	_ =	strace $0x90000046  }
0xb4: {  	s29 =	simm.s32 $0x9;
	_ =	strace $0x80000048  }
0xb5: {  	_ =	swait.ge [sflag:s29], $0x1  }
0xb6: {  	[sflag:s29] =	ssyncadd.s32 $0xFFFFFFFF  }
0xb7: {  	_ =	strace $0x90000048  }
0xb8: {  	_ =	sfence  }
0xb9: {  	s30 =	sld [smem:$0x0];
	_ =	sdelay $0x2  }
0xba: {  	s31 =	sshll.u32 s1, $0xD;
	s1 =	sshrl.u32 s1, $0x2  }
0xbb: {  	s3 =	sand.u32 $0x4000, s31;
	s1 =	sadd.s32 s1, s30  }
0xbc: {  	s0 =	sor.u32 s3, s0;
	s1 =	sshll.u32 s1, $0x11  }
0xbd: {  	s0 =	sor.u32 s1, s0  }
0xbe: {  	s0 =	sadd.s32 $0x8F2B, s0  }
0xbf: {  	[sflag:s0] =	ssyncadd.remote.s32 $0x1  }
0xc0: {  	_ =	sfence.sel $0xFFFF  }
0xc1: {  	[dreg:$0x0] =	wrdreg $0xFFFFFFFF;
	(pc) =	sbr.abs _section_cstart, $3  }
0xc2: {  	[dreg:$0x1] =	wrdreg $0xFFFFFFFF  }
0xc3: {  	_ =	task.clear_ibuf [dreg:s8], $0x2FFFF;
	_ =	strace $0x9FFFFFFF  }
0xc4: {  	(tm) =	ssettm $0x7FFFFFFF  }
0xc5: {  	_ =	shalt  }
tec
execute0_lowered:
.L_overlay_start_1:
0x0: {  	(tag) =	ssettag $0x1  }
0x1: {  	v1 =	vimm.s32 $0x3210BA98  }
0x2: {  	v0 =	vimm.s32 $0x76543210;
	v1 =	vunpack.c.l.s4.s8 v1  }
0x3: {  	v0 =	vunpack.c.l.s4.s8 v0  }
0x4: {  	v8 =	vunpack.c.0.s8.s32 v1;
	v1 =	vimm.s32 $0x43210BA9  }
0x5: {  	v4 =	vunpack.c.0.s8.s32 v0;
	v0 =	vimm.s32 $0x87654321;
	v1 =	vunpack.c.l.s4.s8 v1  }
0x6: {  	v13 =	vimm.s32 $0x210BA987;
	v2 =	vunpack.c.l.s4.s8 v0  }
0x7: {  	v13 =	vunpack.c.l.s4.s8 v13;
	v9 =	vunpack.c.0.s8.s32 v1;
	v1 =	vimm.s32 $0x98765432  }
0x8: {  	v3 =	vimm.s32 $0xA9876543;
	v5 =	vunpack.c.0.s8.s32 v2;
	v2 =	vunpack.c.l.s4.s8 v1  }
0x9: {  	s4 =	rddreg [dreg:$0x0];
	v7 =	vimm.s32 $0x6543210B;
	v3 =	vunpack.c.l.s4.s8 v3;
	v13 =	vunpack.c.0.s8.s32 v13  }
0xa: {  	s0 =	rddreg [dreg:$0x1];
	v1 =	vimm.s32 $0x543210BA;
	v10 =	vunpack.c.0.s8.s32 v2;
	v2 =	vunpack.c.l.s4.s8 v7  }
0xb: {  	s5 =	rddreg [dreg:$0x2];
	v6 =	vunpack.c.l.s4.s8 v1;
	v7 =	vunpack.c.0.s8.s32 v3;
	v3 =	vimm.s32 $0xBA987654  }
0xc: {  	s1 =	rddreg [dreg:$0x3];
	v0 =	vcombine.low v4, v8;
	v12 =	vunpack.c.0.s8.s32 v2;
	v2 =	vunpack.c.l.s4.s8 v3  }
0xd: {  	s6 =	srdreg.scid;
	s2 =	stileid.u32;
	v1 =	vcombine.low v5, v9;
	v11 =	vunpack.c.0.s8.s32 v6;
	v3 =	vimm.s32 $0xBA98765  }
0xe: {  	s3 =	simm.s32 $0x0;
	s10 =	simm.s32 $0x4000;
	s11 =	simm.s32 $0x100A0;
	v6 =	vunpack.c.l.s4.s8 v3;
	v3 =	vimm.s32 $0x10BA9876;
	v14 =	vunpack.c.0.s8.s32 v2  }
0xf: {  	s12 =	simm.s32 $0x0;
	s6 =	sand.u32 $0x1, s6;
	s7 =	sshll.u32 s2, $0x1;
	v15 =	vunpack.c.l.s4.s8 v3;
	v2 =	vcombine.low v10, v11;
	v3 =	vcombine.low v7, v12  }
0x10: {  	[smem:$0x7FF] =	sst s3;
	s7 =	sor.u32 s6, s7;
	s6 =	ssub.s32 $0x2, s6;
	v7 =	vcombine.low v13, v7;
	v12 =	vcombine.low v12, v13  }
0x11: {  	_ =	strace $0x80000047;
	s8 =	sshll.u32 s7, $0x6;
	s9 =	sshrl.u32 s6, $0x1;
	v16 =	vunpack.c.0.s8.s32 v6;
	v6 =	vand.u32 $0xF, v14;
	v15 =	vunpack.c.0.s8.s32 v15  }
0x12: {  	s7 =	sshll.u32 s7, $0xD;
	s5 =	sadd.s32 s8, s5;
	s6 =	ssub.s32 s6, s9;
	v8 =	vcombine.low v8, v14;
	v4 =	vcombine.low v6, v4  }
0x13: {  	s4 =	sadd.s32 s4, s7;
	s7 =	simm.s32 $0x10000;
	s8 =	simm.s32 $0x1;
	v5 =	vcombine.low v16, v5;
	v6 =	vcombine.low v15, v10;
	v10 =	vlaneseq.u32  }
0x14: {  	s9 =	simm.s32 $0x200;
	s5 =	sadd.s32 $0x400, s5;
	s6 =	smax.u32 s6, $0x1;
	v9 =	vcombine.low v9, v16;
	v11 =	vcombine.low v11, v15;
	v10 =	vmul.u32 $0x80, v10  }
.LBB2_1:
0x15: {  	[tilespmem:s7], [sflag:$0x1] =	stream.linear.gather [hbm4b:s0+s3], $0x90, $0x38;
	[tilespmem:$0x118A0] =	vst v63  }
0x16: {  	_ =	swait.ge [sflag:s8], $0x90  }
0x17: {  	[sflag:s8] =	ssyncset.done $0x0  }
0x18: {  	[sflag:s8] =	ssyncadd.s32 $0xFFFFFF70  }
0x19: {  	[tilespmem:s3], [sflag:$0x1] =	stream.linear.gather [hbm4b:s4+s3], $0x10000, $0x38;
	[tilespmem:$0x118A0] =	vst v63  }
0x1a: {  	_ =	swait.ge [sflag:s8], $0x10000  }
0x1b: {  	[sflag:s8] =	ssyncset.done $0x0  }
0x1c: {  	[sflag:s8] =	ssyncadd.s32 $0xFFFF0000  }
0x1d: {  	v23 =	vld [tilespmem:$0x10000];
	_ =	sdelay $0x4  }
0x1e: {  	v13 =	vperm.xlane v23, v0  }
0x1f: {  	v14 =	vperm.xlane v23, v1  }
0x20: {  	v15 =	vperm.xlane v23, v2;
	v13 =	vadd.s32 v10, v13  }
0x21: {  	v16 =	vperm.xlane v23, v3;
	v14 =	vadd.s32 v10, v14  }
0x22: {  	v17 =	vperm.xlane v23, v4;
	v15 =	vadd.s32 v10, v15  }
0x23: {  	v18 =	vperm.xlane v23, v5;
	v16 =	vadd.s32 v10, v16  }
0x24: {  	v19 =	vperm.xlane v23, v6;
	v17 =	vadd.s32 v10, v17  }
0x25: {  	v20 =	vperm.xlane v23, v7;
	v18 =	vadd.s32 v10, v18;
	v25 =	vld.idx.msk [tilespmem:v13+s3+$0x0], $0xffff  }
0x26: {  	v19 =	vadd.s32 v10, v19;
	v26 =	vld.idx.msk [tilespmem:v14+s3+$0x0], $0xffff  }
0x27: {  	v21 =	vperm.xlane v23, v8;
	v20 =	vadd.s32 v10, v20;
	v27 =	vld.idx.msk [tilespmem:v15+s3+$0x0], $0xffff  }
0x28: {  	v22 =	vperm.xlane v23, v9;
	v28 =	vld.idx.msk [tilespmem:v16+s3+$0x0], $0xffff  }
0x29: {  	v24 =	vperm.xlane v23, v11;
	v21 =	vadd.s32 v10, v21;
	v30 =	vld.idx.msk [tilespmem:v17+s3+$0x0], $0xffff  }
0x2a: {  	v29 =	vperm.xlane v23, v12;
	v22 =	vadd.s32 v10, v22;
	v31 =	vld.idx.msk [tilespmem:v18+s3+$0x0], $0xffff  }
0x2b: {  	v23 =	vadd.s32 v10, v24;
	v32 =	vld.idx.msk [tilespmem:v19+s3+$0x0], $0xffff  }
0x2c: {  	s15 =	simm.s32 $0x800;
	v24 =	vadd.s32 v10, v29;
	v33 =	vld.idx.msk [tilespmem:v20+s3+$0x0], $0xffff;
	v25 =	vmax.f32 v25, v26  }
0x2d: {  	v29 =	vld.idx.msk [tilespmem:v13+s15+$0x0], $0xffff;
	v26 =	vmax.f32 v25, v27  }
0x2e: {  	v25 =	vld.idx.msk [tilespmem:v21+s3+$0x0], $0xffff;
	v27 =	vmax.f32 v26, v28  }
0x2f: {  	v26 =	vld.idx.msk [tilespmem:v22+s3+$0x0], $0xffff;
	v28 =	vmax.f32 v27, v30  }
0x30: {  	v27 =	vld.idx.msk [tilespmem:v23+s3+$0x0], $0xffff;
	v30 =	vmax.f32 v28, v31  }
0x31: {  	v28 =	vld.idx.msk [tilespmem:v24+s3+$0x0], $0xffff;
	v31 =	vmax.f32 v30, v32  }
0x32: {  	s13 =	simm.s32 $0x40;
	s16 =	simm.s32 $0x80;
	s14 =	simm.s32 $0x0;
	v30 =	vld.idx.msk [tilespmem:v14+s15+$0x0], $0xffff;
	v31 =	vmax.f32 v31, v33  }
.LBB2_2:
0x33: {  	p0 =	sne.s32 s16, $0x7C0;
	v32 =	vld.idx.msk [tilespmem:v15+s15+$0x0], $0xffff;
	v25 =	vmax.f32 v31, v25  }
0x34: {  	v31 =	vld.idx.msk [tilespmem:v16+s15+$0x0], $0xffff;
	v25 =	vmax.f32 v25, v26  }
0x35: {  	v33 =	vld.idx.msk [tilespmem:v17+s15+$0x0], $0xffff;
	v25 =	vmax.f32 v25, v27  }
0x36: {  	s17 =	sshra.s32 s14, $0x2;
	s14 =	smov.u32 s13;
	s13 =	smov.u32 s16;
	v34 =	vld.idx.msk [tilespmem:v18+s15+$0x0], $0xffff;
	v25 =	vmax.f32 v25, v28  }
0x37: {  	v35 =	vld.idx.msk [tilespmem:v19+s15+$0x0], $0xffff;
	[tilespmem:s17+$0x100A0] =	vst v25  }
0x38: {  	v25 =	vmax.f32 v29, v30;
	v36 =	vld.idx.msk [tilespmem:v20+s15+$0x0], $0xffff  }
0x39: {  	v26 =	vmax.f32 v25, v32;
	v25 =	vld.idx.msk [tilespmem:v21+s15+$0x0], $0xffff  }
.Ltmp0:
0x3a: {  	v27 =	vmax.f32 v26, v31;
	v26 =	vld.idx.msk [tilespmem:v22+s15+$0x0], $0xffff;
	(pc) =	sbr.rel @p0 .LBB2_2-.Ltmp0, $4  }
0x3b: {  	v28 =	vmax.f32 v27, v33;
	v27 =	vld.idx.msk [tilespmem:v23+s15+$0x0], $0xffff  }
0x3c: {  	v30 =	vmax.f32 v28, v34;
	v28 =	vld.idx.msk [tilespmem:v24+s15+$0x0], $0xffff;
	s15 =	sadd.s32 $0x800, s15  }
0x3d: {  	v31 =	vmax.f32 v30, v35;
	v29 =	vld.idx.msk [tilespmem:v13+s15+$0x0], $0xffff  }
0x3e: {  	s16 =	sadd.s32 $0x40, s16;
	v31 =	vmax.f32 v31, v36;
	v30 =	vld.idx.msk [tilespmem:v14+s15+$0x0], $0xffff  }
0x3f: {  	_ =	sdelay $0x3  }
0x40: {  	v13 =	vld.idx.msk [tilespmem:v15+s15+$0x0], $0xffff  }
0x41: {  	v14 =	vld.idx.msk [tilespmem:v16+s15+$0x0], $0xffff  }
0x42: {  	v15 =	vld.idx.msk [tilespmem:v17+s15+$0x0], $0xffff  }
0x43: {  	v16 =	vld.idx.msk [tilespmem:v18+s15+$0x0], $0xffff  }
0x44: {  	v17 =	vld.idx.msk [tilespmem:v19+s15+$0x0], $0xffff;
	v18 =	vmax.f32 v29, v30  }
0x45: {  	v19 =	vld.idx.msk [tilespmem:v20+s15+$0x0], $0xffff;
	v13 =	vmax.f32 v18, v13  }
0x46: {  	v18 =	vld.idx.msk [tilespmem:v21+s15+$0x0], $0xffff;
	v13 =	vmax.f32 v13, v14  }
0x47: {  	v14 =	vld.idx.msk [tilespmem:v22+s15+$0x0], $0xffff;
	v13 =	vmax.f32 v13, v15  }
0x48: {  	v15 =	vld.idx.msk [tilespmem:v23+s15+$0x0], $0xffff;
	v13 =	vmax.f32 v13, v16  }
0x49: {  	v16 =	vld.idx.msk [tilespmem:v24+s15+$0x0], $0xffff;
	v13 =	vmax.f32 v13, v17  }
0x4a: {  	v17 =	vmax.f32 v31, v25;
	v13 =	vmax.f32 v13, v19  }
0x4b: {  	v17 =	vmax.f32 v17, v26;
	v13 =	vmax.f32 v13, v18  }
0x4c: {  	v17 =	vmax.f32 v17, v27;
	v13 =	vmax.f32 v13, v14  }
0x4d: {  	s14 =	sshra.s32 s14, $0x2;
	v14 =	vmax.f32 v17, v28;
	v13 =	vmax.f32 v13, v15  }
0x4e: {  	s13 =	sshra.s32 s13, $0x2;
	[tilespmem:s14+$0x100A0] =	vst v14;
	v13 =	vmax.f32 v13, v16  }
0x4f: {  	[tilespmem:s13+$0x100A0] =	vst v13  }
0x50: {  	v23 =	vld [tilespmem:$0x1000C];
	_ =	sdelay $0x4  }
0x51: {  	v13 =	vperm.xlane v23, v0  }
0x52: {  	v14 =	vperm.xlane v23, v1  }
0x53: {  	v15 =	vperm.xlane v23, v2;
	v13 =	vadd.s32 v10, v13  }
0x54: {  	v16 =	vperm.xlane v23, v3;
	v14 =	vadd.s32 v10, v14  }
0x55: {  	v17 =	vperm.xlane v23, v4;
	v15 =	vadd.s32 v10, v15  }
0x56: {  	v18 =	vperm.xlane v23, v5;
	v16 =	vadd.s32 v10, v16  }
0x57: {  	s13 =	simm.s32 $0x0;
	v19 =	vperm.xlane v23, v6;
	v17 =	vadd.s32 v10, v17  }
0x58: {  	v20 =	vperm.xlane v23, v7;
	v18 =	vadd.s32 v10, v18;
	v25 =	vld.idx.msk [tilespmem:v13+s13+$0x0], $0xffff  }
0x59: {  	v19 =	vadd.s32 v10, v19;
	v26 =	vld.idx.msk [tilespmem:v14+s13+$0x0], $0xffff  }
0x5a: {  	v21 =	vperm.xlane v23, v8;
	v20 =	vadd.s32 v10, v20;
	v27 =	vld.idx.msk [tilespmem:v15+s13+$0x0], $0xffff  }
0x5b: {  	v22 =	vperm.xlane v23, v9;
	v28 =	vld.idx.msk [tilespmem:v16+s13+$0x0], $0xffff  }
0x5c: {  	v24 =	vperm.xlane v23, v11;
	v21 =	vadd.s32 v10, v21;
	v30 =	vld.idx.msk [tilespmem:v17+s13+$0x0], $0xffff  }
0x5d: {  	v29 =	vperm.xlane v23, v12;
	v22 =	vadd.s32 v10, v22;
	v31 =	vld.idx.msk [tilespmem:v18+s13+$0x0], $0xffff  }
0x5e: {  	v23 =	vadd.s32 v10, v24;
	v32 =	vld.idx.msk [tilespmem:v19+s13+$0x0], $0xffff  }
0x5f: {  	s15 =	simm.s32 $0x800;
	v24 =	vadd.s32 v10, v29;
	v33 =	vld.idx.msk [tilespmem:v20+s13+$0x0], $0xffff;
	v25 =	vmax.f32 v25, v26  }
0x60: {  	v29 =	vld.idx.msk [tilespmem:v13+s15+$0x0], $0xffff;
	v26 =	vmax.f32 v25, v27  }
0x61: {  	v25 =	vld.idx.msk [tilespmem:v21+s13+$0x0], $0xffff;
	v27 =	vmax.f32 v26, v28  }
0x62: {  	v26 =	vld.idx.msk [tilespmem:v22+s13+$0x0], $0xffff;
	v28 =	vmax.f32 v27, v30  }
0x63: {  	v27 =	vld.idx.msk [tilespmem:v23+s13+$0x0], $0xffff;
	v30 =	vmax.f32 v28, v31  }
0x64: {  	v28 =	vld.idx.msk [tilespmem:v24+s13+$0x0], $0xffff;
	v31 =	vmax.f32 v30, v32  }
0x65: {  	s16 =	simm.s32 $0x80;
	s14 =	simm.s32 $0x40;
	v30 =	vld.idx.msk [tilespmem:v14+s15+$0x0], $0xffff;
	v31 =	vmax.f32 v31, v33  }
.LBB2_4:
0x66: {  	p0 =	sne.s32 s16, $0x7C0;
	v32 =	vld.idx.msk [tilespmem:v15+s15+$0x0], $0xffff;
	v25 =	vmax.f32 v31, v25  }
0x67: {  	v31 =	vld.idx.msk [tilespmem:v16+s15+$0x0], $0xffff;
	v25 =	vmax.f32 v25, v26  }
0x68: {  	v33 =	vld.idx.msk [tilespmem:v17+s15+$0x0], $0xffff;
	v25 =	vmax.f32 v25, v27  }
0x69: {  	s17 =	sshra.s32 s13, $0x2;
	s13 =	smov.u32 s14;
	s14 =	smov.u32 s16;
	v34 =	vld.idx.msk [tilespmem:v18+s15+$0x0], $0xffff;
	v25 =	vmax.f32 v25, v28  }
0x6a: {  	v35 =	vld.idx.msk [tilespmem:v19+s15+$0x0], $0xffff;
	[tilespmem:s17+$0x102A0] =	vst v25  }
0x6b: {  	v25 =	vmax.f32 v29, v30;
	v36 =	vld.idx.msk [tilespmem:v20+s15+$0x0], $0xffff  }
0x6c: {  	v26 =	vmax.f32 v25, v32;
	v25 =	vld.idx.msk [tilespmem:v21+s15+$0x0], $0xffff  }
.Ltmp1:
0x6d: {  	v27 =	vmax.f32 v26, v31;
	v26 =	vld.idx.msk [tilespmem:v22+s15+$0x0], $0xffff;
	(pc) =	sbr.rel @p0 .LBB2_4-.Ltmp1, $4  }
0x6e: {  	v28 =	vmax.f32 v27, v33;
	v27 =	vld.idx.msk [tilespmem:v23+s15+$0x0], $0xffff  }
0x6f: {  	v30 =	vmax.f32 v28, v34;
	v28 =	vld.idx.msk [tilespmem:v24+s15+$0x0], $0xffff;
	s15 =	sadd.s32 $0x800, s15  }
0x70: {  	v31 =	vmax.f32 v30, v35;
	v29 =	vld.idx.msk [tilespmem:v13+s15+$0x0], $0xffff  }
0x71: {  	s16 =	sadd.s32 $0x40, s16;
	v31 =	vmax.f32 v31, v36;
	v30 =	vld.idx.msk [tilespmem:v14+s15+$0x0], $0xffff  }
0x72: {  	_ =	sdelay $0x3  }
0x73: {  	v13 =	vld.idx.msk [tilespmem:v15+s15+$0x0], $0xffff  }
0x74: {  	v14 =	vld.idx.msk [tilespmem:v16+s15+$0x0], $0xffff  }
0x75: {  	v15 =	vld.idx.msk [tilespmem:v17+s15+$0x0], $0xffff  }
0x76: {  	v16 =	vld.idx.msk [tilespmem:v18+s15+$0x0], $0xffff  }
0x77: {  	v17 =	vld.idx.msk [tilespmem:v19+s15+$0x0], $0xffff;
	v18 =	vmax.f32 v29, v30  }
0x78: {  	v19 =	vld.idx.msk [tilespmem:v20+s15+$0x0], $0xffff;
	v13 =	vmax.f32 v18, v13  }
0x79: {  	v18 =	vld.idx.msk [tilespmem:v21+s15+$0x0], $0xffff;
	v13 =	vmax.f32 v13, v14  }
0x7a: {  	v14 =	vld.idx.msk [tilespmem:v22+s15+$0x0], $0xffff;
	v13 =	vmax.f32 v13, v15  }
0x7b: {  	v15 =	vld.idx.msk [tilespmem:v23+s15+$0x0], $0xffff;
	v13 =	vmax.f32 v13, v16  }
0x7c: {  	v16 =	vld.idx.msk [tilespmem:v24+s15+$0x0], $0xffff;
	v13 =	vmax.f32 v13, v17  }
0x7d: {  	v17 =	vmax.f32 v31, v25;
	v13 =	vmax.f32 v13, v19  }
0x7e: {  	v17 =	vmax.f32 v17, v26;
	v13 =	vmax.f32 v13, v18  }
0x7f: {  	v17 =	vmax.f32 v17, v27;
	v13 =	vmax.f32 v13, v14  }
0x80: {  	s13 =	sshra.s32 s13, $0x2;
	v14 =	vmax.f32 v17, v28;
	v13 =	vmax.f32 v13, v15  }
0x81: {  	s31 =	sshra.s32 s14, $0x2;
	[tilespmem:s13+$0x102A0] =	vst v14;
	v13 =	vmax.f32 v13, v16  }
0x82: {  	[tilespmem:s31+$0x102A0] =	vst v13  }
0x83: {  	v23 =	vld [tilespmem:$0x10018];
	_ =	sdelay $0x4  }
0x84: {  	v13 =	vperm.xlane v23, v0  }
0x85: {  	v14 =	vperm.xlane v23, v1  }
0x86: {  	v15 =	vperm.xlane v23, v2;
	v13 =	vadd.s32 v10, v13  }
0x87: {  	v16 =	vperm.xlane v23, v3;
	v14 =	vadd.s32 v10, v14  }
0x88: {  	v17 =	vperm.xlane v23, v4;
	v15 =	vadd.s32 v10, v15  }
0x89: {  	v18 =	vperm.xlane v23, v5;
	v16 =	vadd.s32 v10, v16  }
0x8a: {  	s13 =	simm.s32 $0x0;
	v19 =	vperm.xlane v23, v6;
	v17 =	vadd.s32 v10, v17  }
0x8b: {  	v20 =	vperm.xlane v23, v7;
	v18 =	vadd.s32 v10, v18;
	v25 =	vld.idx.msk [tilespmem:v13+s13+$0x0], $0xffff  }
0x8c: {  	v19 =	vadd.s32 v10, v19;
	v26 =	vld.idx.msk [tilespmem:v14+s13+$0x0], $0xffff  }
0x8d: {  	v21 =	vperm.xlane v23, v8;
	v20 =	vadd.s32 v10, v20;
	v27 =	vld.idx.msk [tilespmem:v15+s13+$0x0], $0xffff  }
0x8e: {  	v22 =	vperm.xlane v23, v9;
	v28 =	vld.idx.msk [tilespmem:v16+s13+$0x0], $0xffff  }
0x8f: {  	v24 =	vperm.xlane v23, v11;
	v21 =	vadd.s32 v10, v21;
	v30 =	vld.idx.msk [tilespmem:v17+s13+$0x0], $0xffff  }
0x90: {  	v29 =	vperm.xlane v23, v12;
	v22 =	vadd.s32 v10, v22;
	v31 =	vld.idx.msk [tilespmem:v18+s13+$0x0], $0xffff  }
0x91: {  	v23 =	vadd.s32 v10, v24;
	v32 =	vld.idx.msk [tilespmem:v19+s13+$0x0], $0xffff  }
0x92: {  	s15 =	simm.s32 $0x800;
	v24 =	vadd.s32 v10, v29;
	v33 =	vld.idx.msk [tilespmem:v20+s13+$0x0], $0xffff;
	v25 =	vmax.f32 v25, v26  }
0x93: {  	v29 =	vld.idx.msk [tilespmem:v13+s15+$0x0], $0xffff;
	v26 =	vmax.f32 v25, v27  }
0x94: {  	v25 =	vld.idx.msk [tilespmem:v21+s13+$0x0], $0xffff;
	v27 =	vmax.f32 v26, v28  }
0x95: {  	v26 =	vld.idx.msk [tilespmem:v22+s13+$0x0], $0xffff;
	v28 =	vmax.f32 v27, v30  }
0x96: {  	v27 =	vld.idx.msk [tilespmem:v23+s13+$0x0], $0xffff;
	v30 =	vmax.f32 v28, v31  }
0x97: {  	v28 =	vld.idx.msk [tilespmem:v24+s13+$0x0], $0xffff;
	v31 =	vmax.f32 v30, v32  }
0x98: {  	s14 =	simm.s32 $0x40;
	s16 =	simm.s32 $0x80;
	v30 =	vld.idx.msk [tilespmem:v14+s15+$0x0], $0xffff;
	v31 =	vmax.f32 v31, v33  }
.LBB2_6:
0x99: {  	p0 =	sne.s32 s16, $0x7C0;
	v32 =	vld.idx.msk [tilespmem:v15+s15+$0x0], $0xffff;
	v25 =	vmax.f32 v31, v25  }
0x9a: {  	v31 =	vld.idx.msk [tilespmem:v16+s15+$0x0], $0xffff;
	v25 =	vmax.f32 v25, v26  }
0x9b: {  	v33 =	vld.idx.msk [tilespmem:v17+s15+$0x0], $0xffff;
	v25 =	vmax.f32 v25, v27  }
0x9c: {  	s17 =	sshra.s32 s13, $0x2;
	s13 =	smov.u32 s14;
	s14 =	smov.u32 s16;
	v34 =	vld.idx.msk [tilespmem:v18+s15+$0x0], $0xffff;
	v25 =	vmax.f32 v25, v28  }
0x9d: {  	v35 =	vld.idx.msk [tilespmem:v19+s15+$0x0], $0xffff;
	[tilespmem:s17+$0x104A0] =	vst v25  }
0x9e: {  	v25 =	vmax.f32 v29, v30;
	v36 =	vld.idx.msk [tilespmem:v20+s15+$0x0], $0xffff  }
0x9f: {  	v26 =	vmax.f32 v25, v32;
	v25 =	vld.idx.msk [tilespmem:v21+s15+$0x0], $0xffff  }
.Ltmp2:
0xa0: {  	v27 =	vmax.f32 v26, v31;
	v26 =	vld.idx.msk [tilespmem:v22+s15+$0x0], $0xffff;
	(pc) =	sbr.rel @p0 .LBB2_6-.Ltmp2, $4  }
0xa1: {  	v28 =	vmax.f32 v27, v33;
	v27 =	vld.idx.msk [tilespmem:v23+s15+$0x0], $0xffff  }
0xa2: {  	v30 =	vmax.f32 v28, v34;
	v28 =	vld.idx.msk [tilespmem:v24+s15+$0x0], $0xffff;
	s15 =	sadd.s32 $0x800, s15  }
0xa3: {  	v31 =	vmax.f32 v30, v35;
	v29 =	vld.idx.msk [tilespmem:v13+s15+$0x0], $0xffff  }
0xa4: {  	s16 =	sadd.s32 $0x40, s16;
	v31 =	vmax.f32 v31, v36;
	v30 =	vld.idx.msk [tilespmem:v14+s15+$0x0], $0xffff  }
0xa5: {  	_ =	sdelay $0x3  }
0xa6: {  	v13 =	vld.idx.msk [tilespmem:v15+s15+$0x0], $0xffff  }
0xa7: {  	v14 =	vld.idx.msk [tilespmem:v16+s15+$0x0], $0xffff  }
0xa8: {  	v15 =	vld.idx.msk [tilespmem:v17+s15+$0x0], $0xffff  }
0xa9: {  	v16 =	vld.idx.msk [tilespmem:v18+s15+$0x0], $0xffff  }
0xaa: {  	v17 =	vld.idx.msk [tilespmem:v19+s15+$0x0], $0xffff;
	v18 =	vmax.f32 v29, v30  }
0xab: {  	v19 =	vld.idx.msk [tilespmem:v20+s15+$0x0], $0xffff;
	v13 =	vmax.f32 v18, v13  }
0xac: {  	v18 =	vld.idx.msk [tilespmem:v21+s15+$0x0], $0xffff;
	v13 =	vmax.f32 v13, v14  }
0xad: {  	v14 =	vld.idx.msk [tilespmem:v22+s15+$0x0], $0xffff;
	v13 =	vmax.f32 v13, v15  }
0xae: {  	v15 =	vld.idx.msk [tilespmem:v23+s15+$0x0], $0xffff;
	v13 =	vmax.f32 v13, v16  }
0xaf: {  	v16 =	vld.idx.msk [tilespmem:v24+s15+$0x0], $0xffff;
	v13 =	vmax.f32 v13, v17  }
0xb0: {  	v17 =	vmax.f32 v31, v25;
	v13 =	vmax.f32 v13, v19  }
0xb1: {  	v17 =	vmax.f32 v17, v26;
	v13 =	vmax.f32 v13, v18  }
0xb2: {  	v17 =	vmax.f32 v17, v27;
	v13 =	vmax.f32 v13, v14  }
0xb3: {  	s13 =	sshra.s32 s13, $0x2;
	v14 =	vmax.f32 v17, v28;
	v13 =	vmax.f32 v13, v15  }
0xb4: {  	s31 =	sshra.s32 s14, $0x2;
	[tilespmem:s13+$0x104A0] =	vst v14;
	v13 =	vmax.f32 v13, v16  }
0xb5: {  	[tilespmem:s31+$0x104A0] =	vst v13  }
0xb6: {  	v23 =	vld [tilespmem:$0x10024];
	_ =	sdelay $0x4  }
0xb7: {  	v13 =	vperm.xlane v23, v0  }
0xb8: {  	v14 =	vperm.xlane v23, v1  }
0xb9: {  	v15 =	vperm.xlane v23, v2;
	v13 =	vadd.s32 v10, v13  }
0xba: {  	v16 =	vperm.xlane v23, v3;
	v14 =	vadd.s32 v10, v14  }
0xbb: {  	v17 =	vperm.xlane v23, v4;
	v15 =	vadd.s32 v10, v15  }
0xbc: {  	v18 =	vperm.xlane v23, v5;
	v16 =	vadd.s32 v10, v16  }
0xbd: {  	s13 =	simm.s32 $0x0;
	v19 =	vperm.xlane v23, v6;
	v17 =	vadd.s32 v10, v17  }
0xbe: {  	v20 =	vperm.xlane v23, v7;
	v18 =	vadd.s32 v10, v18;
	v25 =	vld.idx.msk [tilespmem:v13+s13+$0x0], $0xffff  }
0xbf: {  	v19 =	vadd.s32 v10, v19;
	v26 =	vld.idx.msk [tilespmem:v14+s13+$0x0], $0xffff  }
0xc0: {  	v21 =	vperm.xlane v23, v8;
	v20 =	vadd.s32 v10, v20;
	v27 =	vld.idx.msk [tilespmem:v15+s13+$0x0], $0xffff  }
0xc1: {  	v22 =	vperm.xlane v23, v9;
	v28 =	vld.idx.msk [tilespmem:v16+s13+$0x0], $0xffff  }
0xc2: {  	v24 =	vperm.xlane v23, v11;
	v21 =	vadd.s32 v10, v21;
	v30 =	vld.idx.msk [tilespmem:v17+s13+$0x0], $0xffff  }
0xc3: {  	v29 =	vperm.xlane v23, v12;
	v22 =	vadd.s32 v10, v22;
	v31 =	vld.idx.msk [tilespmem:v18+s13+$0x0], $0xffff  }
0xc4: {  	v23 =	vadd.s32 v10, v24;
	v32 =	vld.idx.msk [tilespmem:v19+s13+$0x0], $0xffff  }
0xc5: {  	s15 =	simm.s32 $0x800;
	v24 =	vadd.s32 v10, v29;
	v33 =	vld.idx.msk [tilespmem:v20+s13+$0x0], $0xffff;
	v25 =	vmax.f32 v25, v26  }
0xc6: {  	v29 =	vld.idx.msk [tilespmem:v13+s15+$0x0], $0xffff;
	v26 =	vmax.f32 v25, v27  }
0xc7: {  	v25 =	vld.idx.msk [tilespmem:v21+s13+$0x0], $0xffff;
	v27 =	vmax.f32 v26, v28  }
0xc8: {  	v26 =	vld.idx.msk [tilespmem:v22+s13+$0x0], $0xffff;
	v28 =	vmax.f32 v27, v30  }
0xc9: {  	v27 =	vld.idx.msk [tilespmem:v23+s13+$0x0], $0xffff;
	v30 =	vmax.f32 v28, v31  }
0xca: {  	v28 =	vld.idx.msk [tilespmem:v24+s13+$0x0], $0xffff;
	v31 =	vmax.f32 v30, v32  }
0xcb: {  	s14 =	simm.s32 $0x40;
	s16 =	simm.s32 $0x80;
	v30 =	vld.idx.msk [tilespmem:v14+s15+$0x0], $0xffff;
	v31 =	vmax.f32 v31, v33  }
.LBB2_8:
0xcc: {  	p0 =	sne.s32 s16, $0x7C0;
	v32 =	vld.idx.msk [tilespmem:v15+s15+$0x0], $0xffff;
	v25 =	vmax.f32 v31, v25  }
0xcd: {  	v31 =	vld.idx.msk [tilespmem:v16+s15+$0x0], $0xffff;
	v25 =	vmax.f32 v25, v26  }
0xce: {  	v33 =	vld.idx.msk [tilespmem:v17+s15+$0x0], $0xffff;
	v25 =	vmax.f32 v25, v27  }
0xcf: {  	s17 =	sshra.s32 s13, $0x2;
	s13 =	smov.u32 s14;
	s14 =	smov.u32 s16;
	v34 =	vld.idx.msk [tilespmem:v18+s15+$0x0], $0xffff;
	v25 =	vmax.f32 v25, v28  }
0xd0: {  	v35 =	vld.idx.msk [tilespmem:v19+s15+$0x0], $0xffff;
	[tilespmem:s17+$0x106A0] =	vst v25  }
0xd1: {  	v25 =	vmax.f32 v29, v30;
	v36 =	vld.idx.msk [tilespmem:v20+s15+$0x0], $0xffff  }
0xd2: {  	v26 =	vmax.f32 v25, v32;
	v25 =	vld.idx.msk [tilespmem:v21+s15+$0x0], $0xffff  }
.Ltmp3:
0xd3: {  	v27 =	vmax.f32 v26, v31;
	v26 =	vld.idx.msk [tilespmem:v22+s15+$0x0], $0xffff;
	(pc) =	sbr.rel @p0 .LBB2_8-.Ltmp3, $4  }
0xd4: {  	v28 =	vmax.f32 v27, v33;
	v27 =	vld.idx.msk [tilespmem:v23+s15+$0x0], $0xffff  }
0xd5: {  	v30 =	vmax.f32 v28, v34;
	v28 =	vld.idx.msk [tilespmem:v24+s15+$0x0], $0xffff;
	s15 =	sadd.s32 $0x800, s15  }
0xd6: {  	v31 =	vmax.f32 v30, v35;
	v29 =	vld.idx.msk [tilespmem:v13+s15+$0x0], $0xffff  }
0xd7: {  	s16 =	sadd.s32 $0x40, s16;
	v31 =	vmax.f32 v31, v36;
	v30 =	vld.idx.msk [tilespmem:v14+s15+$0x0], $0xffff  }
0xd8: {  	_ =	sdelay $0x3  }
0xd9: {  	v13 =	vld.idx.msk [tilespmem:v15+s15+$0x0], $0xffff  }
0xda: {  	v14 =	vld.idx.msk [tilespmem:v16+s15+$0x0], $0xffff  }
0xdb: {  	v15 =	vld.idx.msk [tilespmem:v17+s15+$0x0], $0xffff  }
0xdc: {  	v16 =	vld.idx.msk [tilespmem:v18+s15+$0x0], $0xffff  }
0xdd: {  	v17 =	vld.idx.msk [tilespmem:v19+s15+$0x0], $0xffff;
	v18 =	vmax.f32 v29, v30  }
0xde: {  	v19 =	vld.idx.msk [tilespmem:v20+s15+$0x0], $0xffff;
	v13 =	vmax.f32 v18, v13  }
0xdf: {  	v18 =	vld.idx.msk [tilespmem:v21+s15+$0x0], $0xffff;
	v13 =	vmax.f32 v13, v14  }
0xe0: {  	v14 =	vld.idx.msk [tilespmem:v22+s15+$0x0], $0xffff;
	v13 =	vmax.f32 v13, v15  }
0xe1: {  	v15 =	vld.idx.msk [tilespmem:v23+s15+$0x0], $0xffff;
	v13 =	vmax.f32 v13, v16  }
0xe2: {  	v16 =	vld.idx.msk [tilespmem:v24+s15+$0x0], $0xffff;
	v13 =	vmax.f32 v13, v17  }
0xe3: {  	v17 =	vmax.f32 v31, v25;
	v13 =	vmax.f32 v13, v19  }
0xe4: {  	v17 =	vmax.f32 v17, v26;
	v13 =	vmax.f32 v13, v18  }
0xe5: {  	v17 =	vmax.f32 v17, v27;
	v13 =	vmax.f32 v13, v14  }
0xe6: {  	s13 =	sshra.s32 s13, $0x2;
	v14 =	vmax.f32 v17, v28;
	v13 =	vmax.f32 v13, v15  }
0xe7: {  	s31 =	sshra.s32 s14, $0x2;
	[tilespmem:s13+$0x106A0] =	vst v14;
	v13 =	vmax.f32 v13, v16  }
0xe8: {  	[tilespmem:s31+$0x106A0] =	vst v13  }
0xe9: {  	v23 =	vld [tilespmem:$0x10030];
	_ =	sdelay $0x4  }
0xea: {  	v13 =	vperm.xlane v23, v0  }
0xeb: {  	v14 =	vperm.xlane v23, v1  }
0xec: {  	v15 =	vperm.xlane v23, v2;
	v13 =	vadd.s32 v10, v13  }
0xed: {  	v16 =	vperm.xlane v23, v3;
	v14 =	vadd.s32 v10, v14  }
0xee: {  	v17 =	vperm.xlane v23, v4;
	v15 =	vadd.s32 v10, v15  }
0xef: {  	v18 =	vperm.xlane v23, v5;
	v16 =	vadd.s32 v10, v16  }
0xf0: {  	s13 =	simm.s32 $0x0;
	v19 =	vperm.xlane v23, v6;
	v17 =	vadd.s32 v10, v17  }
0xf1: {  	v20 =	vperm.xlane v23, v7;
	v18 =	vadd.s32 v10, v18;
	v25 =	vld.idx.msk [tilespmem:v13+s13+$0x0], $0xffff  }
0xf2: {  	v19 =	vadd.s32 v10, v19;
	v26 =	vld.idx.msk [tilespmem:v14+s13+$0x0], $0xffff  }
0xf3: {  	v21 =	vperm.xlane v23, v8;
	v20 =	vadd.s32 v10, v20;
	v27 =	vld.idx.msk [tilespmem:v15+s13+$0x0], $0xffff  }
0xf4: {  	v22 =	vperm.xlane v23, v9;
	v28 =	vld.idx.msk [tilespmem:v16+s13+$0x0], $0xffff  }
0xf5: {  	v24 =	vperm.xlane v23, v11;
	v21 =	vadd.s32 v10, v21;
	v30 =	vld.idx.msk [tilespmem:v17+s13+$0x0], $0xffff  }
0xf6: {  	v29 =	vperm.xlane v23, v12;
	v22 =	vadd.s32 v10, v22;
	v31 =	vld.idx.msk [tilespmem:v18+s13+$0x0], $0xffff  }
0xf7: {  	v23 =	vadd.s32 v10, v24;
	v32 =	vld.idx.msk [tilespmem:v19+s13+$0x0], $0xffff  }
0xf8: {  	s15 =	simm.s32 $0x800;
	v24 =	vadd.s32 v10, v29;
	v33 =	vld.idx.msk [tilespmem:v20+s13+$0x0], $0xffff;
	v25 =	vmax.f32 v25, v26  }
0xf9: {  	v29 =	vld.idx.msk [tilespmem:v13+s15+$0x0], $0xffff;
	v26 =	vmax.f32 v25, v27  }
0xfa: {  	v25 =	vld.idx.msk [tilespmem:v21+s13+$0x0], $0xffff;
	v27 =	vmax.f32 v26, v28  }
0xfb: {  	v26 =	vld.idx.msk [tilespmem:v22+s13+$0x0], $0xffff;
	v28 =	vmax.f32 v27, v30  }
0xfc: {  	v27 =	vld.idx.msk [tilespmem:v23+s13+$0x0], $0xffff;
	v30 =	vmax.f32 v28, v31  }
0xfd: {  	v28 =	vld.idx.msk [tilespmem:v24+s13+$0x0], $0xffff;
	v31 =	vmax.f32 v30, v32  }
0xfe: {  	s14 =	simm.s32 $0x40;
	s16 =	simm.s32 $0x80;
	v30 =	vld.idx.msk [tilespmem:v14+s15+$0x0], $0xffff;
	v31 =	vmax.f32 v31, v33  }
.LBB2_10:
0xff: {  	p0 =	sne.s32 s16, $0x7C0;
	v32 =	vld.idx.msk [tilespmem:v15+s15+$0x0], $0xffff;
	v25 =	vmax.f32 v31, v25  }
0x100: {  	v31 =	vld.idx.msk [tilespmem:v16+s15+$0x0], $0xffff;
	v25 =	vmax.f32 v25, v26  }
0x101: {  	v33 =	vld.idx.msk [tilespmem:v17+s15+$0x0], $0xffff;
	v25 =	vmax.f32 v25, v27  }
0x102: {  	s17 =	sshra.s32 s13, $0x2;
	s13 =	smov.u32 s14;
	s14 =	smov.u32 s16;
	v34 =	vld.idx.msk [tilespmem:v18+s15+$0x0], $0xffff;
	v25 =	vmax.f32 v25, v28  }
0x103: {  	v35 =	vld.idx.msk [tilespmem:v19+s15+$0x0], $0xffff;
	[tilespmem:s17+$0x108A0] =	vst v25  }
0x104: {  	v25 =	vmax.f32 v29, v30;
	v36 =	vld.idx.msk [tilespmem:v20+s15+$0x0], $0xffff  }
0x105: {  	v26 =	vmax.f32 v25, v32;
	v25 =	vld.idx.msk [tilespmem:v21+s15+$0x0], $0xffff  }
.Ltmp4:
0x106: {  	v27 =	vmax.f32 v26, v31;
	v26 =	vld.idx.msk [tilespmem:v22+s15+$0x0], $0xffff;
	(pc) =	sbr.rel @p0 .LBB2_10-.Ltmp4, $4  }
0x107: {  	v28 =	vmax.f32 v27, v33;
	v27 =	vld.idx.msk [tilespmem:v23+s15+$0x0], $0xffff  }
0x108: {  	v30 =	vmax.f32 v28, v34;
	v28 =	vld.idx.msk [tilespmem:v24+s15+$0x0], $0xffff;
	s15 =	sadd.s32 $0x800, s15  }
0x109: {  	v31 =	vmax.f32 v30, v35;
	v29 =	vld.idx.msk [tilespmem:v13+s15+$0x0], $0xffff  }
0x10a: {  	s16 =	sadd.s32 $0x40, s16;
	v31 =	vmax.f32 v31, v36;
	v30 =	vld.idx.msk [tilespmem:v14+s15+$0x0], $0xffff  }
0x10b: {  	_ =	sdelay $0x3  }
0x10c: {  	v13 =	vld.idx.msk [tilespmem:v15+s15+$0x0], $0xffff  }
0x10d: {  	v14 =	vld.idx.msk [tilespmem:v16+s15+$0x0], $0xffff  }
0x10e: {  	v15 =	vld.idx.msk [tilespmem:v17+s15+$0x0], $0xffff  }
0x10f: {  	v16 =	vld.idx.msk [tilespmem:v18+s15+$0x0], $0xffff  }
0x110: {  	v17 =	vld.idx.msk [tilespmem:v19+s15+$0x0], $0xffff;
	v18 =	vmax.f32 v29, v30  }
0x111: {  	v19 =	vld.idx.msk [tilespmem:v20+s15+$0x0], $0xffff;
	v13 =	vmax.f32 v18, v13  }
0x112: {  	v18 =	vld.idx.msk [tilespmem:v21+s15+$0x0], $0xffff;
	v13 =	vmax.f32 v13, v14  }
0x113: {  	v14 =	vld.idx.msk [tilespmem:v22+s15+$0x0], $0xffff;
	v13 =	vmax.f32 v13, v15  }
0x114: {  	v15 =	vld.idx.msk [tilespmem:v23+s15+$0x0], $0xffff;
	v13 =	vmax.f32 v13, v16  }
0x115: {  	v16 =	vld.idx.msk [tilespmem:v24+s15+$0x0], $0xffff;
	v13 =	vmax.f32 v13, v17  }
0x116: {  	v17 =	vmax.f32 v31, v25;
	v13 =	vmax.f32 v13, v19  }
0x117: {  	v17 =	vmax.f32 v17, v26;
	v13 =	vmax.f32 v13, v18  }
0x118: {  	v17 =	vmax.f32 v17, v27;
	v13 =	vmax.f32 v13, v14  }
0x119: {  	s13 =	sshra.s32 s13, $0x2;
	v14 =	vmax.f32 v17, v28;
	v13 =	vmax.f32 v13, v15  }
0x11a: {  	s31 =	sshra.s32 s14, $0x2;
	[tilespmem:s13+$0x108A0] =	vst v14;
	v13 =	vmax.f32 v13, v16  }
0x11b: {  	[tilespmem:s31+$0x108A0] =	vst v13  }
0x11c: {  	v23 =	vld [tilespmem:$0x1003C];
	_ =	sdelay $0x4  }
0x11d: {  	v13 =	vperm.xlane v23, v0  }
0x11e: {  	v14 =	vperm.xlane v23, v1  }
0x11f: {  	v15 =	vperm.xlane v23, v2;
	v13 =	vadd.s32 v10, v13  }
0x120: {  	v16 =	vperm.xlane v23, v3;
	v14 =	vadd.s32 v10, v14  }
0x121: {  	v17 =	vperm.xlane v23, v4;
	v15 =	vadd.s32 v10, v15  }
0x122: {  	v18 =	vperm.xlane v23, v5;
	v16 =	vadd.s32 v10, v16  }
0x123: {  	s13 =	simm.s32 $0x0;
	v19 =	vperm.xlane v23, v6;
	v17 =	vadd.s32 v10, v17  }
0x124: {  	v20 =	vperm.xlane v23, v7;
	v18 =	vadd.s32 v10, v18;
	v25 =	vld.idx.msk [tilespmem:v13+s13+$0x0], $0xffff  }
0x125: {  	v19 =	vadd.s32 v10, v19;
	v26 =	vld.idx.msk [tilespmem:v14+s13+$0x0], $0xffff  }
0x126: {  	v21 =	vperm.xlane v23, v8;
	v20 =	vadd.s32 v10, v20;
	v27 =	vld.idx.msk [tilespmem:v15+s13+$0x0], $0xffff  }
0x127: {  	v22 =	vperm.xlane v23, v9;
	v28 =	vld.idx.msk [tilespmem:v16+s13+$0x0], $0xffff  }
0x128: {  	v24 =	vperm.xlane v23, v11;
	v21 =	vadd.s32 v10, v21;
	v30 =	vld.idx.msk [tilespmem:v17+s13+$0x0], $0xffff  }
0x129: {  	v29 =	vperm.xlane v23, v12;
	v22 =	vadd.s32 v10, v22;
	v31 =	vld.idx.msk [tilespmem:v18+s13+$0x0], $0xffff  }
0x12a: {  	v23 =	vadd.s32 v10, v24;
	v32 =	vld.idx.msk [tilespmem:v19+s13+$0x0], $0xffff  }
0x12b: {  	s15 =	simm.s32 $0x800;
	v24 =	vadd.s32 v10, v29;
	v33 =	vld.idx.msk [tilespmem:v20+s13+$0x0], $0xffff;
	v25 =	vmax.f32 v25, v26  }
0x12c: {  	v29 =	vld.idx.msk [tilespmem:v13+s15+$0x0], $0xffff;
	v26 =	vmax.f32 v25, v27  }
0x12d: {  	v25 =	vld.idx.msk [tilespmem:v21+s13+$0x0], $0xffff;
	v27 =	vmax.f32 v26, v28  }
0x12e: {  	v26 =	vld.idx.msk [tilespmem:v22+s13+$0x0], $0xffff;
	v28 =	vmax.f32 v27, v30  }
0x12f: {  	v27 =	vld.idx.msk [tilespmem:v23+s13+$0x0], $0xffff;
	v30 =	vmax.f32 v28, v31  }
0x130: {  	v28 =	vld.idx.msk [tilespmem:v24+s13+$0x0], $0xffff;
	v31 =	vmax.f32 v30, v32  }
0x131: {  	s14 =	simm.s32 $0x40;
	s16 =	simm.s32 $0x80;
	v30 =	vld.idx.msk [tilespmem:v14+s15+$0x0], $0xffff;
	v31 =	vmax.f32 v31, v33  }
.LBB2_12:
0x132: {  	p0 =	sne.s32 s16, $0x7C0;
	v32 =	vld.idx.msk [tilespmem:v15+s15+$0x0], $0xffff;
	v25 =	vmax.f32 v31, v25  }
0x133: {  	v31 =	vld.idx.msk [tilespmem:v16+s15+$0x0], $0xffff;
	v25 =	vmax.f32 v25, v26  }
0x134: {  	v33 =	vld.idx.msk [tilespmem:v17+s15+$0x0], $0xffff;
	v25 =	vmax.f32 v25, v27  }
0x135: {  	s17 =	sshra.s32 s13, $0x2;
	s13 =	smov.u32 s14;
	s14 =	smov.u32 s16;
	v34 =	vld.idx.msk [tilespmem:v18+s15+$0x0], $0xffff;
	v25 =	vmax.f32 v25, v28  }
0x136: {  	v35 =	vld.idx.msk [tilespmem:v19+s15+$0x0], $0xffff;
	[tilespmem:s17+$0x10AA0] =	vst v25  }
0x137: {  	v25 =	vmax.f32 v29, v30;
	v36 =	vld.idx.msk [tilespmem:v20+s15+$0x0], $0xffff  }
0x138: {  	v26 =	vmax.f32 v25, v32;
	v25 =	vld.idx.msk [tilespmem:v21+s15+$0x0], $0xffff  }
.Ltmp5:
0x139: {  	v27 =	vmax.f32 v26, v31;
	v26 =	vld.idx.msk [tilespmem:v22+s15+$0x0], $0xffff;
	(pc) =	sbr.rel @p0 .LBB2_12-.Ltmp5, $4  }
0x13a: {  	v28 =	vmax.f32 v27, v33;
	v27 =	vld.idx.msk [tilespmem:v23+s15+$0x0], $0xffff  }
0x13b: {  	v30 =	vmax.f32 v28, v34;
	v28 =	vld.idx.msk [tilespmem:v24+s15+$0x0], $0xffff;
	s15 =	sadd.s32 $0x800, s15  }
0x13c: {  	v31 =	vmax.f32 v30, v35;
	v29 =	vld.idx.msk [tilespmem:v13+s15+$0x0], $0xffff  }
0x13d: {  	s16 =	sadd.s32 $0x40, s16;
	v31 =	vmax.f32 v31, v36;
	v30 =	vld.idx.msk [tilespmem:v14+s15+$0x0], $0xffff  }
0x13e: {  	_ =	sdelay $0x3  }
0x13f: {  	v13 =	vld.idx.msk [tilespmem:v15+s15+$0x0], $0xffff  }
0x140: {  	v14 =	vld.idx.msk [tilespmem:v16+s15+$0x0], $0xffff  }
0x141: {  	v15 =	vld.idx.msk [tilespmem:v17+s15+$0x0], $0xffff  }
0x142: {  	v16 =	vld.idx.msk [tilespmem:v18+s15+$0x0], $0xffff  }
0x143: {  	v17 =	vld.idx.msk [tilespmem:v19+s15+$0x0], $0xffff;
	v18 =	vmax.f32 v29, v30  }
0x144: {  	v19 =	vld.idx.msk [tilespmem:v20+s15+$0x0], $0xffff;
	v13 =	vmax.f32 v18, v13  }
0x145: {  	v18 =	vld.idx.msk [tilespmem:v21+s15+$0x0], $0xffff;
	v13 =	vmax.f32 v13, v14  }
0x146: {  	v14 =	vld.idx.msk [tilespmem:v22+s15+$0x0], $0xffff;
	v13 =	vmax.f32 v13, v15  }
0x147: {  	v15 =	vld.idx.msk [tilespmem:v23+s15+$0x0], $0xffff;
	v13 =	vmax.f32 v13, v16  }
0x148: {  	v16 =	vld.idx.msk [tilespmem:v24+s15+$0x0], $0xffff;
	v13 =	vmax.f32 v13, v17  }
0x149: {  	v17 =	vmax.f32 v31, v25;
	v13 =	vmax.f32 v13, v19  }
0x14a: {  	v17 =	vmax.f32 v17, v26;
	v13 =	vmax.f32 v13, v18  }
0x14b: {  	v17 =	vmax.f32 v17, v27;
	v13 =	vmax.f32 v13, v14  }
0x14c: {  	s13 =	sshra.s32 s13, $0x2;
	v14 =	vmax.f32 v17, v28;
	v13 =	vmax.f32 v13, v15  }
0x14d: {  	s31 =	sshra.s32 s14, $0x2;
	[tilespmem:s13+$0x10AA0] =	vst v14;
	v13 =	vmax.f32 v13, v16  }
0x14e: {  	[tilespmem:s31+$0x10AA0] =	vst v13  }
0x14f: {  	v23 =	vld [tilespmem:$0x10048];
	_ =	sdelay $0x4  }
0x150: {  	v13 =	vperm.xlane v23, v0  }
0x151: {  	v14 =	vperm.xlane v23, v1  }
0x152: {  	v15 =	vperm.xlane v23, v2;
	v13 =	vadd.s32 v10, v13  }
0x153: {  	v16 =	vperm.xlane v23, v3;
	v14 =	vadd.s32 v10, v14  }
0x154: {  	v17 =	vperm.xlane v23, v4;
	v15 =	vadd.s32 v10, v15  }
0x155: {  	v18 =	vperm.xlane v23, v5;
	v16 =	vadd.s32 v10, v16  }
0x156: {  	s13 =	simm.s32 $0x0;
	v19 =	vperm.xlane v23, v6;
	v17 =	vadd.s32 v10, v17  }
0x157: {  	v20 =	vperm.xlane v23, v7;
	v18 =	vadd.s32 v10, v18;
	v25 =	vld.idx.msk [tilespmem:v13+s13+$0x0], $0xffff  }
0x158: {  	v19 =	vadd.s32 v10, v19;
	v26 =	vld.idx.msk [tilespmem:v14+s13+$0x0], $0xffff  }
0x159: {  	v21 =	vperm.xlane v23, v8;
	v20 =	vadd.s32 v10, v20;
	v27 =	vld.idx.msk [tilespmem:v15+s13+$0x0], $0xffff  }
0x15a: {  	v22 =	vperm.xlane v23, v9;
	v28 =	vld.idx.msk [tilespmem:v16+s13+$0x0], $0xffff  }
0x15b: {  	v24 =	vperm.xlane v23, v11;
	v21 =	vadd.s32 v10, v21;
	v30 =	vld.idx.msk [tilespmem:v17+s13+$0x0], $0xffff  }
0x15c: {  	v29 =	vperm.xlane v23, v12;
	v22 =	vadd.s32 v10, v22;
	v31 =	vld.idx.msk [tilespmem:v18+s13+$0x0], $0xffff  }
0x15d: {  	v23 =	vadd.s32 v10, v24;
	v32 =	vld.idx.msk [tilespmem:v19+s13+$0x0], $0xffff  }
0x15e: {  	s15 =	simm.s32 $0x800;
	v24 =	vadd.s32 v10, v29;
	v33 =	vld.idx.msk [tilespmem:v20+s13+$0x0], $0xffff;
	v25 =	vmax.f32 v25, v26  }
0x15f: {  	v29 =	vld.idx.msk [tilespmem:v13+s15+$0x0], $0xffff;
	v26 =	vmax.f32 v25, v27  }
0x160: {  	v25 =	vld.idx.msk [tilespmem:v21+s13+$0x0], $0xffff;
	v27 =	vmax.f32 v26, v28  }
0x161: {  	v26 =	vld.idx.msk [tilespmem:v22+s13+$0x0], $0xffff;
	v28 =	vmax.f32 v27, v30  }
0x162: {  	v27 =	vld.idx.msk [tilespmem:v23+s13+$0x0], $0xffff;
	v30 =	vmax.f32 v28, v31  }
0x163: {  	v28 =	vld.idx.msk [tilespmem:v24+s13+$0x0], $0xffff;
	v31 =	vmax.f32 v30, v32  }
0x164: {  	s14 =	simm.s32 $0x40;
	s16 =	simm.s32 $0x80;
	v30 =	vld.idx.msk [tilespmem:v14+s15+$0x0], $0xffff;
	v31 =	vmax.f32 v31, v33  }
.LBB2_14:
0x165: {  	p0 =	sne.s32 s16, $0x7C0;
	v32 =	vld.idx.msk [tilespmem:v15+s15+$0x0], $0xffff;
	v25 =	vmax.f32 v31, v25  }
0x166: {  	v31 =	vld.idx.msk [tilespmem:v16+s15+$0x0], $0xffff;
	v25 =	vmax.f32 v25, v26  }
0x167: {  	v33 =	vld.idx.msk [tilespmem:v17+s15+$0x0], $0xffff;
	v25 =	vmax.f32 v25, v27  }
0x168: {  	s17 =	sshra.s32 s13, $0x2;
	s13 =	smov.u32 s14;
	s14 =	smov.u32 s16;
	v34 =	vld.idx.msk [tilespmem:v18+s15+$0x0], $0xffff;
	v25 =	vmax.f32 v25, v28  }
0x169: {  	v35 =	vld.idx.msk [tilespmem:v19+s15+$0x0], $0xffff;
	[tilespmem:s17+$0x10CA0] =	vst v25  }
0x16a: {  	v25 =	vmax.f32 v29, v30;
	v36 =	vld.idx.msk [tilespmem:v20+s15+$0x0], $0xffff  }
0x16b: {  	v26 =	vmax.f32 v25, v32;
	v25 =	vld.idx.msk [tilespmem:v21+s15+$0x0], $0xffff  }
.Ltmp6:
0x16c: {  	v27 =	vmax.f32 v26, v31;
	v26 =	vld.idx.msk [tilespmem:v22+s15+$0x0], $0xffff;
	(pc) =	sbr.rel @p0 .LBB2_14-.Ltmp6, $4  }
0x16d: {  	v28 =	vmax.f32 v27, v33;
	v27 =	vld.idx.msk [tilespmem:v23+s15+$0x0], $0xffff  }
0x16e: {  	v30 =	vmax.f32 v28, v34;
	v28 =	vld.idx.msk [tilespmem:v24+s15+$0x0], $0xffff;
	s15 =	sadd.s32 $0x800, s15  }
0x16f: {  	v31 =	vmax.f32 v30, v35;
	v29 =	vld.idx.msk [tilespmem:v13+s15+$0x0], $0xffff  }
0x170: {  	s16 =	sadd.s32 $0x40, s16;
	v31 =	vmax.f32 v31, v36;
	v30 =	vld.idx.msk [tilespmem:v14+s15+$0x0], $0xffff  }
0x171: {  	_ =	sdelay $0x3  }
0x172: {  	v13 =	vld.idx.msk [tilespmem:v15+s15+$0x0], $0xffff  }
0x173: {  	v14 =	vld.idx.msk [tilespmem:v16+s15+$0x0], $0xffff  }
0x174: {  	v15 =	vld.idx.msk [tilespmem:v17+s15+$0x0], $0xffff  }
0x175: {  	v16 =	vld.idx.msk [tilespmem:v18+s15+$0x0], $0xffff  }
0x176: {  	v17 =	vld.idx.msk [tilespmem:v19+s15+$0x0], $0xffff;
	v18 =	vmax.f32 v29, v30  }
0x177: {  	v19 =	vld.idx.msk [tilespmem:v20+s15+$0x0], $0xffff;
	v13 =	vmax.f32 v18, v13  }
0x178: {  	v18 =	vld.idx.msk [tilespmem:v21+s15+$0x0], $0xffff;
	v13 =	vmax.f32 v13, v14  }
0x179: {  	v14 =	vld.idx.msk [tilespmem:v22+s15+$0x0], $0xffff;
	v13 =	vmax.f32 v13, v15  }
0x17a: {  	v15 =	vld.idx.msk [tilespmem:v23+s15+$0x0], $0xffff;
	v13 =	vmax.f32 v13, v16  }
0x17b: {  	v16 =	vld.idx.msk [tilespmem:v24+s15+$0x0], $0xffff;
	v13 =	vmax.f32 v13, v17  }
0x17c: {  	v17 =	vmax.f32 v31, v25;
	v13 =	vmax.f32 v13, v19  }
0x17d: {  	v17 =	vmax.f32 v17, v26;
	v13 =	vmax.f32 v13, v18  }
0x17e: {  	v17 =	vmax.f32 v17, v27;
	v13 =	vmax.f32 v13, v14  }
0x17f: {  	s13 =	sshra.s32 s13, $0x2;
	v14 =	vmax.f32 v17, v28;
	v13 =	vmax.f32 v13, v15  }
0x180: {  	s31 =	sshra.s32 s14, $0x2;
	[tilespmem:s13+$0x10CA0] =	vst v14;
	v13 =	vmax.f32 v13, v16  }
0x181: {  	[tilespmem:s31+$0x10CA0] =	vst v13  }
0x182: {  	v23 =	vld [tilespmem:$0x10054];
	_ =	sdelay $0x4  }
0x183: {  	v13 =	vperm.xlane v23, v0  }
0x184: {  	v14 =	vperm.xlane v23, v1  }
0x185: {  	v15 =	vperm.xlane v23, v2;
	v13 =	vadd.s32 v10, v13  }
0x186: {  	v16 =	vperm.xlane v23, v3;
	v14 =	vadd.s32 v10, v14  }
0x187: {  	v17 =	vperm.xlane v23, v4;
	v15 =	vadd.s32 v10, v15  }
0x188: {  	v18 =	vperm.xlane v23, v5;
	v16 =	vadd.s32 v10, v16  }
0x189: {  	s13 =	simm.s32 $0x0;
	v19 =	vperm.xlane v23, v6;
	v17 =	vadd.s32 v10, v17  }
0x18a: {  	v20 =	vperm.xlane v23, v7;
	v18 =	vadd.s32 v10, v18;
	v25 =	vld.idx.msk [tilespmem:v13+s13+$0x0], $0xffff  }
0x18b: {  	v19 =	vadd.s32 v10, v19;
	v26 =	vld.idx.msk [tilespmem:v14+s13+$0x0], $0xffff  }
0x18c: {  	v21 =	vperm.xlane v23, v8;
	v20 =	vadd.s32 v10, v20;
	v27 =	vld.idx.msk [tilespmem:v15+s13+$0x0], $0xffff  }
0x18d: {  	v22 =	vperm.xlane v23, v9;
	v28 =	vld.idx.msk [tilespmem:v16+s13+$0x0], $0xffff  }
0x18e: {  	v24 =	vperm.xlane v23, v11;
	v21 =	vadd.s32 v10, v21;
	v30 =	vld.idx.msk [tilespmem:v17+s13+$0x0], $0xffff  }
0x18f: {  	v29 =	vperm.xlane v23, v12;
	v22 =	vadd.s32 v10, v22;
	v31 =	vld.idx.msk [tilespmem:v18+s13+$0x0], $0xffff  }
0x190: {  	v23 =	vadd.s32 v10, v24;
	v32 =	vld.idx.msk [tilespmem:v19+s13+$0x0], $0xffff  }
0x191: {  	s15 =	simm.s32 $0x800;
	v24 =	vadd.s32 v10, v29;
	v33 =	vld.idx.msk [tilespmem:v20+s13+$0x0], $0xffff;
	v25 =	vmax.f32 v25, v26  }
0x192: {  	v29 =	vld.idx.msk [tilespmem:v13+s15+$0x0], $0xffff;
	v26 =	vmax.f32 v25, v27  }
0x193: {  	v25 =	vld.idx.msk [tilespmem:v21+s13+$0x0], $0xffff;
	v27 =	vmax.f32 v26, v28  }
0x194: {  	v26 =	vld.idx.msk [tilespmem:v22+s13+$0x0], $0xffff;
	v28 =	vmax.f32 v27, v30  }
0x195: {  	v27 =	vld.idx.msk [tilespmem:v23+s13+$0x0], $0xffff;
	v30 =	vmax.f32 v28, v31  }
0x196: {  	v28 =	vld.idx.msk [tilespmem:v24+s13+$0x0], $0xffff;
	v31 =	vmax.f32 v30, v32  }
0x197: {  	s14 =	simm.s32 $0x40;
	s16 =	simm.s32 $0x80;
	v30 =	vld.idx.msk [tilespmem:v14+s15+$0x0], $0xffff;
	v31 =	vmax.f32 v31, v33  }
.LBB2_16:
0x198: {  	p0 =	sne.s32 s16, $0x7C0;
	v32 =	vld.idx.msk [tilespmem:v15+s15+$0x0], $0xffff;
	v25 =	vmax.f32 v31, v25  }
0x199: {  	v31 =	vld.idx.msk [tilespmem:v16+s15+$0x0], $0xffff;
	v25 =	vmax.f32 v25, v26  }
0x19a: {  	v33 =	vld.idx.msk [tilespmem:v17+s15+$0x0], $0xffff;
	v25 =	vmax.f32 v25, v27  }
0x19b: {  	s17 =	sshra.s32 s13, $0x2;
	s13 =	smov.u32 s14;
	s14 =	smov.u32 s16;
	v34 =	vld.idx.msk [tilespmem:v18+s15+$0x0], $0xffff;
	v25 =	vmax.f32 v25, v28  }
0x19c: {  	v35 =	vld.idx.msk [tilespmem:v19+s15+$0x0], $0xffff;
	[tilespmem:s17+$0x10EA0] =	vst v25  }
0x19d: {  	v25 =	vmax.f32 v29, v30;
	v36 =	vld.idx.msk [tilespmem:v20+s15+$0x0], $0xffff  }
0x19e: {  	v26 =	vmax.f32 v25, v32;
	v25 =	vld.idx.msk [tilespmem:v21+s15+$0x0], $0xffff  }
.Ltmp7:
0x19f: {  	v27 =	vmax.f32 v26, v31;
	v26 =	vld.idx.msk [tilespmem:v22+s15+$0x0], $0xffff;
	(pc) =	sbr.rel @p0 .LBB2_16-.Ltmp7, $4  }
0x1a0: {  	v28 =	vmax.f32 v27, v33;
	v27 =	vld.idx.msk [tilespmem:v23+s15+$0x0], $0xffff  }
0x1a1: {  	v30 =	vmax.f32 v28, v34;
	v28 =	vld.idx.msk [tilespmem:v24+s15+$0x0], $0xffff;
	s15 =	sadd.s32 $0x800, s15  }
0x1a2: {  	v31 =	vmax.f32 v30, v35;
	v29 =	vld.idx.msk [tilespmem:v13+s15+$0x0], $0xffff  }
0x1a3: {  	s16 =	sadd.s32 $0x40, s16;
	v31 =	vmax.f32 v31, v36;
	v30 =	vld.idx.msk [tilespmem:v14+s15+$0x0], $0xffff  }
0x1a4: {  	_ =	sdelay $0x3  }
0x1a5: {  	v13 =	vld.idx.msk [tilespmem:v15+s15+$0x0], $0xffff  }
0x1a6: {  	v14 =	vld.idx.msk [tilespmem:v16+s15+$0x0], $0xffff  }
0x1a7: {  	v15 =	vld.idx.msk [tilespmem:v17+s15+$0x0], $0xffff  }
0x1a8: {  	v16 =	vld.idx.msk [tilespmem:v18+s15+$0x0], $0xffff  }
0x1a9: {  	v17 =	vld.idx.msk [tilespmem:v19+s15+$0x0], $0xffff;
	v18 =	vmax.f32 v29, v30  }
0x1aa: {  	v19 =	vld.idx.msk [tilespmem:v20+s15+$0x0], $0xffff;
	v13 =	vmax.f32 v18, v13  }
0x1ab: {  	v18 =	vld.idx.msk [tilespmem:v21+s15+$0x0], $0xffff;
	v13 =	vmax.f32 v13, v14  }
0x1ac: {  	v14 =	vld.idx.msk [tilespmem:v22+s15+$0x0], $0xffff;
	v13 =	vmax.f32 v13, v15  }
0x1ad: {  	v15 =	vld.idx.msk [tilespmem:v23+s15+$0x0], $0xffff;
	v13 =	vmax.f32 v13, v16  }
0x1ae: {  	v16 =	vld.idx.msk [tilespmem:v24+s15+$0x0], $0xffff;
	v13 =	vmax.f32 v13, v17  }
0x1af: {  	v17 =	vmax.f32 v31, v25;
	v13 =	vmax.f32 v13, v19  }
0x1b0: {  	v17 =	vmax.f32 v17, v26;
	v13 =	vmax.f32 v13, v18  }
0x1b1: {  	v17 =	vmax.f32 v17, v27;
	v13 =	vmax.f32 v13, v14  }
0x1b2: {  	s13 =	sshra.s32 s13, $0x2;
	v14 =	vmax.f32 v17, v28;
	v13 =	vmax.f32 v13, v15  }
0x1b3: {  	s31 =	sshra.s32 s14, $0x2;
	[tilespmem:s13+$0x10EA0] =	vst v14;
	v13 =	vmax.f32 v13, v16  }
0x1b4: {  	[tilespmem:s31+$0x10EA0] =	vst v13  }
0x1b5: {  	v23 =	vld [tilespmem:$0x10060];
	_ =	sdelay $0x4  }
0x1b6: {  	v13 =	vperm.xlane v23, v0  }
0x1b7: {  	v14 =	vperm.xlane v23, v1  }
0x1b8: {  	v15 =	vperm.xlane v23, v2;
	v13 =	vadd.s32 v10, v13  }
0x1b9: {  	v16 =	vperm.xlane v23, v3;
	v14 =	vadd.s32 v10, v14  }
0x1ba: {  	v17 =	vperm.xlane v23, v4;
	v15 =	vadd.s32 v10, v15  }
0x1bb: {  	v18 =	vperm.xlane v23, v5;
	v16 =	vadd.s32 v10, v16  }
0x1bc: {  	s13 =	simm.s32 $0x0;
	v19 =	vperm.xlane v23, v6;
	v17 =	vadd.s32 v10, v17  }
0x1bd: {  	v20 =	vperm.xlane v23, v7;
	v18 =	vadd.s32 v10, v18;
	v25 =	vld.idx.msk [tilespmem:v13+s13+$0x0], $0xffff  }
0x1be: {  	v19 =	vadd.s32 v10, v19;
	v26 =	vld.idx.msk [tilespmem:v14+s13+$0x0], $0xffff  }
0x1bf: {  	v21 =	vperm.xlane v23, v8;
	v20 =	vadd.s32 v10, v20;
	v27 =	vld.idx.msk [tilespmem:v15+s13+$0x0], $0xffff  }
0x1c0: {  	v22 =	vperm.xlane v23, v9;
	v28 =	vld.idx.msk [tilespmem:v16+s13+$0x0], $0xffff  }
0x1c1: {  	v24 =	vperm.xlane v23, v11;
	v21 =	vadd.s32 v10, v21;
	v30 =	vld.idx.msk [tilespmem:v17+s13+$0x0], $0xffff  }
0x1c2: {  	v29 =	vperm.xlane v23, v12;
	v22 =	vadd.s32 v10, v22;
	v31 =	vld.idx.msk [tilespmem:v18+s13+$0x0], $0xffff  }
0x1c3: {  	v23 =	vadd.s32 v10, v24;
	v32 =	vld.idx.msk [tilespmem:v19+s13+$0x0], $0xffff  }
0x1c4: {  	s15 =	simm.s32 $0x800;
	v24 =	vadd.s32 v10, v29;
	v33 =	vld.idx.msk [tilespmem:v20+s13+$0x0], $0xffff;
	v25 =	vmax.f32 v25, v26  }
0x1c5: {  	v29 =	vld.idx.msk [tilespmem:v13+s15+$0x0], $0xffff;
	v26 =	vmax.f32 v25, v27  }
0x1c6: {  	v25 =	vld.idx.msk [tilespmem:v21+s13+$0x0], $0xffff;
	v27 =	vmax.f32 v26, v28  }
0x1c7: {  	v26 =	vld.idx.msk [tilespmem:v22+s13+$0x0], $0xffff;
	v28 =	vmax.f32 v27, v30  }
0x1c8: {  	v27 =	vld.idx.msk [tilespmem:v23+s13+$0x0], $0xffff;
	v30 =	vmax.f32 v28, v31  }
0x1c9: {  	v28 =	vld.idx.msk [tilespmem:v24+s13+$0x0], $0xffff;
	v31 =	vmax.f32 v30, v32  }
0x1ca: {  	s14 =	simm.s32 $0x40;
	s16 =	simm.s32 $0x80;
	v30 =	vld.idx.msk [tilespmem:v14+s15+$0x0], $0xffff;
	v31 =	vmax.f32 v31, v33  }
.LBB2_18:
0x1cb: {  	p0 =	sne.s32 s16, $0x7C0;
	v32 =	vld.idx.msk [tilespmem:v15+s15+$0x0], $0xffff;
	v25 =	vmax.f32 v31, v25  }
0x1cc: {  	v31 =	vld.idx.msk [tilespmem:v16+s15+$0x0], $0xffff;
	v25 =	vmax.f32 v25, v26  }
0x1cd: {  	v33 =	vld.idx.msk [tilespmem:v17+s15+$0x0], $0xffff;
	v25 =	vmax.f32 v25, v27  }
0x1ce: {  	s17 =	sshra.s32 s13, $0x2;
	s13 =	smov.u32 s14;
	s14 =	smov.u32 s16;
	v34 =	vld.idx.msk [tilespmem:v18+s15+$0x0], $0xffff;
	v25 =	vmax.f32 v25, v28  }
0x1cf: {  	v35 =	vld.idx.msk [tilespmem:v19+s15+$0x0], $0xffff;
	[tilespmem:s17+$0x110A0] =	vst v25  }
0x1d0: {  	v25 =	vmax.f32 v29, v30;
	v36 =	vld.idx.msk [tilespmem:v20+s15+$0x0], $0xffff  }
0x1d1: {  	v26 =	vmax.f32 v25, v32;
	v25 =	vld.idx.msk [tilespmem:v21+s15+$0x0], $0xffff  }
.Ltmp8:
0x1d2: {  	v27 =	vmax.f32 v26, v31;
	v26 =	vld.idx.msk [tilespmem:v22+s15+$0x0], $0xffff;
	(pc) =	sbr.rel @p0 .LBB2_18-.Ltmp8, $4  }
0x1d3: {  	v28 =	vmax.f32 v27, v33;
	v27 =	vld.idx.msk [tilespmem:v23+s15+$0x0], $0xffff  }
0x1d4: {  	v30 =	vmax.f32 v28, v34;
	v28 =	vld.idx.msk [tilespmem:v24+s15+$0x0], $0xffff;
	s15 =	sadd.s32 $0x800, s15  }
0x1d5: {  	v31 =	vmax.f32 v30, v35;
	v29 =	vld.idx.msk [tilespmem:v13+s15+$0x0], $0xffff  }
0x1d6: {  	s16 =	sadd.s32 $0x40, s16;
	v31 =	vmax.f32 v31, v36;
	v30 =	vld.idx.msk [tilespmem:v14+s15+$0x0], $0xffff  }
0x1d7: {  	_ =	sdelay $0x3  }
0x1d8: {  	v13 =	vld.idx.msk [tilespmem:v15+s15+$0x0], $0xffff  }
0x1d9: {  	v14 =	vld.idx.msk [tilespmem:v16+s15+$0x0], $0xffff  }
0x1da: {  	v15 =	vld.idx.msk [tilespmem:v17+s15+$0x0], $0xffff  }
0x1db: {  	v16 =	vld.idx.msk [tilespmem:v18+s15+$0x0], $0xffff  }
0x1dc: {  	v17 =	vld.idx.msk [tilespmem:v19+s15+$0x0], $0xffff;
	v18 =	vmax.f32 v29, v30  }
0x1dd: {  	v19 =	vld.idx.msk [tilespmem:v20+s15+$0x0], $0xffff;
	v13 =	vmax.f32 v18, v13  }
0x1de: {  	v18 =	vld.idx.msk [tilespmem:v21+s15+$0x0], $0xffff;
	v13 =	vmax.f32 v13, v14  }
0x1df: {  	v14 =	vld.idx.msk [tilespmem:v22+s15+$0x0], $0xffff;
	v13 =	vmax.f32 v13, v15  }
0x1e0: {  	v15 =	vld.idx.msk [tilespmem:v23+s15+$0x0], $0xffff;
	v13 =	vmax.f32 v13, v16  }
0x1e1: {  	v16 =	vld.idx.msk [tilespmem:v24+s15+$0x0], $0xffff;
	v13 =	vmax.f32 v13, v17  }
0x1e2: {  	v17 =	vmax.f32 v31, v25;
	v13 =	vmax.f32 v13, v19  }
0x1e3: {  	v17 =	vmax.f32 v17, v26;
	v13 =	vmax.f32 v13, v18  }
0x1e4: {  	v17 =	vmax.f32 v17, v27;
	v13 =	vmax.f32 v13, v14  }
0x1e5: {  	s13 =	sshra.s32 s13, $0x2;
	v14 =	vmax.f32 v17, v28;
	v13 =	vmax.f32 v13, v15  }
0x1e6: {  	s31 =	sshra.s32 s14, $0x2;
	[tilespmem:s13+$0x110A0] =	vst v14;
	v13 =	vmax.f32 v13, v16  }
0x1e7: {  	[tilespmem:s31+$0x110A0] =	vst v13  }
0x1e8: {  	v23 =	vld [tilespmem:$0x1006C];
	_ =	sdelay $0x4  }
0x1e9: {  	v13 =	vperm.xlane v23, v0  }
0x1ea: {  	v14 =	vperm.xlane v23, v1  }
0x1eb: {  	v15 =	vperm.xlane v23, v2;
	v13 =	vadd.s32 v10, v13  }
0x1ec: {  	v16 =	vperm.xlane v23, v3;
	v14 =	vadd.s32 v10, v14  }
0x1ed: {  	v17 =	vperm.xlane v23, v4;
	v15 =	vadd.s32 v10, v15  }
0x1ee: {  	v18 =	vperm.xlane v23, v5;
	v16 =	vadd.s32 v10, v16  }
0x1ef: {  	s13 =	simm.s32 $0x0;
	v19 =	vperm.xlane v23, v6;
	v17 =	vadd.s32 v10, v17  }
0x1f0: {  	v20 =	vperm.xlane v23, v7;
	v18 =	vadd.s32 v10, v18;
	v25 =	vld.idx.msk [tilespmem:v13+s13+$0x0], $0xffff  }
0x1f1: {  	v19 =	vadd.s32 v10, v19;
	v26 =	vld.idx.msk [tilespmem:v14+s13+$0x0], $0xffff  }
0x1f2: {  	v21 =	vperm.xlane v23, v8;
	v20 =	vadd.s32 v10, v20;
	v27 =	vld.idx.msk [tilespmem:v15+s13+$0x0], $0xffff  }
0x1f3: {  	v22 =	vperm.xlane v23, v9;
	v28 =	vld.idx.msk [tilespmem:v16+s13+$0x0], $0xffff  }
0x1f4: {  	v24 =	vperm.xlane v23, v11;
	v21 =	vadd.s32 v10, v21;
	v30 =	vld.idx.msk [tilespmem:v17+s13+$0x0], $0xffff  }
0x1f5: {  	v29 =	vperm.xlane v23, v12;
	v22 =	vadd.s32 v10, v22;
	v31 =	vld.idx.msk [tilespmem:v18+s13+$0x0], $0xffff  }
0x1f6: {  	v23 =	vadd.s32 v10, v24;
	v32 =	vld.idx.msk [tilespmem:v19+s13+$0x0], $0xffff  }
0x1f7: {  	s15 =	simm.s32 $0x800;
	v24 =	vadd.s32 v10, v29;
	v33 =	vld.idx.msk [tilespmem:v20+s13+$0x0], $0xffff;
	v25 =	vmax.f32 v25, v26  }
0x1f8: {  	v29 =	vld.idx.msk [tilespmem:v13+s15+$0x0], $0xffff;
	v26 =	vmax.f32 v25, v27  }
0x1f9: {  	v25 =	vld.idx.msk [tilespmem:v21+s13+$0x0], $0xffff;
	v27 =	vmax.f32 v26, v28  }
0x1fa: {  	v26 =	vld.idx.msk [tilespmem:v22+s13+$0x0], $0xffff;
	v28 =	vmax.f32 v27, v30  }
0x1fb: {  	v27 =	vld.idx.msk [tilespmem:v23+s13+$0x0], $0xffff;
	v30 =	vmax.f32 v28, v31  }
0x1fc: {  	v28 =	vld.idx.msk [tilespmem:v24+s13+$0x0], $0xffff;
	v31 =	vmax.f32 v30, v32  }
0x1fd: {  	s14 =	simm.s32 $0x40;
	s16 =	simm.s32 $0x80;
	v30 =	vld.idx.msk [tilespmem:v14+s15+$0x0], $0xffff;
	v31 =	vmax.f32 v31, v33  }
.LBB2_20:
0x1fe: {  	p0 =	sne.s32 s16, $0x7C0;
	v32 =	vld.idx.msk [tilespmem:v15+s15+$0x0], $0xffff;
	v25 =	vmax.f32 v31, v25  }
0x1ff: {  	v31 =	vld.idx.msk [tilespmem:v16+s15+$0x0], $0xffff;
	v25 =	vmax.f32 v25, v26  }
0x200: {  	v33 =	vld.idx.msk [tilespmem:v17+s15+$0x0], $0xffff;
	v25 =	vmax.f32 v25, v27  }
0x201: {  	s17 =	sshra.s32 s13, $0x2;
	s13 =	smov.u32 s14;
	s14 =	smov.u32 s16;
	v34 =	vld.idx.msk [tilespmem:v18+s15+$0x0], $0xffff;
	v25 =	vmax.f32 v25, v28  }
0x202: {  	v35 =	vld.idx.msk [tilespmem:v19+s15+$0x0], $0xffff;
	[tilespmem:s17+$0x112A0] =	vst v25  }
0x203: {  	v25 =	vmax.f32 v29, v30;
	v36 =	vld.idx.msk [tilespmem:v20+s15+$0x0], $0xffff  }
0x204: {  	v26 =	vmax.f32 v25, v32;
	v25 =	vld.idx.msk [tilespmem:v21+s15+$0x0], $0xffff  }
.Ltmp9:
0x205: {  	v27 =	vmax.f32 v26, v31;
	v26 =	vld.idx.msk [tilespmem:v22+s15+$0x0], $0xffff;
	(pc) =	sbr.rel @p0 .LBB2_20-.Ltmp9, $4  }
0x206: {  	v28 =	vmax.f32 v27, v33;
	v27 =	vld.idx.msk [tilespmem:v23+s15+$0x0], $0xffff  }
0x207: {  	v30 =	vmax.f32 v28, v34;
	v28 =	vld.idx.msk [tilespmem:v24+s15+$0x0], $0xffff;
	s15 =	sadd.s32 $0x800, s15  }
0x208: {  	v31 =	vmax.f32 v30, v35;
	v29 =	vld.idx.msk [tilespmem:v13+s15+$0x0], $0xffff  }
0x209: {  	s16 =	sadd.s32 $0x40, s16;
	v31 =	vmax.f32 v31, v36;
	v30 =	vld.idx.msk [tilespmem:v14+s15+$0x0], $0xffff  }
0x20a: {  	_ =	sdelay $0x3  }
0x20b: {  	v13 =	vld.idx.msk [tilespmem:v15+s15+$0x0], $0xffff  }
0x20c: {  	v14 =	vld.idx.msk [tilespmem:v16+s15+$0x0], $0xffff  }
0x20d: {  	v15 =	vld.idx.msk [tilespmem:v17+s15+$0x0], $0xffff  }
0x20e: {  	v16 =	vld.idx.msk [tilespmem:v18+s15+$0x0], $0xffff  }
0x20f: {  	v17 =	vld.idx.msk [tilespmem:v19+s15+$0x0], $0xffff;
	v18 =	vmax.f32 v29, v30  }
0x210: {  	v19 =	vld.idx.msk [tilespmem:v20+s15+$0x0], $0xffff;
	v13 =	vmax.f32 v18, v13  }
0x211: {  	v18 =	vld.idx.msk [tilespmem:v21+s15+$0x0], $0xffff;
	v13 =	vmax.f32 v13, v14  }
0x212: {  	v14 =	vld.idx.msk [tilespmem:v22+s15+$0x0], $0xffff;
	v13 =	vmax.f32 v13, v15  }
0x213: {  	v15 =	vld.idx.msk [tilespmem:v23+s15+$0x0], $0xffff;
	v13 =	vmax.f32 v13, v16  }
0x214: {  	v16 =	vld.idx.msk [tilespmem:v24+s15+$0x0], $0xffff;
	v13 =	vmax.f32 v13, v17  }
0x215: {  	v17 =	vmax.f32 v31, v25;
	v13 =	vmax.f32 v13, v19  }
0x216: {  	v17 =	vmax.f32 v17, v26;
	v13 =	vmax.f32 v13, v18  }
0x217: {  	v17 =	vmax.f32 v17, v27;
	v13 =	vmax.f32 v13, v14  }
0x218: {  	s13 =	sshra.s32 s13, $0x2;
	v14 =	vmax.f32 v17, v28;
	v13 =	vmax.f32 v13, v15  }
0x219: {  	s31 =	sshra.s32 s14, $0x2;
	[tilespmem:s13+$0x112A0] =	vst v14;
	v13 =	vmax.f32 v13, v16  }
0x21a: {  	[tilespmem:s31+$0x112A0] =	vst v13  }
0x21b: {  	v23 =	vld [tilespmem:$0x10078];
	_ =	sdelay $0x4  }
0x21c: {  	v13 =	vperm.xlane v23, v0  }
0x21d: {  	v14 =	vperm.xlane v23, v1  }
0x21e: {  	v15 =	vperm.xlane v23, v2;
	v13 =	vadd.s32 v10, v13  }
0x21f: {  	v16 =	vperm.xlane v23, v3;
	v14 =	vadd.s32 v10, v14  }
0x220: {  	v17 =	vperm.xlane v23, v4;
	v15 =	vadd.s32 v10, v15  }
0x221: {  	v18 =	vperm.xlane v23, v5;
	v16 =	vadd.s32 v10, v16  }
0x222: {  	s13 =	simm.s32 $0x0;
	v19 =	vperm.xlane v23, v6;
	v17 =	vadd.s32 v10, v17  }
0x223: {  	v20 =	vperm.xlane v23, v7;
	v18 =	vadd.s32 v10, v18;
	v25 =	vld.idx.msk [tilespmem:v13+s13+$0x0], $0xffff  }
0x224: {  	v19 =	vadd.s32 v10, v19;
	v26 =	vld.idx.msk [tilespmem:v14+s13+$0x0], $0xffff  }
0x225: {  	v21 =	vperm.xlane v23, v8;
	v20 =	vadd.s32 v10, v20;
	v27 =	vld.idx.msk [tilespmem:v15+s13+$0x0], $0xffff  }
0x226: {  	v22 =	vperm.xlane v23, v9;
	v28 =	vld.idx.msk [tilespmem:v16+s13+$0x0], $0xffff  }
0x227: {  	v24 =	vperm.xlane v23, v11;
	v21 =	vadd.s32 v10, v21;
	v30 =	vld.idx.msk [tilespmem:v17+s13+$0x0], $0xffff  }
0x228: {  	v29 =	vperm.xlane v23, v12;
	v22 =	vadd.s32 v10, v22;
	v31 =	vld.idx.msk [tilespmem:v18+s13+$0x0], $0xffff  }
0x229: {  	v23 =	vadd.s32 v10, v24;
	v32 =	vld.idx.msk [tilespmem:v19+s13+$0x0], $0xffff  }
0x22a: {  	s15 =	simm.s32 $0x800;
	v24 =	vadd.s32 v10, v29;
	v33 =	vld.idx.msk [tilespmem:v20+s13+$0x0], $0xffff;
	v25 =	vmax.f32 v25, v26  }
0x22b: {  	v29 =	vld.idx.msk [tilespmem:v13+s15+$0x0], $0xffff;
	v26 =	vmax.f32 v25, v27  }
0x22c: {  	v25 =	vld.idx.msk [tilespmem:v21+s13+$0x0], $0xffff;
	v27 =	vmax.f32 v26, v28  }
0x22d: {  	v26 =	vld.idx.msk [tilespmem:v22+s13+$0x0], $0xffff;
	v28 =	vmax.f32 v27, v30  }
0x22e: {  	v27 =	vld.idx.msk [tilespmem:v23+s13+$0x0], $0xffff;
	v30 =	vmax.f32 v28, v31  }
0x22f: {  	v28 =	vld.idx.msk [tilespmem:v24+s13+$0x0], $0xffff;
	v31 =	vmax.f32 v30, v32  }
0x230: {  	s14 =	simm.s32 $0x40;
	s16 =	simm.s32 $0x80;
	v30 =	vld.idx.msk [tilespmem:v14+s15+$0x0], $0xffff;
	v31 =	vmax.f32 v31, v33  }
.LBB2_22:
0x231: {  	p0 =	sne.s32 s16, $0x7C0;
	v32 =	vld.idx.msk [tilespmem:v15+s15+$0x0], $0xffff;
	v25 =	vmax.f32 v31, v25  }
0x232: {  	v31 =	vld.idx.msk [tilespmem:v16+s15+$0x0], $0xffff;
	v25 =	vmax.f32 v25, v26  }
0x233: {  	v33 =	vld.idx.msk [tilespmem:v17+s15+$0x0], $0xffff;
	v25 =	vmax.f32 v25, v27  }
0x234: {  	s17 =	sshra.s32 s13, $0x2;
	s13 =	smov.u32 s14;
	s14 =	smov.u32 s16;
	v34 =	vld.idx.msk [tilespmem:v18+s15+$0x0], $0xffff;
	v25 =	vmax.f32 v25, v28  }
0x235: {  	v35 =	vld.idx.msk [tilespmem:v19+s15+$0x0], $0xffff;
	[tilespmem:s17+$0x114A0] =	vst v25  }
0x236: {  	v25 =	vmax.f32 v29, v30;
	v36 =	vld.idx.msk [tilespmem:v20+s15+$0x0], $0xffff  }
0x237: {  	v26 =	vmax.f32 v25, v32;
	v25 =	vld.idx.msk [tilespmem:v21+s15+$0x0], $0xffff  }
.Ltmp10:
0x238: {  	v27 =	vmax.f32 v26, v31;
	v26 =	vld.idx.msk [tilespmem:v22+s15+$0x0], $0xffff;
	(pc) =	sbr.rel @p0 .LBB2_22-.Ltmp10, $4  }
0x239: {  	v28 =	vmax.f32 v27, v33;
	v27 =	vld.idx.msk [tilespmem:v23+s15+$0x0], $0xffff  }
0x23a: {  	v30 =	vmax.f32 v28, v34;
	v28 =	vld.idx.msk [tilespmem:v24+s15+$0x0], $0xffff;
	s15 =	sadd.s32 $0x800, s15  }
0x23b: {  	v31 =	vmax.f32 v30, v35;
	v29 =	vld.idx.msk [tilespmem:v13+s15+$0x0], $0xffff  }
0x23c: {  	s16 =	sadd.s32 $0x40, s16;
	v31 =	vmax.f32 v31, v36;
	v30 =	vld.idx.msk [tilespmem:v14+s15+$0x0], $0xffff  }
0x23d: {  	_ =	sdelay $0x3  }
0x23e: {  	v13 =	vld.idx.msk [tilespmem:v15+s15+$0x0], $0xffff  }
0x23f: {  	v14 =	vld.idx.msk [tilespmem:v16+s15+$0x0], $0xffff  }
0x240: {  	v15 =	vld.idx.msk [tilespmem:v17+s15+$0x0], $0xffff  }
0x241: {  	v16 =	vld.idx.msk [tilespmem:v18+s15+$0x0], $0xffff  }
0x242: {  	v17 =	vld.idx.msk [tilespmem:v19+s15+$0x0], $0xffff;
	v18 =	vmax.f32 v29, v30  }
0x243: {  	v19 =	vld.idx.msk [tilespmem:v20+s15+$0x0], $0xffff;
	v13 =	vmax.f32 v18, v13  }
0x244: {  	v18 =	vld.idx.msk [tilespmem:v21+s15+$0x0], $0xffff;
	v13 =	vmax.f32 v13, v14  }
0x245: {  	v14 =	vld.idx.msk [tilespmem:v22+s15+$0x0], $0xffff;
	v13 =	vmax.f32 v13, v15  }
0x246: {  	v15 =	vld.idx.msk [tilespmem:v23+s15+$0x0], $0xffff;
	v13 =	vmax.f32 v13, v16  }
0x247: {  	v16 =	vld.idx.msk [tilespmem:v24+s15+$0x0], $0xffff;
	v13 =	vmax.f32 v13, v17  }
0x248: {  	v17 =	vmax.f32 v31, v25;
	v13 =	vmax.f32 v13, v19  }
0x249: {  	v17 =	vmax.f32 v17, v26;
	v13 =	vmax.f32 v13, v18  }
0x24a: {  	v17 =	vmax.f32 v17, v27;
	v13 =	vmax.f32 v13, v14  }
0x24b: {  	s13 =	sshra.s32 s13, $0x2;
	v14 =	vmax.f32 v17, v28;
	v13 =	vmax.f32 v13, v15  }
0x24c: {  	s31 =	sshra.s32 s14, $0x2;
	[tilespmem:s13+$0x114A0] =	vst v14;
	v13 =	vmax.f32 v13, v16  }
0x24d: {  	[tilespmem:s31+$0x114A0] =	vst v13  }
0x24e: {  	v23 =	vld [tilespmem:$0x10084];
	_ =	sdelay $0x4  }
0x24f: {  	v13 =	vperm.xlane v23, v0  }
0x250: {  	v14 =	vperm.xlane v23, v1  }
0x251: {  	v15 =	vperm.xlane v23, v2;
	v13 =	vadd.s32 v10, v13  }
0x252: {  	v16 =	vperm.xlane v23, v3;
	v14 =	vadd.s32 v10, v14  }
0x253: {  	v17 =	vperm.xlane v23, v4;
	v15 =	vadd.s32 v10, v15  }
0x254: {  	v18 =	vperm.xlane v23, v5;
	v16 =	vadd.s32 v10, v16  }
0x255: {  	s13 =	simm.s32 $0x0;
	v19 =	vperm.xlane v23, v6;
	v17 =	vadd.s32 v10, v17  }
0x256: {  	v20 =	vperm.xlane v23, v7;
	v18 =	vadd.s32 v10, v18;
	v25 =	vld.idx.msk [tilespmem:v13+s13+$0x0], $0xffff  }
0x257: {  	v19 =	vadd.s32 v10, v19;
	v26 =	vld.idx.msk [tilespmem:v14+s13+$0x0], $0xffff  }
0x258: {  	v21 =	vperm.xlane v23, v8;
	v20 =	vadd.s32 v10, v20;
	v27 =	vld.idx.msk [tilespmem:v15+s13+$0x0], $0xffff  }
0x259: {  	v22 =	vperm.xlane v23, v9;
	v28 =	vld.idx.msk [tilespmem:v16+s13+$0x0], $0xffff  }
0x25a: {  	v24 =	vperm.xlane v23, v11;
	v21 =	vadd.s32 v10, v21;
	v30 =	vld.idx.msk [tilespmem:v17+s13+$0x0], $0xffff  }
0x25b: {  	v29 =	vperm.xlane v23, v12;
	v22 =	vadd.s32 v10, v22;
	v31 =	vld.idx.msk [tilespmem:v18+s13+$0x0], $0xffff  }
0x25c: {  	v23 =	vadd.s32 v10, v24;
	v32 =	vld.idx.msk [tilespmem:v19+s13+$0x0], $0xffff  }
0x25d: {  	s15 =	simm.s32 $0x800;
	v24 =	vadd.s32 v10, v29;
	v33 =	vld.idx.msk [tilespmem:v20+s13+$0x0], $0xffff;
	v25 =	vmax.f32 v25, v26  }
0x25e: {  	v29 =	vld.idx.msk [tilespmem:v13+s15+$0x0], $0xffff;
	v26 =	vmax.f32 v25, v27  }
0x25f: {  	v25 =	vld.idx.msk [tilespmem:v21+s13+$0x0], $0xffff;
	v27 =	vmax.f32 v26, v28  }
0x260: {  	v26 =	vld.idx.msk [tilespmem:v22+s13+$0x0], $0xffff;
	v28 =	vmax.f32 v27, v30  }
0x261: {  	v27 =	vld.idx.msk [tilespmem:v23+s13+$0x0], $0xffff;
	v30 =	vmax.f32 v28, v31  }
0x262: {  	v28 =	vld.idx.msk [tilespmem:v24+s13+$0x0], $0xffff;
	v31 =	vmax.f32 v30, v32  }
0x263: {  	s14 =	simm.s32 $0x40;
	s16 =	simm.s32 $0x80;
	v30 =	vld.idx.msk [tilespmem:v14+s15+$0x0], $0xffff;
	v31 =	vmax.f32 v31, v33  }
.LBB2_24:
0x264: {  	p0 =	sne.s32 s16, $0x7C0;
	v32 =	vld.idx.msk [tilespmem:v15+s15+$0x0], $0xffff;
	v25 =	vmax.f32 v31, v25  }
0x265: {  	v31 =	vld.idx.msk [tilespmem:v16+s15+$0x0], $0xffff;
	v25 =	vmax.f32 v25, v26  }
0x266: {  	v33 =	vld.idx.msk [tilespmem:v17+s15+$0x0], $0xffff;
	v25 =	vmax.f32 v25, v27  }
0x267: {  	s17 =	sshra.s32 s13, $0x2;
	s13 =	smov.u32 s14;
	s14 =	smov.u32 s16;
	v34 =	vld.idx.msk [tilespmem:v18+s15+$0x0], $0xffff;
	v25 =	vmax.f32 v25, v28  }
0x268: {  	v35 =	vld.idx.msk [tilespmem:v19+s15+$0x0], $0xffff;
	[tilespmem:s17+$0x116A0] =	vst v25  }
0x269: {  	v25 =	vmax.f32 v29, v30;
	v36 =	vld.idx.msk [tilespmem:v20+s15+$0x0], $0xffff  }
0x26a: {  	v26 =	vmax.f32 v25, v32;
	v25 =	vld.idx.msk [tilespmem:v21+s15+$0x0], $0xffff  }
.Ltmp11:
0x26b: {  	v27 =	vmax.f32 v26, v31;
	v26 =	vld.idx.msk [tilespmem:v22+s15+$0x0], $0xffff;
	(pc) =	sbr.rel @p0 .LBB2_24-.Ltmp11, $4  }
0x26c: {  	v28 =	vmax.f32 v27, v33;
	v27 =	vld.idx.msk [tilespmem:v23+s15+$0x0], $0xffff  }
0x26d: {  	v30 =	vmax.f32 v28, v34;
	v28 =	vld.idx.msk [tilespmem:v24+s15+$0x0], $0xffff;
	s15 =	sadd.s32 $0x800, s15  }
0x26e: {  	v31 =	vmax.f32 v30, v35;
	v29 =	vld.idx.msk [tilespmem:v13+s15+$0x0], $0xffff  }
0x26f: {  	s16 =	sadd.s32 $0x40, s16;
	v31 =	vmax.f32 v31, v36;
	v30 =	vld.idx.msk [tilespmem:v14+s15+$0x0], $0xffff  }
0x270: {  	_ =	sdelay $0x3  }
0x271: {  	v13 =	vld.idx.msk [tilespmem:v15+s15+$0x0], $0xffff  }
0x272: {  	v14 =	vld.idx.msk [tilespmem:v16+s15+$0x0], $0xffff  }
0x273: {  	v15 =	vld.idx.msk [tilespmem:v17+s15+$0x0], $0xffff  }
0x274: {  	v16 =	vld.idx.msk [tilespmem:v18+s15+$0x0], $0xffff  }
0x275: {  	v17 =	vld.idx.msk [tilespmem:v19+s15+$0x0], $0xffff;
	v18 =	vmax.f32 v29, v30  }
0x276: {  	v19 =	vld.idx.msk [tilespmem:v20+s15+$0x0], $0xffff;
	v13 =	vmax.f32 v18, v13  }
0x277: {  	v18 =	vld.idx.msk [tilespmem:v21+s15+$0x0], $0xffff;
	v13 =	vmax.f32 v13, v14  }
0x278: {  	v14 =	vld.idx.msk [tilespmem:v22+s15+$0x0], $0xffff;
	v13 =	vmax.f32 v13, v15  }
0x279: {  	v15 =	vld.idx.msk [tilespmem:v23+s15+$0x0], $0xffff;
	v13 =	vmax.f32 v13, v16  }
0x27a: {  	v16 =	vld.idx.msk [tilespmem:v24+s15+$0x0], $0xffff;
	v13 =	vmax.f32 v13, v17  }
0x27b: {  	v17 =	vmax.f32 v31, v25;
	v13 =	vmax.f32 v13, v19  }
0x27c: {  	v17 =	vmax.f32 v17, v26;
	v13 =	vmax.f32 v13, v18  }
0x27d: {  	v17 =	vmax.f32 v17, v27;
	v13 =	vmax.f32 v13, v14  }
0x27e: {  	s13 =	sshra.s32 s13, $0x2;
	v14 =	vmax.f32 v17, v28;
	v13 =	vmax.f32 v13, v15  }
0x27f: {  	s31 =	sshra.s32 s14, $0x2;
	[tilespmem:s13+$0x116A0] =	vst v14;
	v13 =	vmax.f32 v13, v16  }
0x280: {  	s14 =	simm.s32 $0xFFFFFE00;
	[tilespmem:s31+$0x116A0] =	vst v13  }
0x281: {  	v13 =	vld [tilespmem:s14+$0x102A0]  }
0x282: {  	v14 =	vld [tilespmem:s14+$0x104A0]  }
0x283: {  	v15 =	vld [tilespmem:s14+$0x106A0]  }
0x284: {  	v16 =	vld [tilespmem:s14+$0x108A0]  }
0x285: {  	v17 =	vld [tilespmem:s14+$0x10AA0]  }
0x286: {  	v18 =	vld [tilespmem:s14+$0x10CA0]  }
0x287: {  	v20 =	vld [tilespmem:s14+$0x10EA0];
	v19 =	vmax.f32 v13, v14  }
0x288: {  	v21 =	vld [tilespmem:s14+$0x110A0];
	v19 =	vmax.f32 v19, v15  }
0x289: {  	v22 =	vld [tilespmem:s14+$0x112A0];
	v19 =	vmax.f32 v19, v16  }
0x28a: {  	v23 =	vld [tilespmem:s14+$0x114A0];
	v19 =	vmax.f32 v19, v17  }
0x28b: {  	v24 =	vld [tilespmem:s14+$0x116A0];
	v19 =	vmax.f32 v19, v18  }
0x28c: {  	v25 =	vld [tilespmem:s14+$0x118A0];
	v19 =	vmax.f32 v19, v20  }
0x28d: {  	v19 =	vmax.f32 v19, v21  }
0x28e: {  	v19 =	vmax.f32 v19, v22  }
0x28f: {  	v19 =	vmax.f32 v19, v23  }
0x290: {  	v19 =	vmax.f32 v19, v24  }
0x291: {  	s13 =	simm.s32 $0xFFFFFE10;
	v19 =	vmax.f32 v19, v25  }
0x292: {  	v26 =	vld [tilespmem:s13+$0x102A0];
	v13 =	vsub.f32 v13, v19  }
0x293: {  	v27 =	vld [tilespmem:s13+$0x104A0];
	v14 =	vsub.f32 v14, v19  }
0x294: {  	v28 =	vld [tilespmem:s13+$0x106A0];
	v13 =	vmul.f32 $1.442695020e+00, v13  }
0x295: {  	v29 =	vld [tilespmem:s13+$0x108A0];
	v15 =	vsub.f32 v15, v19;
	v14 =	vmul.f32 $1.442695020e+00, v14  }
0x296: {  	v31 =	vld [tilespmem:s13+$0x10AA0];
	(erf) = vpow2.f32 v13  }
0x297: {  	v15 =	vmul.f32 $1.442695020e+00, v15;
	v13 =	vsub.f32 v16, v19;
	v16 =	vld [tilespmem:s13+$0x10CA0];
	(erf) = vpow2.f32 v14  }
0x298: {  	v30 =	vmax.f32 v26, v27;
	v17 =	vsub.f32 v17, v19  }
0x299: {  	v30 =	vmax.f32 v30, v28;
	v13 =	vmul.f32 $1.442695020e+00, v13;
	(erf) = vpow2.f32 v15  }
0x29a: {  	v17 =	vmul.f32 $1.442695020e+00, v17;
	v14 =	vmax.f32 v30, v29  }
0x29b: {  	v30 =	vld [tilespmem:s13+$0x10EA0];
	v14 =	vmax.f32 v14, v31;
	v15 =	vsub.f32 v18, v19;
	(erf) = vpow2.f32 v13  }
0x29c: {  	v13 =	vmax.f32 v14, v16  }
0x29d: {  	v33 =	vld [tilespmem:s13+$0x110A0];
	v14 =	vmul.f32 $1.442695020e+00, v15;
	v15 =	vsub.f32 v20, v19;
	(erf) = vpow2.f32 v17;
	_ =	sdelay $0x1  }
0x29e: {  	v34 =	vld [tilespmem:s13+$0x112A0];
	(erf) = vpow2.f32 v14;
	v14 =	vmul.f32 $1.442695020e+00, v15;
	v15 =	vsub.f32 v21, v19;
	v41 =	vpop (erf)  }
0x29f: {  	v20 =	vld [tilespmem:s13+$0x114A0];
	v17 =	vsub.f32 v22, v19;
	v13 =	vmax.f32 v13, v30;
	v42 =	vpop (erf)  }
0x2a0: {  	v35 =	vld [tilespmem:s13+$0x116A0];
	v15 =	vmul.f32 $1.442695020e+00, v15;
	(erf) = vpow2.f32 v14;
	v18 =	vadd.f32 v42, v41  }
0x2a1: {  	v13 =	vmax.f32 v13, v33;
	v14 =	vsub.f32 v23, v19;
	v23 =	vld [tilespmem:s13+$0x118A0];
	v44 =	vpop (erf)  }
0x2a2: {  	v17 =	vmul.f32 $1.442695020e+00, v17;
	(erf) = vpow2.f32 v15;
	v18 =	vadd.f32 v18, v44  }
0x2a3: {  	v13 =	vmax.f32 v13, v34;
	v15 =	vsub.f32 v24, v19;
	v14 =	vmul.f32 $1.442695020e+00, v14;
	v38 =	vpop (erf)  }
0x2a4: {  	s15 =	simm.s32 $0xFFFFFE20;
	v13 =	vmax.f32 v13, v20;
	v18 =	vadd.f32 v18, v38  }
0x2a5: {  	v45 =	vld [tilespmem:s15+$0x102A0];
	v13 =	vmax.f32 v13, v35;
	(erf) = vpow2.f32 v17;
	v15 =	vmul.f32 $1.442695020e+00, v15;
	v43 =	vpop (erf)  }
0x2a6: {  	v46 =	vld [tilespmem:s15+$0x104A0];
	(erf) = vpow2.f32 v14;
	v24 =	vmax.f32 v13, v23;
	v18 =	vadd.f32 v18, v43  }
0x2a7: {  	v17 =	vsub.f32 v25, v19;
	(erf) = vpow2.f32 v15;
	v14 =	vpop (erf);
	v15 =	vsub.f32 v26, v24  }
0x2a8: {  	v18 =	vadd.f32 v18, v14  }
0x2a9: {  	v47 =	vld [tilespmem:s15+$0x106A0];
	v17 =	vmul.f32 $1.442695020e+00, v17;
	v13 =	vpop (erf)  }
0x2aa: {  	v19 =	vsub.f32 v27, v24;
	v18 =	vadd.f32 v18, v13  }
0x2ab: {  	v48 =	vld [tilespmem:s15+$0x108A0];
	(erf) = vpow2.f32 v17;
	v17 =	vmax.f32 v45, v46;
	v21 =	vmul.f32 $1.442695020e+00, v15;
	v15 =	vpop (erf)  }
0x2ac: {  	v18 =	vadd.f32 v18, v15  }
0x2ad: {  	v49 =	vld [tilespmem:s15+$0x10AA0];
	v22 =	vsub.f32 v28, v24;
	v19 =	vmul.f32 $1.442695020e+00, v19  }
0x2ae: {  	v26 =	vsub.f32 v29, v24;
	v25 =	vmax.f32 v17, v47;
	(erf) = vpow2.f32 v21;
	v17 =	vpop (erf)  }
0x2af: {  	v50 =	vld [tilespmem:s15+$0x10CA0];
	v21 =	vmul.f32 $1.442695020e+00, v22;
	(erf) = vpow2.f32 v19;
	v19 =	vadd.f32 v18, v17  }
0x2b0: {  	v39 =	vld [tilespmem:s15+$0x10EA0];
	v26 =	vmul.f32 $1.442695020e+00, v26;
	v22 =	vmax.f32 v25, v48;
	v18 =	vpop (erf)  }
0x2b1: {  	v25 =	vsub.f32 v31, v24;
	(erf) = vpow2.f32 v21;
	v19 =	vadd.f32 v19, v18  }
0x2b2: {  	v21 =	vmax.f32 v22, v49;
	v22 =	vsub.f32 v16, v24;
	v16 =	vpop (erf)  }
0x2b3: {  	v29 =	vld [tilespmem:s15+$0x110A0];
	v25 =	vmul.f32 $1.442695020e+00, v25;
	(erf) = vpow2.f32 v26;
	v19 =	vadd.f32 v19, v16  }
0x2b4: {  	v27 =	vsub.f32 v30, v24;
	v21 =	vmax.f32 v21, v50;
	v22 =	vmul.f32 $1.442695020e+00, v22;
	v26 =	vpop (erf)  }
0x2b5: {  	v32 =	vld [tilespmem:s15+$0x112A0];
	(erf) = vpow2.f32 v25;
	v21 =	vmax.f32 v21, v39;
	v25 =	vadd.f32 v19, v26  }
0x2b6: {  	v31 =	vld [tilespmem:s15+$0x114A0];
	(erf) = vpow2.f32 v22;
	v22 =	vmul.f32 $1.442695020e+00, v27  }
0x2b7: {  	v27 =	vsub.f32 v33, v24;
	v19 =	vpop (erf);
	(erf) = vrcp.f32 v25  }
0x2b8: {  	v28 =	vsub.f32 v34, v24;
	v25 =	vmax.f32 v21, v29;
	v21 =	vpop (erf)  }
0x2b9: {  	v34 =	vld [tilespmem:s15+$0x116A0];
	v27 =	vmul.f32 $1.442695020e+00, v27;
	(erf) = vpow2.f32 v22;
	v30 =	vadd.f32 v21, v19  }
0x2ba: {  	v36 =	vsub.f32 v20, v24;
	v33 =	vld [tilespmem:s15+$0x118A0];
	v25 =	vmax.f32 v25, v32;
	v22 =	vpop (erf)  }
0x2bb: {  	(erf) = vpow2.f32 v27;
	v25 =	vmax.f32 v25, v31;
	v30 =	vadd.f32 v30, v22  }
0x2bc: {  	v23 =	vsub.f32 v23, v24;
	v28 =	vmul.f32 $1.442695020e+00, v28;
	v27 =	vsub.f32 v35, v24;
	v20 =	vpop (erf)  }
0x2bd: {  	s16 =	simm.s32 $0xFFFFFE30;
	v58 =	vmul.f32 $1.442695020e+00, v36;
	v30 =	vadd.f32 v30, v20  }
0x2be: {  	v37 =	vld [tilespmem:s16+$0x104A0];
	(erf) = vpow2.f32 v28;
	v28 =	vmax.f32 v25, v34;
	v27 =	vmul.f32 $1.442695020e+00, v27;
	v25 =	vpop (erf)  }
0x2bf: {  	v36 =	vld [tilespmem:s16+$0x102A0];
	v35 =	vmax.f32 v28, v33;
	v24 =	vpop (erf);
	(erf) = vpow2.f32 v58;
	v30 =	vadd.f32 v30, v25  }
0x2c0: {  	v28 =	vmul.f32 $1.442695020e+00, v23;
	v23 =	vpop (erf);
	(erf) = vpow2.f32 v27;
	v27 =	vsub.f32 v45, v35  }
0x2c1: {  	v30 =	vadd.f32 v30, v24  }
0x2c2: {  	v40 =	vld [tilespmem:s16+$0x106A0];
	v51 =	vmul.f32 v23, v26;
	v26 =	vpop (erf)  }
0x2c3: {  	v46 =	vsub.f32 v46, v35;
	v30 =	vadd.f32 v30, v26  }
0x2c4: {  	(erf) = vpow2.f32 v28;
	v28 =	vmax.f32 v36, v37;
	v52 =	vmul.f32 $1.442695020e+00, v27;
	v27 =	vpop (erf)  }
0x2c5: {  	v47 =	vsub.f32 v47, v35;
	v59 =	vmul.f32 v23, v42;
	v42 =	vld [tilespmem:s16+$0x108A0];
	v30 =	vadd.f32 v30, v27  }
0x2c6: {  	v48 =	vsub.f32 v48, v35;
	v41 =	vmul.f32 v23, v41;
	v53 =	vmul.f32 v23, v44;
	v44 =	vld [tilespmem:s16+$0x10AA0]  }
0x2c7: {  	v50 =	vsub.f32 v50, v35;
	v46 =	vmul.f32 $1.442695020e+00, v46;
	v60 =	vmax.f32 v28, v40;
	[tilespmem:s14+$0x118A0] =	vst v51;
	v28 =	vpop (erf)  }
0x2c8: {  	v61 =	vmul.f32 $1.442695020e+00, v47;
	[tilespmem:s14+$0x102A0] =	vst v41;
	(erf) = vpow2.f32 v52;
	v62 =	vadd.f32 v30, v28  }
0x2c9: {  	v45 =	vsub.f32 v49, v35;
	v54 =	vmul.f32 v23, v38;
	[tilespmem:s14+$0x104A0] =	vst v59;
	(erf) = vpow2.f32 v46;
	v46 =	vld [tilespmem:s16+$0x10CA0];
	v30 =	vpop (erf)  }
0x2ca: {  	v49 =	vmul.f32 $1.442695020e+00, v48;
	[tilespmem:s14+$0x106A0] =	vst v53;
	v63 =	vmax.f32 v60, v42;
	v51 =	vadd.f32 v62, v30  }
0x2cb: {  	s17 =	simm.s32 $0xFFFFF900;
	v38 =	vld [tilespmem:s16+$0x10EA0];
	v47 =	vmul.f32 v23, v43;
	[tilespmem:s14+$0x108A0] =	vst v54;
	(erf) = vpow2.f32 v61;
	v48 =	vmax.f32 v63, v44;
	v41 =	vpop (erf)  }
.LBB2_26:
0x2cc: {  	v53 =	vmul.f32 $1.442695020e+00, v45;
	(erf) = vpow2.f32 v49;
	v49 =	vadd.f32 v51, v41;
	v43 =	vmovc v25  }
0x2cd: {  	p0 =	sne.s32 s17, $0xFFFFFFC0;
	v52 =	vld [tilespmem:s16+$0x110A0];
	v51 =	vmovc v40;
	v54 =	vmovc v42;
	v45 =	vmov v44;
	v40 =	vmov v16;
	v16 =	vmov v41  }
0x2ce: {  	v25 =	vmax.f32 v48, v46;
	v42 =	vmul.f32 $1.442695020e+00, v50;
	v44 =	vpop (erf);
	[tilespmem:s14+$0x10AA0] =	vst v47;
	v47 =	vmul.f32 v23, v14  }
0x2cf: {  	v39 =	vsub.f32 v39, v35;
	v14 =	vmovc v24;
	v41 =	vmovc v46;
	v48 =	vld [tilespmem:s16+$0x112A0];
	(erf) = vpow2.f32 v53;
	v49 =	vadd.f32 v49, v44  }
0x2d0: {  	v24 =	vmax.f32 v25, v38;
	(erf) = vpow2.f32 v42;
	[tilespmem:s14+$0x10CA0] =	vst v47;
	v25 =	vmul.f32 v23, v13;
	v13 =	vmovc v26  }
0x2d1: {  	v39 =	vmul.f32 $1.442695020e+00, v39;
	v53 =	vsub.f32 v29, v35;
	v26 =	vld [tilespmem:s16+$0x114A0];
	v46 =	vpop (erf);
	(erf) = vrcp.f32 v49  }
0x2d2: {  	v55 =	vsub.f32 v32, v35;
	v24 =	vmax.f32 v24, v52;
	v47 =	vpop (erf);
	[tilespmem:s14+$0x10EA0] =	vst v25;
	v25 =	vmul.f32 v23, v15  }
0x2d3: {  	v49 =	vmul.f32 $1.442695020e+00, v53;
	v29 =	vmovc v52;
	v15 =	vmovc v27;
	v42 =	vld [tilespmem:s16+$0x116A0];
	v50 =	vadd.f32 v47, v46;
	(erf) = vpow2.f32 v39  }
0x2d4: {  	v27 =	vsub.f32 v31, v35;
	v24 =	vmax.f32 v24, v48;
	v52 =	vpop (erf);
	[tilespmem:s14+$0x110A0] =	vst v25;
	v25 =	vmul.f32 v23, v17  }
0x2d5: {  	v53 =	vmul.f32 $1.442695020e+00, v55;
	v32 =	vmovc v48;
	v17 =	vmovc v28;
	v39 =	vld [tilespmem:s16+$0x118A0];
	v50 =	vadd.f32 v50, v52;
	(erf) = vpow2.f32 v49  }
0x2d6: {  	v28 =	vsub.f32 v34, v35;
	v34 =	vmul.f32 v23, v18;
	v24 =	vmax.f32 v24, v26;
	v48 =	vpop (erf);
	[tilespmem:s14+$0x112A0] =	vst v25  }
0x2d7: {  	s18 =	sshra.s32 s17, $0x2;
	v27 =	vmul.f32 $1.442695020e+00, v27;
	v18 =	vmovc v30;
	v31 =	vmovc v26;
	v49 =	vadd.f32 v50, v48;
	(erf) = vpow2.f32 v53  }
0x2d8: {  	v40 =	vmul.f32 v23, v40;
	v53 =	vsub.f32 v33, v35;
	v30 =	vld [tilespmem:s18+$0x102A0];
	v26 =	vmax.f32 v24, v42;
	v25 =	vpop (erf);
	[tilespmem:s14+$0x114A0] =	vst v34  }
0x2d9: {  	v28 =	vmul.f32 $1.442695020e+00, v28;
	v50 =	vld [tilespmem:s18+$0x104A0];
	v49 =	vadd.f32 v49, v25;
	v24 =	vpop (erf);
	(erf) = vpow2.f32 v27  }
0x2da: {  	v34 =	vmov v42;
	v27 =	vmul.f32 $1.442695020e+00, v53;
	v35 =	vmax.f32 v26, v39;
	v23 =	vpop (erf);
	[tilespmem:s14+$0x116A0] =	vst v40;
	s14 =	smov.u32 s13;
	s13 =	smov.u32 s15;
	s15 =	smov.u32 s16  }
0x2db: {  	v33 =	vmovc v39;
	v39 =	vmovc v38;
	s16 =	smov.u32 s18;
	v40 =	vld [tilespmem:s18+$0x106A0];
	v49 =	vadd.f32 v49, v24;
	(erf) = vpow2.f32 v28;
	v28 =	vmul.f32 v23, v44  }
0x2dc: {  	v36 =	vsub.f32 v36, v35;
	v38 =	vmul.f32 v23, v19;
	v53 =	vmul.f32 v23, v21;
	v26 =	vpop (erf)  }
0x2dd: {  	v37 =	vsub.f32 v37, v35;
	v19 =	vmovc v46;
	v42 =	vld [tilespmem:s16+$0x108A0];
	v49 =	vadd.f32 v49, v26;
	(erf) = vpow2.f32 v27;
	[tilespmem:s14+$0x118A0] =	vst v28  }
0x2de: {  	v55 =	vmul.f32 v23, v22;
	v56 =	vmul.f32 $1.442695020e+00, v36;
	v46 =	vmax.f32 v30, v50;
	v27 =	vpop (erf);
	[tilespmem:s14+$0x102A0] =	vst v38  }
0x2df: {  	v21 =	vmovc v47;
	v37 =	vmul.f32 $1.442695020e+00, v37;
	v38 =	vsub.f32 v51, v35;
	v44 =	vld [tilespmem:s16+$0x10AA0];
	v49 =	vadd.f32 v49, v27;
	[tilespmem:s14+$0x104A0] =	vst v53  }
.Ltmp12:
0x2e0: {  	v51 =	vsub.f32 v54, v35;
	v47 =	vmax.f32 v46, v40;
	(erf) = vpow2.f32 v56;
	v28 =	vpop (erf);
	[tilespmem:s14+$0x106A0] =	vst v55;
	(pc) =	sbr.rel @p0 .LBB2_26-.Ltmp12, $4  }
0x2e1: {  	v22 =	vmovc v52;
	v36 =	vmovc v30;
	v53 =	vmul.f32 $1.442695020e+00, v38;
	v46 =	vld [tilespmem:s16+$0x10CA0];
	(erf) = vpow2.f32 v37;
	v54 =	vadd.f32 v49, v28  }
0x2e2: {  	v45 =	vsub.f32 v45, v35;
	v52 =	vmul.f32 v23, v20;
	v47 =	vmax.f32 v47, v42;
	v30 =	vpop (erf)  }
0x2e3: {  	v20 =	vmovc v48;
	v49 =	vmul.f32 $1.442695020e+00, v51;
	v37 =	vmovc v50;
	v38 =	vld [tilespmem:s16+$0x10EA0];
	(erf) = vpow2.f32 v53;
	v51 =	vadd.f32 v54, v30  }
0x2e4: {  	s17 =	sadd.s32 $0x40, s17;
	v50 =	vsub.f32 v41, v35;
	v48 =	vmax.f32 v47, v44;
	v41 =	vpop (erf);
	[tilespmem:s14+$0x108A0] =	vst v52;
	v47 =	vmul.f32 v23, v43  }
0x2e5: {  	v45 =	vmul.f32 $1.442695020e+00, v45;
	(erf) = vpow2.f32 v49  }
0x2e6: {  	v63 =	vadd.f32 v51, v41  }
0x2e7: {  	v43 =	vld [tilespmem:s16+$0x110A0];
	v39 =	vsub.f32 v39, v35;
	v50 =	vmul.f32 $1.442695020e+00, v50;
	v51 =	vpop (erf);
	(erf) = vpow2.f32 v45  }
0x2e8: {  	v56 =	vsub.f32 v29, v35;
	v55 =	vadd.f32 v63, v51  }
0x2e9: {  	v52 =	vld [tilespmem:s16+$0x112A0];
	v48 =	vmax.f32 v48, v46;
	v39 =	vmul.f32 $1.442695020e+00, v39;
	(erf) = vpow2.f32 v50;
	v29 =	vpop (erf)  }
0x2ea: {  	v49 =	vld [tilespmem:s16+$0x114A0];
	v58 =	vsub.f32 v32, v35;
	v48 =	vmax.f32 v48, v38;
	(erf) = vrcp.f32 v55;
	v32 =	vpop (erf)  }
0x2eb: {  	v53 =	vld [tilespmem:s16+$0x116A0];
	v50 =	vmul.f32 $1.442695020e+00, v56;
	(erf) = vpow2.f32 v39;
	v54 =	vadd.f32 v32, v29  }
0x2ec: {  	v60 =	vsub.f32 v31, v35;
	v55 =	vld [tilespmem:s16+$0x118A0];
	v57 =	vmax.f32 v48, v43;
	v31 =	vpop (erf)  }
0x2ed: {  	v48 =	vmul.f32 $1.442695020e+00, v58;
	(erf) = vpow2.f32 v50;
	v54 =	vadd.f32 v54, v31  }
0x2ee: {  	v61 =	vsub.f32 v34, v35;
	v45 =	vmul.f32 $1.442695020e+00, v60;
	v59 =	vmax.f32 v57, v52;
	v34 =	vpop (erf)  }
0x2ef: {  	v39 =	vmax.f32 v59, v49;
	(erf) = vpow2.f32 v48;
	v54 =	vadd.f32 v54, v34  }
0x2f0: {  	v62 =	vsub.f32 v33, v35;
	v50 =	vmul.f32 $1.442695020e+00, v61;
	v39 =	vmax.f32 v39, v53;
	v33 =	vpop (erf)  }
0x2f1: {  	v39 =	vmax.f32 v39, v55;
	(erf) = vpow2.f32 v45;
	v54 =	vadd.f32 v54, v33  }
0x2f2: {  	v63 =	vmul.f32 $1.442695020e+00, v62;
	v37 =	vsub.f32 v37, v39;
	v35 =	vpop (erf)  }
0x2f3: {  	v36 =	vsub.f32 v36, v39;
	v48 =	vpop (erf);
	(erf) = vpow2.f32 v50;
	v54 =	vadd.f32 v54, v35  }
0x2f4: {  	v40 =	vsub.f32 v40, v39;
	v37 =	vmul.f32 $1.442695020e+00, v37;
	v50 =	vpop (erf)  }
0x2f5: {  	v36 =	vmul.f32 $1.442695020e+00, v36;
	(erf) = vpow2.f32 v63;
	v54 =	vadd.f32 v54, v50  }
0x2f6: {  	v42 =	vsub.f32 v42, v39;
	v40 =	vmul.f32 $1.442695020e+00, v40;
	v45 =	vpop (erf)  }
0x2f7: {  	(erf) = vpow2.f32 v36;
	v54 =	vadd.f32 v54, v45  }
0x2f8: {  	v44 =	vsub.f32 v44, v39;
	v42 =	vmul.f32 $1.442695020e+00, v42;
	(erf) = vpow2.f32 v37;
	v37 =	vpop (erf)  }
0x2f9: {  	v36 =	vadd.f32 v54, v37  }
0x2fa: {  	v44 =	vmul.f32 $1.442695020e+00, v44;
	(erf) = vpow2.f32 v40;
	v40 =	vpop (erf)  }
0x2fb: {  	v36 =	vadd.f32 v36, v40  }
0x2fc: {  	v56 =	vsub.f32 v46, v39;
	(erf) = vpow2.f32 v42;
	v42 =	vpop (erf)  }
0x2fd: {  	v36 =	vadd.f32 v36, v42  }
0x2fe: {  	v46 =	vmul.f32 $1.442695020e+00, v56;
	(erf) = vpow2.f32 v44;
	v44 =	vpop (erf)  }
0x2ff: {  	v43 =	vsub.f32 v43, v39;
	v36 =	vadd.f32 v36, v44  }
0x300: {  	v57 =	vsub.f32 v38, v39  }
0x301: {  	v52 =	vsub.f32 v52, v39;
	v43 =	vmul.f32 $1.442695020e+00, v43  }
0x302: {  	v38 =	vmul.f32 $1.442695020e+00, v57;
	(erf) = vpow2.f32 v46;
	v46 =	vpop (erf)  }
0x303: {  	v52 =	vmul.f32 $1.442695020e+00, v52;
	(erf) = vrcp.f32 v36;
	v36 =	vpop (erf)  }
0x304: {  	(erf) = vpow2.f32 v38;
	v58 =	vadd.f32 v36, v46  }
0x305: {  	v14 =	vmul.f32 v23, v14;
	(erf) = vpow2.f32 v43;
	v43 =	vpop (erf)  }
0x306: {  	v13 =	vmul.f32 v23, v13;
	v49 =	vsub.f32 v49, v39;
	v38 =	vadd.f32 v58, v43  }
0x307: {  	v15 =	vmul.f32 v23, v15;
	[tilespmem:s14+$0x10CA0] =	vst v14;
	v14 =	vsub.f32 v53, v39;
	(erf) = vpow2.f32 v52;
	v52 =	vpop (erf)  }
0x308: {  	[tilespmem:s14+$0x10EA0] =	vst v13;
	v13 =	vmul.f32 v23, v17;
	v59 =	vmul.f32 $1.442695020e+00, v49;
	v38 =	vadd.f32 v38, v52  }
0x309: {  	[tilespmem:s14+$0x110A0] =	vst v15;
	v61 =	vsub.f32 v55, v39;
	v14 =	vmul.f32 $1.442695020e+00, v14;
	v39 =	vpop (erf)  }
0x30a: {  	[tilespmem:s14+$0x112A0] =	vst v13;
	v13 =	vmul.f32 v23, v16;
	(erf) = vpow2.f32 v59;
	v15 =	vadd.f32 v38, v39  }
0x30b: {  	[tilespmem:s14+$0x10AA0] =	vst v47;
	v60 =	vmul.f32 v23, v18;
	v63 =	vmul.f32 $1.442695020e+00, v61;
	v23 =	vpop (erf)  }
0x30c: {  	[tilespmem:s14+$0x116A0] =	vst v13;
	v13 =	vmul.f32 v48, v19;
	(erf) = vpow2.f32 v14;
	v38 =	vpop (erf);
	v15 =	vadd.f32 v15, v23  }
0x30d: {  	[tilespmem:s14+$0x114A0] =	vst v60;
	v62 =	vmul.f32 v48, v51;
	v14 =	vpop (erf)  }
0x30e: {  	[tilespmem:s13+$0x102A0] =	vst v13;
	v13 =	vmul.f32 v48, v22;
	(erf) = vpow2.f32 v63;
	v15 =	vadd.f32 v15, v14  }
0x30f: {  	v47 =	vmul.f32 v48, v21;
	[tilespmem:s13+$0x118A0] =	vst v62;
	v49 =	vpop (erf)  }
0x310: {  	[tilespmem:s13+$0x106A0] =	vst v13;
	v13 =	vmul.f32 v48, v25;
	v15 =	vadd.f32 v15, v49  }
0x311: {  	v51 =	vmul.f32 v48, v20;
	[tilespmem:s13+$0x104A0] =	vst v47;
	v53 =	vpop (erf)  }
0x312: {  	[tilespmem:s13+$0x10AA0] =	vst v13;
	v13 =	vmul.f32 v48, v26;
	v15 =	vadd.f32 v15, v53  }
0x313: {  	v56 =	vmul.f32 v48, v27;
	[tilespmem:s13+$0x108A0] =	vst v51;
	v55 =	vpop (erf)  }
0x314: {  	[tilespmem:s13+$0x10EA0] =	vst v13;
	v13 =	vmul.f32 v48, v28;
	v15 =	vadd.f32 v15, v55  }
0x315: {  	[tilespmem:s13+$0x110A0] =	vst v56;
	v54 =	vmul.f32 v48, v24;
	v57 =	vpop (erf)  }
0x316: {  	[tilespmem:s13+$0x112A0] =	vst v13;
	v13 =	vmul.f32 v48, v41;
	v15 =	vadd.f32 v15, v57  }
0x317: {  	[tilespmem:s13+$0x10CA0] =	vst v54;
	v58 =	vmul.f32 v48, v30;
	v59 =	vpop (erf)  }
0x318: {  	[tilespmem:s13+$0x116A0] =	vst v13;
	v60 =	vmul.f32 v38, v44;
	v15 =	vadd.f32 v15, v59  }
0x319: {  	[tilespmem:s13+$0x114A0] =	vst v58;
	v13 =	vmul.f32 v38, v29  }
0x31a: {  	v61 =	vmul.f32 v38, v32;
	[tilespmem:s15+$0x118A0] =	vst v60;
	(erf) = vrcp.f32 v15  }
0x31b: {  	[tilespmem:s15+$0x102A0] =	vst v13;
	v13 =	vmul.f32 v38, v31  }
0x31c: {  	[tilespmem:s15+$0x104A0] =	vst v61;
	v15 =	vmul.f32 v38, v34  }
0x31d: {  	[tilespmem:s15+$0x106A0] =	vst v13;
	v13 =	vmul.f32 v38, v33  }
0x31e: {  	[tilespmem:s15+$0x108A0] =	vst v15;
	v15 =	vmul.f32 v38, v35  }
0x31f: {  	[tilespmem:s15+$0x10AA0] =	vst v13;
	v13 =	vmul.f32 v38, v50  }
0x320: {  	[tilespmem:s15+$0x10CA0] =	vst v15;
	v15 =	vmul.f32 v38, v45  }
0x321: {  	[tilespmem:s15+$0x10EA0] =	vst v13;
	v13 =	vmul.f32 v38, v37  }
0x322: {  	[tilespmem:s15+$0x110A0] =	vst v15;
	v15 =	vmul.f32 v38, v40  }
0x323: {  	[tilespmem:s15+$0x112A0] =	vst v13;
	v13 =	vmul.f32 v38, v42;
	v62 =	vpop (erf)  }
0x324: {  	[tilespmem:s15+$0x114A0] =	vst v15;
	v15 =	vmul.f32 v62, v59  }
0x325: {  	[tilespmem:s15+$0x116A0] =	vst v13;
	v13 =	vmul.f32 v62, v46  }
0x326: {  	v63 =	vmul.f32 v62, v36;
	[tilespmem:s16+$0x118A0] =	vst v15  }
0x327: {  	[tilespmem:s16+$0x102A0] =	vst v13;
	v13 =	vmul.f32 v62, v43  }
0x328: {  	[tilespmem:s16+$0x104A0] =	vst v63;
	v15 =	vmul.f32 v62, v52  }
0x329: {  	[tilespmem:s16+$0x106A0] =	vst v13;
	v13 =	vmul.f32 v62, v39  }
0x32a: {  	[tilespmem:s16+$0x108A0] =	vst v15;
	v15 =	vmul.f32 v62, v23  }
0x32b: {  	[tilespmem:s16+$0x10AA0] =	vst v13;
	v13 =	vmul.f32 v62, v14  }
0x32c: {  	[tilespmem:s16+$0x10CA0] =	vst v15;
	v14 =	vmul.f32 v62, v49  }
0x32d: {  	[tilespmem:s16+$0x10EA0] =	vst v13;
	v13 =	vmul.f32 v62, v53  }
0x32e: {  	[tilespmem:s16+$0x110A0] =	vst v14;
	v14 =	vmul.f32 v62, v55  }
0x32f: {  	s12 =	sadd.s32 $0x1, s12;
	[tilespmem:s16+$0x112A0] =	vst v13;
	v13 =	vmul.f32 v62, v57  }
0x330: {  	p0 =	sne.s32 s12, s6;
	[tilespmem:s16+$0x114A0] =	vst v14  }
.Ltmp13:
0x331: {  	[tilespmem:s16+$0x116A0] =	vst v13;
	(pc) =	sbr.rel @p0 .LBB2_1-.Ltmp13, $4  }
0x332: {  	[hbm4b:s5+s9] =	stream.strided.scatter [tilespmem:s11], [sflag:$0x1], $0x1800, s10, s9, $0x38;
	[tilespmem:$0x118A0] =	vst v63  }
0x333: {  	_ =	swait.ge [sflag:s8], $0x1800  }
0x334: {  	[sflag:s8] =	ssyncset.done $0x0  }
0x335: {  	[sflag:s8] =	ssyncadd.s32 $0xFFFFE800  }
0x336: {  	_ =	sfence.sel $0x180000  }
0x337: {  	[bflag:$0x0] =	sbarrier.arrive $0xFFFF  }
0x338: {  	p0 =	sne.s32 s2, $0x0;
	_ =	strace $0x90000047  }
0x339: {  	s0 =	sadd.s32 @!p0 $0x100000, s1;
	[bflag:$0x2] =	sbarrier.arrive $0xFFFF  }
0x33a: {  	[sflag:s0] =	ssyncadd.tile.s32 @!p0 $0x1;
	_ =	shalt  }
.Lfunc_end2:
_tile_overlayer_lowered:
.L_overlay_start_2:
0x33b: {  	(tag) =	ssettag $0x2  }
0x33c: {  	s0 =	rddreg [dreg:$0x0];
	s2 =	stileid.u32  }
0x33d: {  	s1 =	rddreg [dreg:$0x1];
	p0 =	sne.s32 s2, $0x0  }
0x33e: {  	s3 =	rddreg [dreg:$0x2];
	[bflag:$0x3] =	sbarrier.arrive $0xFFFF;
	s2 =	simm.s32 @!p0 $0x1C01  }
0x33f: {  	[timem:s3], [sflag:s2] =	dma.local @!p0 [hbm:s0], s1  }
0x340: {  	s0 =	simm.s32 @!p0 $0x1  }
0x341: {  	_ =	swait.ge @!p0 [sflag:s0], s1  }
0x342: {  	s1 =	ssub.s32 @!p0 $0x0, s1;
	[sflag:s0] =	ssyncset.done @!p0 $0x0  }
0x343: {  	[sflag:s0] =	ssyncadd.s32 @!p0 s1  }
0x344: {  	[bflag:$0x3] =	sbarrier.arrive $0xFFFF  }
0x345: {  	_ =	shalt  }

</sc_bundles>
